<compile_context>
chip_gen: v7x
topology: tpu7x:2x2x1
jax: 0.10.2.dev20260603
libtpu: 0.0.44.dev20260713+nightly
codegen_flags: <defaults>
</compile_context>

<pallas_src>
import functools

import jax
import jax.numpy as jnp
from jax import lax
from jax.experimental import pallas as pl
from jax.experimental.pallas import tpu as pltpu
from jax.experimental.pallas import tpu_sc as plsc


def _tok_pos_embed(x4, token_table, pos_table, *, B, L, D, NC, NW):
    seq_per_w = B // NW
    half = L // 2
    mesh = plsc.VectorSubcoreMesh(core_axis_name="c", subcore_axis_name="s")

    @functools.partial(
        pl.kernel,
        mesh=mesh,
        out_type=jax.ShapeDtypeStruct((B, L, D), jnp.float32),
        scratch_types=[
            pltpu.VMEM((4, 2, half), jnp.int32),
            pltpu.VMEM((L, D), jnp.float32),
            pltpu.VMEM((L, D), jnp.float32),
            pltpu.VMEM((L, D), jnp.float32),
            pltpu.VMEM((L, D), jnp.float32),
            pltpu.VMEM((L, D), jnp.float32),
            pltpu.SemaphoreType.DMA,
            pltpu.SemaphoreType.DMA,
            pltpu.SemaphoreType.DMA,
            pltpu.SemaphoreType.DMA,
            pltpu.SemaphoreType.DMA,
            pltpu.SemaphoreType.DMA,
            pltpu.SemaphoreType.DMA,
            pltpu.SemaphoreType.DMA,
            pltpu.SemaphoreType.DMA,
            pltpu.SemaphoreType.DMA,
            pltpu.SemaphoreType.DMA,
            pltpu.SemaphoreType.DMA,
            pltpu.SemaphoreType.DMA,
        ],
    )
    def k(x_hbm, tok_hbm, pos_hbm, out_hbm, idx_v, bf0, bf1, bf2, bf3,
          pos_v, g0, g1, g2, g3, o0, o1, o2, o3, i0, i1, i2, i3, psem):
        wid = lax.axis_index("s") * NC + lax.axis_index("c")
        bufs = (bf0, bf1, bf2, bf3)
        gsems = (g0, g1, g2, g3)
        osems = (o0, o1, o2, o3)
        isems = (i0, i1, i2, i3)

        pos_cp = pltpu.async_copy(pos_hbm, pos_v, psem)

        def start_idx(j, sl):
            pltpu.async_copy(
                x_hbm.at[wid * seq_per_w + j], idx_v.at[sl], isems[sl])

        def wait_idx(sl):
            pltpu.make_async_copy(
                x_hbm.at[0], idx_v.at[0], isems[sl]).wait()

        def start_gather(b, sl):
            pltpu.async_copy(
                tok_hbm.at[idx_v.at[sl, 0]],
                bufs[b].at[pl.ds(0, half)], gsems[b])
            pltpu.async_copy(
                tok_hbm.at[idx_v.at[sl, 1]],
                bufs[b].at[pl.ds(half, half)], gsems[b])

        def wait_gather(b):
            for h in range(2):
                pltpu.make_async_copy(
                    tok_hbm.at[idx_v.at[0, 0]],
                    bufs[b].at[pl.ds(h * half, half)], gsems[b]).wait()

        def wait_out(b):
            pltpu.make_async_copy(bufs[b], out_hbm.at[0], osems[b]).wait()

        start_idx(0, 0)
        start_idx(1, 1)
        start_idx(2, 2)
        wait_idx(0)
        start_gather(0, 0)
        wait_idx(1)
        start_gather(1, 1)
        pos_cp.wait()

        def outer(i, carry):
            for b in range(4):
                j = 4 * i + b

                @pl.when(j + 3 < seq_per_w)
                def _():
                    start_idx(j + 3, (b + 3) % 4)

                @pl.when(j + 2 < seq_per_w)
                def _():
                    @pl.when(j >= 2)
                    def _():
                        wait_out((b + 2) % 4)
                    wait_idx((b + 2) % 4)
                    start_gather((b + 2) % 4, (b + 2) % 4)

                wait_gather(b)

                buf = bufs[b]

                def add_rows(r4, carry2):
                    for dr in range(4):
                        r = 4 * r4 + dr
                        for g in range(D // 16):
                            sl = pl.ds(g * 16, 16)
                            plsc.addupdate(buf.at[r, sl], pos_v[r, sl])
                    return carry2

                lax.fori_loop(0, L // 4, add_rows, 0)
                pltpu.async_copy(
                    buf, out_hbm.at[wid * seq_per_w + j], osems[b])
            return carry

        lax.fori_loop(0, seq_per_w // 4, outer, 0)
        for b in range(4):
            wait_out(b)

    return k(x4, token_table, pos_table)


def kernel(x, token_table, pos_table):
    B, L = x.shape
    V, D = token_table.shape
    info = plsc.get_sparse_core_info()
    NC, NS = info.num_cores, info.num_subcores
    NW = NC * NS
    x4 = x.astype(jnp.int32).reshape(B, 2, L // 2)
    return _tok_pos_embed(
        x4, token_table, pos_table, B=B, L=L, D=D, NC=NC, NW=NW)

# --- scband reference (transcript-rebuilt; emitter-appended) ---
"""Pipeline reference for scband-token-and-position-embedding-85469849191016 (READ-ONLY COPY).

The authoritative reference and input builder live on the scoring server;
editing this copy changes nothing except your own understanding.
"""

import jax, jax.numpy as jnp
import numpy as np

MAXLEN = 200
VOCAB = 100000
EMBED = 128
BATCH = 4096

def setup_inputs(seed: int = 0) -> dict:
    key = jax.random.key(seed)
    k1, k2, k3 = jax.random.split(key, 3)
    x = jax.random.randint(k1, (BATCH, MAXLEN), 0, VOCAB, dtype=jnp.int64 if jax.config.jax_enable_x64 else jnp.int32)
    token_table = jax.random.normal(k2, (VOCAB, EMBED), dtype=jnp.float32) * 0.05
    pos_table = jax.random.normal(k3, (MAXLEN, EMBED), dtype=jnp.float32) * 0.05
    return {"x": x, "token_table": token_table, "pos_table": pos_table}

def reference(x, token_table, pos_table):
    maxlen = x.shape[-1]
    positions = jnp.arange(0, maxlen)
    pos = jnp.take(pos_table, positions, axis=0)  # [maxlen, embed]
    tok = jnp.take(token_table, x, axis=0)        # [B, maxlen, embed]
    return tok + pos

if __name__ == "__main__":
    import jax
    _d = setup_inputs()
    print(jax.jit(kernel)(*tuple(_d.values())))

</pallas_src>

<mosaic_0001>
#map = affine_map<(d0, d1) -> (0, 0, 0)>
#map1 = affine_map<(d0, d1) -> (0, 0)>
module attributes {stable_mosaic.version = 14 : i64} {
  func.func @k(%arg0: i32, %arg1: i32, %arg2: memref<4096x2x100xi32, #tpu.memory_space<hbm>>, %arg3: memref<100000x128xf32, #tpu.memory_space<hbm>>, %arg4: memref<200x128xf32, #tpu.memory_space<hbm>>, %arg5: memref<4096x200x128xf32, #tpu.memory_space<hbm>>, %arg6: memref<4x2x100xi32, #tpu.memory_space<vmem>>, %arg7: memref<200x128xf32, #tpu.memory_space<vmem>>, %arg8: memref<200x128xf32, #tpu.memory_space<vmem>>, %arg9: memref<200x128xf32, #tpu.memory_space<vmem>>, %arg10: memref<200x128xf32, #tpu.memory_space<vmem>>, %arg11: memref<200x128xf32, #tpu.memory_space<vmem>>, %arg12: memref<!tpu.dma_semaphore, #tpu.memory_space<semaphore_mem>>, %arg13: memref<!tpu.dma_semaphore, #tpu.memory_space<semaphore_mem>>, %arg14: memref<!tpu.dma_semaphore, #tpu.memory_space<semaphore_mem>>, %arg15: memref<!tpu.dma_semaphore, #tpu.memory_space<semaphore_mem>>, %arg16: memref<!tpu.dma_semaphore, #tpu.memory_space<semaphore_mem>>, %arg17: memref<!tpu.dma_semaphore, #tpu.memory_space<semaphore_mem>>, %arg18: memref<!tpu.dma_semaphore, #tpu.memory_space<semaphore_mem>>, %arg19: memref<!tpu.dma_semaphore, #tpu.memory_space<semaphore_mem>>, %arg20: memref<!tpu.dma_semaphore, #tpu.memory_space<semaphore_mem>>, %arg21: memref<!tpu.dma_semaphore, #tpu.memory_space<semaphore_mem>>, %arg22: memref<!tpu.dma_semaphore, #tpu.memory_space<semaphore_mem>>, %arg23: memref<!tpu.dma_semaphore, #tpu.memory_space<semaphore_mem>>, %arg24: memref<!tpu.dma_semaphore, #tpu.memory_space<semaphore_mem>>) attributes {dimension_semantics = [#tpu.dimension_semantics<core_parallel>, #tpu.dimension_semantics<subcore_parallel>], iteration_bounds = array<i64: 2, 16>, scalar_prefetch = 0 : i64, scratch_operands = 19 : i64, tpu.core_type = #tpu.core_type<sc_vector_subcore>, window_params = [{transform_indices = #map}, {transform_indices = #map1}, {transform_indices = #map1}, {transform_indices = #map}]} {
    %mul3A = arith.constant 2 : i32
    %mul3A_0 = arith.muli %arg1, %mul3A : i32
    %add3A = arith.addi %mul3A_0, %arg0 : i32
    tpu.enqueue_dma source(%arg4 : memref<200x128xf32, #tpu.memory_space<hbm>>) target(%arg11 : memref<200x128xf32, #tpu.memory_space<vmem>>) target_semaphore(%arg24 : memref<!tpu.dma_semaphore, #tpu.memory_space<semaphore_mem>>)
    %mul3A_1 = arith.constant 128 : i32
    %mul3A_2 = arith.muli %add3A, %mul3A_1 : i32
    %add3A_3 = arith.constant 0 : i32
    %add3A_4 = arith.addi %mul3A_2, %add3A_3 : i32
    %dma_start3A = arith.constant 0 : i32
    %dma_start3A_5 = arith.constant 0 : i32
    %dma_start3A_6 = arith.constant 0 : i32
    %dma_start3A_7 = tpu.memref_slice %arg6[%dma_start3A, %dma_start3A_5, %dma_start3A_6] : memref<4x2x100xi32, #tpu.memory_space<vmem>> -> memref<1x2x100xi32, #tpu.memory_space<vmem>>
    %dma_start3A_8 = tpu.memref_squeeze %dma_start3A_7 : memref<1x2x100xi32, #tpu.memory_space<vmem>> -> memref<2x100xi32, #tpu.memory_space<vmem>>
    %dma_start3A_9 = arith.constant 0 : i32
    %dma_start3A_10 = arith.constant 0 : i32
    %dma_start3A_11 = tpu.memref_slice %arg2[%add3A_4, %dma_start3A_9, %dma_start3A_10] : memref<4096x2x100xi32, #tpu.memory_space<hbm>> -> memref<1x2x100xi32, #tpu.memory_space<hbm>>
    %dma_start3A_12 = tpu.memref_squeeze %dma_start3A_11 : memref<1x2x100xi32, #tpu.memory_space<hbm>> -> memref<2x100xi32, #tpu.memory_space<hbm>>
    %dma_start3A_13 = arith.constant 0 : i32
    %dma_start3A_14 = arith.constant 0 : i32
    %dma_start3A_15 = tpu.memref_slice %arg6[%dma_start3A, %dma_start3A_13, %dma_start3A_14] : memref<4x2x100xi32, #tpu.memory_space<vmem>> -> memref<1x2x100xi32, #tpu.memory_space<vmem>>
    %dma_start3A_16 = tpu.memref_squeeze %dma_start3A_15 : memref<1x2x100xi32, #tpu.memory_space<vmem>> -> memref<2x100xi32, #tpu.memory_space<vmem>>
    %dma_start3A_17 = arith.constant 0 : i32
    %dma_start3A_18 = arith.constant 0 : i32
    %dma_start3A_19 = tpu.memref_slice %arg2[%add3A_4, %dma_start3A_17, %dma_start3A_18] : memref<4096x2x100xi32, #tpu.memory_space<hbm>> -> memref<1x2x100xi32, #tpu.memory_space<hbm>>
    %dma_start3A_20 = tpu.memref_squeeze %dma_start3A_19 : memref<1x2x100xi32, #tpu.memory_space<hbm>> -> memref<2x100xi32, #tpu.memory_space<hbm>>
    tpu.enqueue_dma source(%dma_start3A_20 : memref<2x100xi32, #tpu.memory_space<hbm>>) target(%dma_start3A_16 : memref<2x100xi32, #tpu.memory_space<vmem>>) target_semaphore(%arg20 : memref<!tpu.dma_semaphore, #tpu.memory_space<semaphore_mem>>)
    %mul3A_21 = arith.constant 128 : i32
    %mul3A_22 = arith.muli %add3A, %mul3A_21 : i32
    %add3A_23 = arith.constant 1 : i32
    %add3A_24 = arith.addi %mul3A_22, %add3A_23 : i32
    %dma_start3A_25 = arith.constant 1 : i32
    %dma_start3A_26 = arith.constant 0 : i32
    %dma_start3A_27 = arith.constant 0 : i32
    %dma_start3A_28 = tpu.memref_slice %arg6[%dma_start3A_25, %dma_start3A_26, %dma_start3A_27] : memref<4x2x100xi32, #tpu.memory_space<vmem>> -> memref<1x2x100xi32, #tpu.memory_space<vmem>>
    %dma_start3A_29 = tpu.memref_squeeze %dma_start3A_28 : memref<1x2x100xi32, #tpu.memory_space<vmem>> -> memref<2x100xi32, #tpu.memory_space<vmem>>
    %dma_start3A_30 = arith.constant 0 : i32
    %dma_start3A_31 = arith.constant 0 : i32
    %dma_start3A_32 = tpu.memref_slice %arg2[%add3A_24, %dma_start3A_30, %dma_start3A_31] : memref<4096x2x100xi32, #tpu.memory_space<hbm>> -> memref<1x2x100xi32, #tpu.memory_space<hbm>>
    %dma_start3A_33 = tpu.memref_squeeze %dma_start3A_32 : memref<1x2x100xi32, #tpu.memory_space<hbm>> -> memref<2x100xi32, #tpu.memory_space<hbm>>
    %dma_start3A_34 = arith.constant 0 : i32
    %dma_start3A_35 = arith.constant 0 : i32
    %dma_start3A_36 = tpu.memref_slice %arg6[%dma_start3A_25, %dma_start3A_34, %dma_start3A_35] : memref<4x2x100xi32, #tpu.memory_space<vmem>> -> memref<1x2x100xi32, #tpu.memory_space<vmem>>
    %dma_start3A_37 = tpu.memref_squeeze %dma_start3A_36 : memref<1x2x100xi32, #tpu.memory_space<vmem>> -> memref<2x100xi32, #tpu.memory_space<vmem>>
    %dma_start3A_38 = arith.constant 0 : i32
    %dma_start3A_39 = arith.constant 0 : i32
    %dma_start3A_40 = tpu.memref_slice %arg2[%add3A_24, %dma_start3A_38, %dma_start3A_39] : memref<4096x2x100xi32, #tpu.memory_space<hbm>> -> memref<1x2x100xi32, #tpu.memory_space<hbm>>
    %dma_start3A_41 = tpu.memref_squeeze %dma_start3A_40 : memref<1x2x100xi32, #tpu.memory_space<hbm>> -> memref<2x100xi32, #tpu.memory_space<hbm>>
    tpu.enqueue_dma source(%dma_start3A_41 : memref<2x100xi32, #tpu.memory_space<hbm>>) target(%dma_start3A_37 : memref<2x100xi32, #tpu.memory_space<vmem>>) target_semaphore(%arg21 : memref<!tpu.dma_semaphore, #tpu.memory_space<semaphore_mem>>)
    %mul3A_42 = arith.constant 128 : i32
    %mul3A_43 = arith.muli %add3A, %mul3A_42 : i32
    %add3A_44 = arith.constant 2 : i32
    %add3A_45 = arith.addi %mul3A_43, %add3A_44 : i32
    %dma_start3A_46 = arith.constant 2 : i32
    %dma_start3A_47 = arith.constant 0 : i32
    %dma_start3A_48 = arith.constant 0 : i32
    %dma_start3A_49 = tpu.memref_slice %arg6[%dma_start3A_46, %dma_start3A_47, %dma_start3A_48] : memref<4x2x100xi32, #tpu.memory_space<vmem>> -> memref<1x2x100xi32, #tpu.memory_space<vmem>>
    %dma_start3A_50 = tpu.memref_squeeze %dma_start3A_49 : memref<1x2x100xi32, #tpu.memory_space<vmem>> -> memref<2x100xi32, #tpu.memory_space<vmem>>
    %dma_start3A_51 = arith.constant 0 : i32
    %dma_start3A_52 = arith.constant 0 : i32
    %dma_start3A_53 = tpu.memref_slice %arg2[%add3A_45, %dma_start3A_51, %dma_start3A_52] : memref<4096x2x100xi32, #tpu.memory_space<hbm>> -> memref<1x2x100xi32, #tpu.memory_space<hbm>>
    %dma_start3A_54 = tpu.memref_squeeze %dma_start3A_53 : memref<1x2x100xi32, #tpu.memory_space<hbm>> -> memref<2x100xi32, #tpu.memory_space<hbm>>
    %dma_start3A_55 = arith.constant 0 : i32
    %dma_start3A_56 = arith.constant 0 : i32
    %dma_start3A_57 = tpu.memref_slice %arg6[%dma_start3A_46, %dma_start3A_55, %dma_start3A_56] : memref<4x2x100xi32, #tpu.memory_space<vmem>> -> memref<1x2x100xi32, #tpu.memory_space<vmem>>
    %dma_start3A_58 = tpu.memref_squeeze %dma_start3A_57 : memref<1x2x100xi32, #tpu.memory_space<vmem>> -> memref<2x100xi32, #tpu.memory_space<vmem>>
    %dma_start3A_59 = arith.constant 0 : i32
    %dma_start3A_60 = arith.constant 0 : i32
    %dma_start3A_61 = tpu.memref_slice %arg2[%add3A_45, %dma_start3A_59, %dma_start3A_60] : memref<4096x2x100xi32, #tpu.memory_space<hbm>> -> memref<1x2x100xi32, #tpu.memory_space<hbm>>
    %dma_start3A_62 = tpu.memref_squeeze %dma_start3A_61 : memref<1x2x100xi32, #tpu.memory_space<hbm>> -> memref<2x100xi32, #tpu.memory_space<hbm>>
    tpu.enqueue_dma source(%dma_start3A_62 : memref<2x100xi32, #tpu.memory_space<hbm>>) target(%dma_start3A_58 : memref<2x100xi32, #tpu.memory_space<vmem>>) target_semaphore(%arg22 : memref<!tpu.dma_semaphore, #tpu.memory_space<semaphore_mem>>)
    %dma_wait3A = arith.constant 0 : i32
    %dma_wait3A_63 = arith.constant 0 : i32
    %dma_wait3A_64 = arith.constant 0 : i32
    %dma_wait3A_65 = arith.constant 0 : i32
    %dma_wait3A_66 = tpu.memref_slice %arg6[%dma_wait3A_63, %dma_wait3A_64, %dma_wait3A_65] : memref<4x2x100xi32, #tpu.memory_space<vmem>> -> memref<1x2x100xi32, #tpu.memory_space<vmem>>
    %dma_wait3A_67 = tpu.memref_squeeze %dma_wait3A_66 : memref<1x2x100xi32, #tpu.memory_space<vmem>> -> memref<2x100xi32, #tpu.memory_space<vmem>>
    %dma_wait3A_68 = arith.constant 0 : i32
    %dma_wait3A_69 = arith.constant 0 : i32
    %dma_wait3A_70 = tpu.memref_slice %arg2[%dma_wait3A, %dma_wait3A_68, %dma_wait3A_69] : memref<4096x2x100xi32, #tpu.memory_space<hbm>> -> memref<1x2x100xi32, #tpu.memory_space<hbm>>
    %dma_wait3A_71 = tpu.memref_squeeze %dma_wait3A_70 : memref<1x2x100xi32, #tpu.memory_space<hbm>> -> memref<2x100xi32, #tpu.memory_space<hbm>>
    %dma_wait3A_72 = arith.constant 0 : i32
    %dma_wait3A_73 = arith.constant 0 : i32
    %dma_wait3A_74 = tpu.memref_slice %arg6[%dma_wait3A_63, %dma_wait3A_72, %dma_wait3A_73] : memref<4x2x100xi32, #tpu.memory_space<vmem>> -> memref<1x2x100xi32, #tpu.memory_space<vmem>>
    %dma_wait3A_75 = tpu.memref_squeeze %dma_wait3A_74 : memref<1x2x100xi32, #tpu.memory_space<vmem>> -> memref<2x100xi32, #tpu.memory_space<vmem>>
    %dma_wait3A_76 = arith.constant 0 : i32
    %dma_wait3A_77 = arith.constant 0 : i32
    %dma_wait3A_78 = tpu.memref_slice %arg2[%dma_wait3A, %dma_wait3A_76, %dma_wait3A_77] : memref<4096x2x100xi32, #tpu.memory_space<hbm>> -> memref<1x2x100xi32, #tpu.memory_space<hbm>>
    %dma_wait3A_79 = tpu.memref_squeeze %dma_wait3A_78 : memref<1x2x100xi32, #tpu.memory_space<hbm>> -> memref<2x100xi32, #tpu.memory_space<hbm>>
    tpu.wait_dma2 semaphore(%arg20 : memref<!tpu.dma_semaphore, #tpu.memory_space<semaphore_mem>>) src(%dma_wait3A_79 : memref<2x100xi32, #tpu.memory_space<hbm>>) dst(%dma_wait3A_75 : memref<2x100xi32, #tpu.memory_space<vmem>>)
    %dma_start3A_80 = arith.constant 0 : i32
    %dma_start3A_81 = arith.constant 0 : i32
    %dma_start3A_82 = arith.constant 0 : i32
    %dma_start3A_83 = arith.constant 0 : i32
    %dma_start3A_84 = tpu.memref_slice %arg7[%dma_start3A_82, %dma_start3A_83] : memref<200x128xf32, #tpu.memory_space<vmem>> -> memref<100x128xf32, #tpu.memory_space<vmem>>
    %dma_start3A_85 = arith.constant 0 : i32
    %dma_start3A_86 = tpu.memref_slice %arg6[%dma_start3A_80, %dma_start3A_81, %dma_start3A_85] : memref<4x2x100xi32, #tpu.memory_space<vmem>> -> memref<1x1x100xi32, #tpu.memory_space<vmem>>
    %dma_start3A_87 = tpu.memref_squeeze %dma_start3A_86 : memref<1x1x100xi32, #tpu.memory_space<vmem>> -> memref<100xi32, #tpu.memory_space<vmem>>
    %dma_start3A_88 = arith.constant 0 : i32
    %dma_start3A_89 = arith.constant 0 : i32
    %dma_start3A_90 = tpu.memref_slice %arg3[%dma_start3A_88, %dma_start3A_89] : memref<100000x128xf32, #tpu.memory_space<hbm>> -> memref<100000x128xf32, #tpu.memory_space<hbm>>
    tpu.enqueue_indirect_dma source(%dma_start3A_90 : memref<100000x128xf32, #tpu.memory_space<hbm>>) target(%dma_start3A_84 : memref<100x128xf32, #tpu.memory_space<vmem>>) offsets(%dma_start3A_87 : memref<100xi32, #tpu.memory_space<vmem>>) semaphore(%arg12 : memref<!tpu.dma_semaphore, #tpu.memory_space<semaphore_mem>>)
    %dma_start3A_91 = arith.constant 0 : i32
    %dma_start3A_92 = arith.constant 1 : i32
    %dma_start3A_93 = arith.constant 100 : i32
    %dma_start3A_94 = arith.constant 0 : i32
    %dma_start3A_95 = tpu.memref_slice %arg7[%dma_start3A_93, %dma_start3A_94] : memref<200x128xf32, #tpu.memory_space<vmem>> -> memref<100x128xf32, #tpu.memory_space<vmem>>
    %dma_start3A_96 = arith.constant 0 : i32
    %dma_start3A_97 = tpu.memref_slice %arg6[%dma_start3A_91, %dma_start3A_92, %dma_start3A_96] : memref<4x2x100xi32, #tpu.memory_space<vmem>> -> memref<1x1x100xi32, #tpu.memory_space<vmem>>
    %dma_start3A_98 = tpu.memref_squeeze %dma_start3A_97 : memref<1x1x100xi32, #tpu.memory_space<vmem>> -> memref<100xi32, #tpu.memory_space<vmem>>
    %dma_start3A_99 = arith.constant 0 : i32
    %dma_start3A_100 = arith.constant 0 : i32
    %dma_start3A_101 = tpu.memref_slice %arg3[%dma_start3A_99, %dma_start3A_100] : memref<100000x128xf32, #tpu.memory_space<hbm>> -> memref<100000x128xf32, #tpu.memory_space<hbm>>
    tpu.enqueue_indirect_dma source(%dma_start3A_101 : memref<100000x128xf32, #tpu.memory_space<hbm>>) target(%dma_start3A_95 : memref<100x128xf32, #tpu.memory_space<vmem>>) offsets(%dma_start3A_98 : memref<100xi32, #tpu.memory_space<vmem>>) semaphore(%arg12 : memref<!tpu.dma_semaphore, #tpu.memory_space<semaphore_mem>>)
    %dma_wait3A_102 = arith.constant 0 : i32
    %dma_wait3A_103 = arith.constant 0 : i32
    %dma_wait3A_104 = arith.constant 0 : i32
    %dma_wait3A_105 = arith.constant 0 : i32
    %dma_wait3A_106 = tpu.memref_slice %arg6[%dma_wait3A_103, %dma_wait3A_104, %dma_wait3A_105] : memref<4x2x100xi32, #tpu.memory_space<vmem>> -> memref<1x2x100xi32, #tpu.memory_space<vmem>>
    %dma_wait3A_107 = tpu.memref_squeeze %dma_wait3A_106 : memref<1x2x100xi32, #tpu.memory_space<vmem>> -> memref<2x100xi32, #tpu.memory_space<vmem>>
    %dma_wait3A_108 = arith.constant 0 : i32
    %dma_wait3A_109 = arith.constant 0 : i32
    %dma_wait3A_110 = tpu.memref_slice %arg2[%dma_wait3A_102, %dma_wait3A_108, %dma_wait3A_109] : memref<4096x2x100xi32, #tpu.memory_space<hbm>> -> memref<1x2x100xi32, #tpu.memory_space<hbm>>
    %dma_wait3A_111 = tpu.memref_squeeze %dma_wait3A_110 : memref<1x2x100xi32, #tpu.memory_space<hbm>> -> memref<2x100xi32, #tpu.memory_space<hbm>>
    %dma_wait3A_112 = arith.constant 0 : i32
    %dma_wait3A_113 = arith.constant 0 : i32
    %dma_wait3A_114 = tpu.memref_slice %arg6[%dma_wait3A_103, %dma_wait3A_112, %dma_wait3A_113] : memref<4x2x100xi32, #tpu.memory_space<vmem>> -> memref<1x2x100xi32, #tpu.memory_space<vmem>>
    %dma_wait3A_115 = tpu.memref_squeeze %dma_wait3A_114 : memref<1x2x100xi32, #tpu.memory_space<vmem>> -> memref<2x100xi32, #tpu.memory_space<vmem>>
    %dma_wait3A_116 = arith.constant 0 : i32
    %dma_wait3A_117 = arith.constant 0 : i32
    %dma_wait3A_118 = tpu.memref_slice %arg2[%dma_wait3A_102, %dma_wait3A_116, %dma_wait3A_117] : memref<4096x2x100xi32, #tpu.memory_space<hbm>> -> memref<1x2x100xi32, #tpu.memory_space<hbm>>
    %dma_wait3A_119 = tpu.memref_squeeze %dma_wait3A_118 : memref<1x2x100xi32, #tpu.memory_space<hbm>> -> memref<2x100xi32, #tpu.memory_space<hbm>>
    tpu.wait_dma2 semaphore(%arg21 : memref<!tpu.dma_semaphore, #tpu.memory_space<semaphore_mem>>) src(%dma_wait3A_119 : memref<2x100xi32, #tpu.memory_space<hbm>>) dst(%dma_wait3A_115 : memref<2x100xi32, #tpu.memory_space<vmem>>)
    %dma_start3A_120 = arith.constant 1 : i32
    %dma_start3A_121 = arith.constant 0 : i32
    %dma_start3A_122 = arith.constant 0 : i32
    %dma_start3A_123 = arith.constant 0 : i32
    %dma_start3A_124 = tpu.memref_slice %arg8[%dma_start3A_122, %dma_start3A_123] : memref<200x128xf32, #tpu.memory_space<vmem>> -> memref<100x128xf32, #tpu.memory_space<vmem>>
    %dma_start3A_125 = arith.constant 0 : i32
    %dma_start3A_126 = tpu.memref_slice %arg6[%dma_start3A_120, %dma_start3A_121, %dma_start3A_125] : memref<4x2x100xi32, #tpu.memory_space<vmem>> -> memref<1x1x100xi32, #tpu.memory_space<vmem>>
    %dma_start3A_127 = tpu.memref_squeeze %dma_start3A_126 : memref<1x1x100xi32, #tpu.memory_space<vmem>> -> memref<100xi32, #tpu.memory_space<vmem>>
    %dma_start3A_128 = arith.constant 0 : i32
    %dma_start3A_129 = arith.constant 0 : i32
    %dma_start3A_130 = tpu.memref_slice %arg3[%dma_start3A_128, %dma_start3A_129] : memref<100000x128xf32, #tpu.memory_space<hbm>> -> memref<100000x128xf32, #tpu.memory_space<hbm>>
    tpu.enqueue_indirect_dma source(%dma_start3A_130 : memref<100000x128xf32, #tpu.memory_space<hbm>>) target(%dma_start3A_124 : memref<100x128xf32, #tpu.memory_space<vmem>>) offsets(%dma_start3A_127 : memref<100xi32, #tpu.memory_space<vmem>>) semaphore(%arg13 : memref<!tpu.dma_semaphore, #tpu.memory_space<semaphore_mem>>)
    %dma_start3A_131 = arith.constant 1 : i32
    %dma_start3A_132 = arith.constant 1 : i32
    %dma_start3A_133 = arith.constant 100 : i32
    %dma_start3A_134 = arith.constant 0 : i32
    %dma_start3A_135 = tpu.memref_slice %arg8[%dma_start3A_133, %dma_start3A_134] : memref<200x128xf32, #tpu.memory_space<vmem>> -> memref<100x128xf32, #tpu.memory_space<vmem>>
    %dma_start3A_136 = arith.constant 0 : i32
    %dma_start3A_137 = tpu.memref_slice %arg6[%dma_start3A_131, %dma_start3A_132, %dma_start3A_136] : memref<4x2x100xi32, #tpu.memory_space<vmem>> -> memref<1x1x100xi32, #tpu.memory_space<vmem>>
    %dma_start3A_138 = tpu.memref_squeeze %dma_start3A_137 : memref<1x1x100xi32, #tpu.memory_space<vmem>> -> memref<100xi32, #tpu.memory_space<vmem>>
    %dma_start3A_139 = arith.constant 0 : i32
    %dma_start3A_140 = arith.constant 0 : i32
    %dma_start3A_141 = tpu.memref_slice %arg3[%dma_start3A_139, %dma_start3A_140] : memref<100000x128xf32, #tpu.memory_space<hbm>> -> memref<100000x128xf32, #tpu.memory_space<hbm>>
    tpu.enqueue_indirect_dma source(%dma_start3A_141 : memref<100000x128xf32, #tpu.memory_space<hbm>>) target(%dma_start3A_135 : memref<100x128xf32, #tpu.memory_space<vmem>>) offsets(%dma_start3A_138 : memref<100xi32, #tpu.memory_space<vmem>>) semaphore(%arg13 : memref<!tpu.dma_semaphore, #tpu.memory_space<semaphore_mem>>)
    tpu.wait_dma2 semaphore(%arg24 : memref<!tpu.dma_semaphore, #tpu.memory_space<semaphore_mem>>) src(%arg4 : memref<200x128xf32, #tpu.memory_space<hbm>>) dst(%arg11 : memref<200x128xf32, #tpu.memory_space<vmem>>)
    %scan3A = arith.constant 0 : i32
    %scan3A_142 = arith.constant 0 : i32
    %scan3A_143 = arith.constant 32 : i32
    %scan3A_144 = arith.addi %scan3A_142, %scan3A_143 : i32
    %scan3A_145 = arith.constant 1 : i32
    scf.for %scan3A_183 = %scan3A_142 to %scan3A_144 step %scan3A_145  : i32 {
      %mul3A_184 = arith.constant 4 : i32
      %mul3A_185 = arith.muli %mul3A_184, %scan3A_183 : i32
      %add3A_186 = arith.constant 0 : i32
      %add3A_187 = arith.addi %mul3A_185, %add3A_186 : i32
      %add3A_188 = arith.constant 3 : i32
      %add3A_189 = arith.addi %add3A_187, %add3A_188 : i32
      %lt3A = arith.constant 128 : i32
      %lt3A_190 = arith.cmpi slt, %add3A_189, %lt3A : i32
      %convert_element_type3A = arith.extui %lt3A_190 : i1 to i32
      %cond3A = arith.constant 0 : i32
      %cond3A_191 = arith.cmpi ne, %convert_element_type3A, %cond3A : i32
      scf.if %cond3A_191 {
        %add3A_409 = arith.constant 3 : i32
        %add3A_410 = arith.addi %add3A_187, %add3A_409 : i32
        %mul3A_411 = arith.constant 128 : i32
        %mul3A_412 = arith.muli %add3A, %mul3A_411 : i32
        %add3A_413 = arith.addi %mul3A_412, %add3A_410 : i32
        %dma_start3A_414 = arith.constant 3 : i32
        %dma_start3A_415 = arith.constant 0 : i32
        %dma_start3A_416 = arith.constant 0 : i32
        %dma_start3A_417 = tpu.memref_slice %arg6[%dma_start3A_414, %dma_start3A_415, %dma_start3A_416] : memref<4x2x100xi32, #tpu.memory_space<vmem>> -> memref<1x2x100xi32, #tpu.memory_space<vmem>>
        %dma_start3A_418 = tpu.memref_squeeze %dma_start3A_417 : memref<1x2x100xi32, #tpu.memory_space<vmem>> -> memref<2x100xi32, #tpu.memory_space<vmem>>
        %dma_start3A_419 = arith.constant 0 : i32
        %dma_start3A_420 = arith.constant 0 : i32
        %dma_start3A_421 = tpu.memref_slice %arg2[%add3A_413, %dma_start3A_419, %dma_start3A_420] : memref<4096x2x100xi32, #tpu.memory_space<hbm>> -> memref<1x2x100xi32, #tpu.memory_space<hbm>>
        %dma_start3A_422 = tpu.memref_squeeze %dma_start3A_421 : memref<1x2x100xi32, #tpu.memory_space<hbm>> -> memref<2x100xi32, #tpu.memory_space<hbm>>
        %dma_start3A_423 = arith.constant 0 : i32
        %dma_start3A_424 = arith.constant 0 : i32
        %dma_start3A_425 = tpu.memref_slice %arg6[%dma_start3A_414, %dma_start3A_423, %dma_start3A_424] : memref<4x2x100xi32, #tpu.memory_space<vmem>> -> memref<1x2x100xi32, #tpu.memory_space<vmem>>
        %dma_start3A_426 = tpu.memref_squeeze %dma_start3A_425 : memref<1x2x100xi32, #tpu.memory_space<vmem>> -> memref<2x100xi32, #tpu.memory_space<vmem>>
        %dma_start3A_427 = arith.constant 0 : i32
        %dma_start3A_428 = arith.constant 0 : i32
        %dma_start3A_429 = tpu.memref_slice %arg2[%add3A_413, %dma_start3A_427, %dma_start3A_428] : memref<4096x2x100xi32, #tpu.memory_space<hbm>> -> memref<1x2x100xi32, #tpu.memory_space<hbm>>
        %dma_start3A_430 = tpu.memref_squeeze %dma_start3A_429 : memref<1x2x100xi32, #tpu.memory_space<hbm>> -> memref<2x100xi32, #tpu.memory_space<hbm>>
        tpu.enqueue_dma source(%dma_start3A_430 : memref<2x100xi32, #tpu.memory_space<hbm>>) target(%dma_start3A_426 : memref<2x100xi32, #tpu.memory_space<vmem>>) target_semaphore(%arg23 : memref<!tpu.dma_semaphore, #tpu.memory_space<semaphore_mem>>)
      } else {
      }
      %add3A_192 = arith.constant 2 : i32
      %add3A_193 = arith.addi %add3A_187, %add3A_192 : i32
      %lt3A_194 = arith.constant 128 : i32
      %lt3A_195 = arith.cmpi slt, %add3A_193, %lt3A_194 : i32
      %convert_element_type3A_196 = arith.extui %lt3A_195 : i1 to i32
      %cond3A_197 = arith.constant 0 : i32
      %cond3A_198 = arith.cmpi ne, %convert_element_type3A_196, %cond3A_197 : i32
      scf.if %cond3A_198 {
        %ge3A = arith.constant 2 : i32
        %ge3A_409 = arith.cmpi sge, %add3A_187, %ge3A : i32
        %convert_element_type3A_410 = arith.extui %ge3A_409 : i1 to i32
        %cond3A_411 = arith.constant 0 : i32
        %cond3A_412 = arith.cmpi ne, %convert_element_type3A_410, %cond3A_411 : i32
        scf.if %cond3A_412 {
          %dma_wait3A_453 = arith.constant 0 : i32
          %dma_wait3A_454 = arith.constant 0 : i32
          %dma_wait3A_455 = arith.constant 0 : i32
          %dma_wait3A_456 = tpu.memref_slice %arg5[%dma_wait3A_453, %dma_wait3A_454, %dma_wait3A_455] : memref<4096x200x128xf32, #tpu.memory_space<hbm>> -> memref<1x200x128xf32, #tpu.memory_space<hbm>>
          %dma_wait3A_457 = tpu.memref_squeeze %dma_wait3A_456 : memref<1x200x128xf32, #tpu.memory_space<hbm>> -> memref<200x128xf32, #tpu.memory_space<hbm>>
          %dma_wait3A_458 = arith.constant 0 : i32
          %dma_wait3A_459 = arith.constant 0 : i32
          %dma_wait3A_460 = tpu.memref_slice %arg5[%dma_wait3A_453, %dma_wait3A_458, %dma_wait3A_459] : memref<4096x200x128xf32, #tpu.memory_space<hbm>> -> memref<1x200x128xf32, #tpu.memory_space<hbm>>
          %dma_wait3A_461 = tpu.memref_squeeze %dma_wait3A_460 : memref<1x200x128xf32, #tpu.memory_space<hbm>> -> memref<200x128xf32, #tpu.memory_space<hbm>>
          tpu.wait_dma2 semaphore(%arg18 : memref<!tpu.dma_semaphore, #tpu.memory_space<semaphore_mem>>) src(%arg9 : memref<200x128xf32, #tpu.memory_space<vmem>>) dst(%dma_wait3A_461 : memref<200x128xf32, #tpu.memory_space<hbm>>)
        } else {
        }
        %dma_wait3A_413 = arith.constant 0 : i32
        %dma_wait3A_414 = arith.constant 0 : i32
        %dma_wait3A_415 = arith.constant 0 : i32
        %dma_wait3A_416 = arith.constant 0 : i32
        %dma_wait3A_417 = tpu.memref_slice %arg6[%dma_wait3A_414, %dma_wait3A_415, %dma_wait3A_416] : memref<4x2x100xi32, #tpu.memory_space<vmem>> -> memref<1x2x100xi32, #tpu.memory_space<vmem>>
        %dma_wait3A_418 = tpu.memref_squeeze %dma_wait3A_417 : memref<1x2x100xi32, #tpu.memory_space<vmem>> -> memref<2x100xi32, #tpu.memory_space<vmem>>
        %dma_wait3A_419 = arith.constant 0 : i32
        %dma_wait3A_420 = arith.constant 0 : i32
        %dma_wait3A_421 = tpu.memref_slice %arg2[%dma_wait3A_413, %dma_wait3A_419, %dma_wait3A_420] : memref<4096x2x100xi32, #tpu.memory_space<hbm>> -> memref<1x2x100xi32, #tpu.memory_space<hbm>>
        %dma_wait3A_422 = tpu.memref_squeeze %dma_wait3A_421 : memref<1x2x100xi32, #tpu.memory_space<hbm>> -> memref<2x100xi32, #tpu.memory_space<hbm>>
        %dma_wait3A_423 = arith.constant 0 : i32
        %dma_wait3A_424 = arith.constant 0 : i32
        %dma_wait3A_425 = tpu.memref_slice %arg6[%dma_wait3A_414, %dma_wait3A_423, %dma_wait3A_424] : memref<4x2x100xi32, #tpu.memory_space<vmem>> -> memref<1x2x100xi32, #tpu.memory_space<vmem>>
        %dma_wait3A_426 = tpu.memref_squeeze %dma_wait3A_425 : memref<1x2x100xi32, #tpu.memory_space<vmem>> -> memref<2x100xi32, #tpu.memory_space<vmem>>
        %dma_wait3A_427 = arith.constant 0 : i32
        %dma_wait3A_428 = arith.constant 0 : i32
        %dma_wait3A_429 = tpu.memref_slice %arg2[%dma_wait3A_413, %dma_wait3A_427, %dma_wait3A_428] : memref<4096x2x100xi32, #tpu.memory_space<hbm>> -> memref<1x2x100xi32, #tpu.memory_space<hbm>>
        %dma_wait3A_430 = tpu.memref_squeeze %dma_wait3A_429 : memref<1x2x100xi32, #tpu.memory_space<hbm>> -> memref<2x100xi32, #tpu.memory_space<hbm>>
        tpu.wait_dma2 semaphore(%arg22 : memref<!tpu.dma_semaphore, #tpu.memory_space<semaphore_mem>>) src(%dma_wait3A_430 : memref<2x100xi32, #tpu.memory_space<hbm>>) dst(%dma_wait3A_426 : memref<2x100xi32, #tpu.memory_space<vmem>>)
        %dma_start3A_431 = arith.constant 2 : i32
        %dma_start3A_432 = arith.constant 0 : i32
        %dma_start3A_433 = arith.constant 0 : i32
        %dma_start3A_434 = arith.constant 0 : i32
        %dma_start3A_435 = tpu.memref_slice %arg9[%dma_start3A_433, %dma_start3A_434] : memref<200x128xf32, #tpu.memory_space<vmem>> -> memref<100x128xf32, #tpu.memory_space<vmem>>
        %dma_start3A_436 = arith.constant 0 : i32
        %dma_start3A_437 = tpu.memref_slice %arg6[%dma_start3A_431, %dma_start3A_432, %dma_start3A_436] : memref<4x2x100xi32, #tpu.memory_space<vmem>> -> memref<1x1x100xi32, #tpu.memory_space<vmem>>
        %dma_start3A_438 = tpu.memref_squeeze %dma_start3A_437 : memref<1x1x100xi32, #tpu.memory_space<vmem>> -> memref<100xi32, #tpu.memory_space<vmem>>
        %dma_start3A_439 = arith.constant 0 : i32
        %dma_start3A_440 = arith.constant 0 : i32
        %dma_start3A_441 = tpu.memref_slice %arg3[%dma_start3A_439, %dma_start3A_440] : memref<100000x128xf32, #tpu.memory_space<hbm>> -> memref<100000x128xf32, #tpu.memory_space<hbm>>
        tpu.enqueue_indirect_dma source(%dma_start3A_441 : memref<100000x128xf32, #tpu.memory_space<hbm>>) target(%dma_start3A_435 : memref<100x128xf32, #tpu.memory_space<vmem>>) offsets(%dma_start3A_438 : memref<100xi32, #tpu.memory_space<vmem>>) semaphore(%arg14 : memref<!tpu.dma_semaphore, #tpu.memory_space<semaphore_mem>>)
        %dma_start3A_442 = arith.constant 2 : i32
        %dma_start3A_443 = arith.constant 1 : i32
        %dma_start3A_444 = arith.constant 100 : i32
        %dma_start3A_445 = arith.constant 0 : i32
        %dma_start3A_446 = tpu.memref_slice %arg9[%dma_start3A_444, %dma_start3A_445] : memref<200x128xf32, #tpu.memory_space<vmem>> -> memref<100x128xf32, #tpu.memory_space<vmem>>
        %dma_start3A_447 = arith.constant 0 : i32
        %dma_start3A_448 = tpu.memref_slice %arg6[%dma_start3A_442, %dma_start3A_443, %dma_start3A_447] : memref<4x2x100xi32, #tpu.memory_space<vmem>> -> memref<1x1x100xi32, #tpu.memory_space<vmem>>
        %dma_start3A_449 = tpu.memref_squeeze %dma_start3A_448 : memref<1x1x100xi32, #tpu.memory_space<vmem>> -> memref<100xi32, #tpu.memory_space<vmem>>
        %dma_start3A_450 = arith.constant 0 : i32
        %dma_start3A_451 = arith.constant 0 : i32
        %dma_start3A_452 = tpu.memref_slice %arg3[%dma_start3A_450, %dma_start3A_451] : memref<100000x128xf32, #tpu.memory_space<hbm>> -> memref<100000x128xf32, #tpu.memory_space<hbm>>
        tpu.enqueue_indirect_dma source(%dma_start3A_452 : memref<100000x128xf32, #tpu.memory_space<hbm>>) target(%dma_start3A_446 : memref<100x128xf32, #tpu.memory_space<vmem>>) offsets(%dma_start3A_449 : memref<100xi32, #tpu.memory_space<vmem>>) semaphore(%arg14 : memref<!tpu.dma_semaphore, #tpu.memory_space<semaphore_mem>>)
      } else {
      }
      %dma_wait3A_199 = arith.constant 0 : i32
      %dma_wait3A_200 = arith.constant 0 : i32
      %dma_wait3A_201 = arith.constant 0 : i32
      %dma_wait3A_202 = arith.constant 0 : i32
      %dma_wait3A_203 = tpu.memref_slice %arg7[%dma_wait3A_201, %dma_wait3A_202] : memref<200x128xf32, #tpu.memory_space<vmem>> -> memref<100x128xf32, #tpu.memory_space<vmem>>
      %dma_wait3A_204 = arith.constant 0 : i32
      %dma_wait3A_205 = tpu.memref_slice %arg6[%dma_wait3A_199, %dma_wait3A_200, %dma_wait3A_204] : memref<4x2x100xi32, #tpu.memory_space<vmem>> -> memref<1x1x100xi32, #tpu.memory_space<vmem>>
      %dma_wait3A_206 = tpu.memref_squeeze %dma_wait3A_205 : memref<1x1x100xi32, #tpu.memory_space<vmem>> -> memref<100xi32, #tpu.memory_space<vmem>>
      %dma_wait3A_207 = arith.constant 0 : i32
      %dma_wait3A_208 = arith.constant 0 : i32
      %dma_wait3A_209 = tpu.memref_slice %arg3[%dma_wait3A_207, %dma_wait3A_208] : memref<100000x128xf32, #tpu.memory_space<hbm>> -> memref<100000x128xf32, #tpu.memory_space<hbm>>
      tpu.wait_indirect_dma semaphore(%arg12 : memref<!tpu.dma_semaphore, #tpu.memory_space<semaphore_mem>>) src(%dma_wait3A_209 : memref<100000x128xf32, #tpu.memory_space<hbm>>) dst(%dma_wait3A_203 : memref<100x128xf32, #tpu.memory_space<vmem>>)
      %dma_wait3A_210 = arith.constant 0 : i32
      %dma_wait3A_211 = arith.constant 0 : i32
      %dma_wait3A_212 = arith.constant 100 : i32
      %dma_wait3A_213 = arith.constant 0 : i32
      %dma_wait3A_214 = tpu.memref_slice %arg7[%dma_wait3A_212, %dma_wait3A_213] : memref<200x128xf32, #tpu.memory_space<vmem>> -> memref<100x128xf32, #tpu.memory_space<vmem>>
      %dma_wait3A_215 = arith.constant 0 : i32
      %dma_wait3A_216 = tpu.memref_slice %arg6[%dma_wait3A_210, %dma_wait3A_211, %dma_wait3A_215] : memref<4x2x100xi32, #tpu.memory_space<vmem>> -> memref<1x1x100xi32, #tpu.memory_space<vmem>>
      %dma_wait3A_217 = tpu.memref_squeeze %dma_wait3A_216 : memref<1x1x100xi32, #tpu.memory_space<vmem>> -> memref<100xi32, #tpu.memory_space<vmem>>
      %dma_wait3A_218 = arith.constant 0 : i32
      %dma_wait3A_219 = arith.constant 0 : i32
      %dma_wait3A_220 = tpu.memref_slice %arg3[%dma_wait3A_218, %dma_wait3A_219] : memref<100000x128xf32, #tpu.memory_space<hbm>> -> memref<100000x128xf32, #tpu.memory_space<hbm>>
      tpu.wait_indirect_dma semaphore(%arg12 : memref<!tpu.dma_semaphore, #tpu.memory_space<semaphore_mem>>) src(%dma_wait3A_220 : memref<100000x128xf32, #tpu.memory_space<hbm>>) dst(%dma_wait3A_214 : memref<100x128xf32, #tpu.memory_space<vmem>>)
      %scan3A_221 = arith.constant 0 : i32
      %scan3A_222 = arith.constant 0 : i32
      %scan3A_223 = arith.constant 50 : i32
      %scan3A_224 = arith.addi %scan3A_222, %scan3A_223 : i32
      %scan3A_225 = arith.constant 1 : i32
      scf.for %scan3A_409 = %scan3A_222 to %scan3A_224 step %scan3A_225  : i32 {
        %mul3A_410 = arith.constant 4 : i32
        %mul3A_411 = arith.muli %mul3A_410, %scan3A_409 : i32
        %add3A_412 = arith.constant 0 : i32
        %add3A_413 = arith.addi %mul3A_411, %add3A_412 : i32
        %get3A = arith.index_cast %add3A_413 : i32 to index
        %get3A_414 = arith.constant 0 : index
        %get3A_415 = tpu.vector_load %arg11[%get3A, %get3A_414] {strides = array<i32>} : memref<200x128xf32, #tpu.memory_space<vmem>>, vector<1x16xf32>,
        %get3A_416 = vector.shape_cast %get3A_415 : vector<1x16xf32> to vector<16xf32>
        %swap3A = arith.index_cast %add3A_413 : i32 to index
        %swap3A_417 = arith.constant 0 : index
        %swap3A_418 = tpu.vector_load %arg7[%swap3A, %swap3A_417] {strides = array<i32>} : memref<200x128xf32, #tpu.memory_space<vmem>>, vector<1x16xf32>,
        %swap3A_419 = vector.shape_cast %swap3A_418 : vector<1x16xf32> to vector<16xf32>
        %swap3A_420 = vector.shape_cast %get3A_416 : vector<16xf32> to vector<1x16xf32>
        tpu.vector_store %arg7[%swap3A, %swap3A_417], %swap3A_420 {add = true, strides = array<i32>} : memref<200x128xf32, #tpu.memory_space<vmem>>, vector<1x16xf32>,
        %get3A_421 = arith.index_cast %add3A_413 : i32 to index
        %get3A_422 = arith.constant 16 : index
        %get3A_423 = tpu.vector_load %arg11[%get3A_421, %get3A_422] {strides = array<i32>} : memref<200x128xf32, #tpu.memory_space<vmem>>, vector<1x16xf32>,
        %get3A_424 = vector.shape_cast %get3A_423 : vector<1x16xf32> to vector<16xf32>
        %swap3A_425 = arith.index_cast %add3A_413 : i32 to index
        %swap3A_426 = arith.constant 16 : index
        %swap3A_427 = tpu.vector_load %arg7[%swap3A_425, %swap3A_426] {strides = array<i32>} : memref<200x128xf32, #tpu.memory_space<vmem>>, vector<1x16xf32>,
        %swap3A_428 = vector.shape_cast %swap3A_427 : vector<1x16xf32> to vector<16xf32>
        %swap3A_429 = vector.shape_cast %get3A_424 : vector<16xf32> to vector<1x16xf32>
        tpu.vector_store %arg7[%swap3A_425, %swap3A_426], %swap3A_429 {add = true, strides = array<i32>} : memref<200x128xf32, #tpu.memory_space<vmem>>, vector<1x16xf32>,
        %get3A_430 = arith.index_cast %add3A_413 : i32 to index
        %get3A_431 = arith.constant 32 : index
        %get3A_432 = tpu.vector_load %arg11[%get3A_430, %get3A_431] {strides = array<i32>} : memref<200x128xf32, #tpu.memory_space<vmem>>, vector<1x16xf32>,
        %get3A_433 = vector.shape_cast %get3A_432 : vector<1x16xf32> to vector<16xf32>
        %swap3A_434 = arith.index_cast %add3A_413 : i32 to index
        %swap3A_435 = arith.constant 32 : index
        %swap3A_436 = tpu.vector_load %arg7[%swap3A_434, %swap3A_435] {strides = array<i32>} : memref<200x128xf32, #tpu.memory_space<vmem>>, vector<1x16xf32>,
        %swap3A_437 = vector.shape_cast %swap3A_436 : vector<1x16xf32> to vector<16xf32>
        %swap3A_438 = vector.shape_cast %get3A_433 : vector<16xf32> to vector<1x16xf32>
        tpu.vector_store %arg7[%swap3A_434, %swap3A_435], %swap3A_438 {add = true, strides = array<i32>} : memref<200x128xf32, #tpu.memory_space<vmem>>, vector<1x16xf32>,
        %get3A_439 = arith.index_cast %add3A_413 : i32 to index
        %get3A_440 = arith.constant 48 : index
        %get3A_441 = tpu.vector_load %arg11[%get3A_439, %get3A_440] {strides = array<i32>} : memref<200x128xf32, #tpu.memory_space<vmem>>, vector<1x16xf32>,
        %get3A_442 = vector.shape_cast %get3A_441 : vector<1x16xf32> to vector<16xf32>
        %swap3A_443 = arith.index_cast %add3A_413 : i32 to index
        %swap3A_444 = arith.constant 48 : index
        %swap3A_445 = tpu.vector_load %arg7[%swap3A_443, %swap3A_444] {strides = array<i32>} : memref<200x128xf32, #tpu.memory_space<vmem>>, vector<1x16xf32>,
        %swap3A_446 = vector.shape_cast %swap3A_445 : vector<1x16xf32> to vector<16xf32>
        %swap3A_447 = vector.shape_cast %get3A_442 : vector<16xf32> to vector<1x16xf32>
        tpu.vector_store %arg7[%swap3A_443, %swap3A_444], %swap3A_447 {add = true, strides = array<i32>} : memref<200x128xf32, #tpu.memory_space<vmem>>, vector<1x16xf32>,
        %get3A_448 = arith.index_cast %add3A_413 : i32 to index
        %get3A_449 = arith.constant 64 : index
        %get3A_450 = tpu.vector_load %arg11[%get3A_448, %get3A_449] {strides = array<i32>} : memref<200x128xf32, #tpu.memory_space<vmem>>, vector<1x16xf32>,
        %get3A_451 = vector.shape_cast %get3A_450 : vector<1x16xf32> to vector<16xf32>
        %swap3A_452 = arith.index_cast %add3A_413 : i32 to index
        %swap3A_453 = arith.constant 64 : index
        %swap3A_454 = tpu.vector_load %arg7[%swap3A_452, %swap3A_453] {strides = array<i32>} : memref<200x128xf32, #tpu.memory_space<vmem>>, vector<1x16xf32>,
        %swap3A_455 = vector.shape_cast %swap3A_454 : vector<1x16xf32> to vector<16xf32>
        %swap3A_456 = vector.shape_cast %get3A_451 : vector<16xf32> to vector<1x16xf32>
        tpu.vector_store %arg7[%swap3A_452, %swap3A_453], %swap3A_456 {add = true, strides = array<i32>} : memref<200x128xf32, #tpu.memory_space<vmem>>, vector<1x16xf32>,
        %get3A_457 = arith.index_cast %add3A_413 : i32 to index
        %get3A_458 = arith.constant 80 : index
        %get3A_459 = tpu.vector_load %arg11[%get3A_457, %get3A_458] {strides = array<i32>} : memref<200x128xf32, #tpu.memory_space<vmem>>, vector<1x16xf32>,
        %get3A_460 = vector.shape_cast %get3A_459 : vector<1x16xf32> to vector<16xf32>
        %swap3A_461 = arith.index_cast %add3A_413 : i32 to index
        %swap3A_462 = arith.constant 80 : index
        %swap3A_463 = tpu.vector_load %arg7[%swap3A_461, %swap3A_462] {strides = array<i32>} : memref<200x128xf32, #tpu.memory_space<vmem>>, vector<1x16xf32>,
        %swap3A_464 = vector.shape_cast %swap3A_463 : vector<1x16xf32> to vector<16xf32>
        %swap3A_465 = vector.shape_cast %get3A_460 : vector<16xf32> to vector<1x16xf32>
        tpu.vector_store %arg7[%swap3A_461, %swap3A_462], %swap3A_465 {add = true, strides = array<i32>} : memref<200x128xf32, #tpu.memory_space<vmem>>, vector<1x16xf32>,
        %get3A_466 = arith.index_cast %add3A_413 : i32 to index
        %get3A_467 = arith.constant 96 : index
        %get3A_468 = tpu.vector_load %arg11[%get3A_466, %get3A_467] {strides = array<i32>} : memref<200x128xf32, #tpu.memory_space<vmem>>, vector<1x16xf32>,
        %get3A_469 = vector.shape_cast %get3A_468 : vector<1x16xf32> to vector<16xf32>
        %swap3A_470 = arith.index_cast %add3A_413 : i32 to index
        %swap3A_471 = arith.constant 96 : index
        %swap3A_472 = tpu.vector_load %arg7[%swap3A_470, %swap3A_471] {strides = array<i32>} : memref<200x128xf32, #tpu.memory_space<vmem>>, vector<1x16xf32>,
        %swap3A_473 = vector.shape_cast %swap3A_472 : vector<1x16xf32> to vector<16xf32>
        %swap3A_474 = vector.shape_cast %get3A_469 : vector<16xf32> to vector<1x16xf32>
        tpu.vector_store %arg7[%swap3A_470, %swap3A_471], %swap3A_474 {add = true, strides = array<i32>} : memref<200x128xf32, #tpu.memory_space<vmem>>, vector<1x16xf32>,
        %get3A_475 = arith.index_cast %add3A_413 : i32 to index
        %get3A_476 = arith.constant 112 : index
        %get3A_477 = tpu.vector_load %arg11[%get3A_475, %get3A_476] {strides = array<i32>} : memref<200x128xf32, #tpu.memory_space<vmem>>, vector<1x16xf32>,
        %get3A_478 = vector.shape_cast %get3A_477 : vector<1x16xf32> to vector<16xf32>
        %swap3A_479 = arith.index_cast %add3A_413 : i32 to index
        %swap3A_480 = arith.constant 112 : index
        %swap3A_481 = tpu.vector_load %arg7[%swap3A_479, %swap3A_480] {strides = array<i32>} : memref<200x128xf32, #tpu.memory_space<vmem>>, vector<1x16xf32>,
        %swap3A_482 = vector.shape_cast %swap3A_481 : vector<1x16xf32> to vector<16xf32>
        %swap3A_483 = vector.shape_cast %get3A_478 : vector<16xf32> to vector<1x16xf32>
        tpu.vector_store %arg7[%swap3A_479, %swap3A_480], %swap3A_483 {add = true, strides = array<i32>} : memref<200x128xf32, #tpu.memory_space<vmem>>, vector<1x16xf32>,
        %mul3A_484 = arith.constant 4 : i32
        %mul3A_485 = arith.muli %mul3A_484, %scan3A_409 : i32
        %add3A_486 = arith.constant 1 : i32
        %add3A_487 = arith.addi %mul3A_485, %add3A_486 : i32
        %get3A_488 = arith.index_cast %add3A_487 : i32 to index
        %get3A_489 = arith.constant 0 : index
        %get3A_490 = tpu.vector_load %arg11[%get3A_488, %get3A_489] {strides = array<i32>} : memref<200x128xf32, #tpu.memory_space<vmem>>, vector<1x16xf32>,
        %get3A_491 = vector.shape_cast %get3A_490 : vector<1x16xf32> to vector<16xf32>
        %swap3A_492 = arith.index_cast %add3A_487 : i32 to index
        %swap3A_493 = arith.constant 0 : index
        %swap3A_494 = tpu.vector_load %arg7[%swap3A_492, %swap3A_493] {strides = array<i32>} : memref<200x128xf32, #tpu.memory_space<vmem>>, vector<1x16xf32>,
        %swap3A_495 = vector.shape_cast %swap3A_494 : vector<1x16xf32> to vector<16xf32>
        %swap3A_496 = vector.shape_cast %get3A_491 : vector<16xf32> to vector<1x16xf32>
        tpu.vector_store %arg7[%swap3A_492, %swap3A_493], %swap3A_496 {add = true, strides = array<i32>} : memref<200x128xf32, #tpu.memory_space<vmem>>, vector<1x16xf32>,
        %get3A_497 = arith.index_cast %add3A_487 : i32 to index
        %get3A_498 = arith.constant 16 : index
        %get3A_499 = tpu.vector_load %arg11[%get3A_497, %get3A_498] {strides = array<i32>} : memref<200x128xf32, #tpu.memory_space<vmem>>, vector<1x16xf32>,
        %get3A_500 = vector.shape_cast %get3A_499 : vector<1x16xf32> to vector<16xf32>
        %swap3A_501 = arith.index_cast %add3A_487 : i32 to index
        %swap3A_502 = arith.constant 16 : index
        %swap3A_503 = tpu.vector_load %arg7[%swap3A_501, %swap3A_502] {strides = array<i32>} : memref<200x128xf32, #tpu.memory_space<vmem>>, vector<1x16xf32>,
        %swap3A_504 = vector.shape_cast %swap3A_503 : vector<1x16xf32> to vector<16xf32>
        %swap3A_505 = vector.shape_cast %get3A_500 : vector<16xf32> to vector<1x16xf32>
        tpu.vector_store %arg7[%swap3A_501, %swap3A_502], %swap3A_505 {add = true, strides = array<i32>} : memref<200x128xf32, #tpu.memory_space<vmem>>, vector<1x16xf32>,
        %get3A_506 = arith.index_cast %add3A_487 : i32 to index
        %get3A_507 = arith.constant 32 : index
        %get3A_508 = tpu.vector_load %arg11[%get3A_506, %get3A_507] {strides = array<i32>} : memref<200x128xf32, #tpu.memory_space<vmem>>, vector<1x16xf32>,
        %get3A_509 = vector.shape_cast %get3A_508 : vector<1x16xf32> to vector<16xf32>
        %swap3A_510 = arith.index_cast %add3A_487 : i32 to index
        %swap3A_511 = arith.constant 32 : index
        %swap3A_512 = tpu.vector_load %arg7[%swap3A_510, %swap3A_511] {strides = array<i32>} : memref<200x128xf32, #tpu.memory_space<vmem>>, vector<1x16xf32>,
        %swap3A_513 = vector.shape_cast %swap3A_512 : vector<1x16xf32> to vector<16xf32>
        %swap3A_514 = vector.shape_cast %get3A_509 : vector<16xf32> to vector<1x16xf32>
        tpu.vector_store %arg7[%swap3A_510, %swap3A_511], %swap3A_514 {add = true, strides = array<i32>} : memref<200x128xf32, #tpu.memory_space<vmem>>, vector<1x16xf32>,
        %get3A_515 = arith.index_cast %add3A_487 : i32 to index
        %get3A_516 = arith.constant 48 : index
        %get3A_517 = tpu.vector_load %arg11[%get3A_515, %get3A_516] {strides = array<i32>} : memref<200x128xf32, #tpu.memory_space<vmem>>, vector<1x16xf32>,
        %get3A_518 = vector.shape_cast %get3A_517 : vector<1x16xf32> to vector<16xf32>
        %swap3A_519 = arith.index_cast %add3A_487 : i32 to index
        %swap3A_520 = arith.constant 48 : index
        %swap3A_521 = tpu.vector_load %arg7[%swap3A_519, %swap3A_520] {strides = array<i32>} : memref<200x128xf32, #tpu.memory_space<vmem>>, vector<1x16xf32>,
        %swap3A_522 = vector.shape_cast %swap3A_521 : vector<1x16xf32> to vector<16xf32>
        %swap3A_523 = vector.shape_cast %get3A_518 : vector<16xf32> to vector<1x16xf32>
        tpu.vector_store %arg7[%swap3A_519, %swap3A_520], %swap3A_523 {add = true, strides = array<i32>} : memref<200x128xf32, #tpu.memory_space<vmem>>, vector<1x16xf32>,
        %get3A_524 = arith.index_cast %add3A_487 : i32 to index
        %get3A_525 = arith.constant 64 : index
        %get3A_526 = tpu.vector_load %arg11[%get3A_524, %get3A_525] {strides = array<i32>} : memref<200x128xf32, #tpu.memory_space<vmem>>, vector<1x16xf32>,
        %get3A_527 = vector.shape_cast %get3A_526 : vector<1x16xf32> to vector<16xf32>
        %swap3A_528 = arith.index_cast %add3A_487 : i32 to index
        %swap3A_529 = arith.constant 64 : index
        %swap3A_530 = tpu.vector_load %arg7[%swap3A_528, %swap3A_529] {strides = array<i32>} : memref<200x128xf32, #tpu.memory_space<vmem>>, vector<1x16xf32>,
        %swap3A_531 = vector.shape_cast %swap3A_530 : vector<1x16xf32> to vector<16xf32>
        %swap3A_532 = vector.shape_cast %get3A_527 : vector<16xf32> to vector<1x16xf32>
        tpu.vector_store %arg7[%swap3A_528, %swap3A_529], %swap3A_532 {add = true, strides = array<i32>} : memref<200x128xf32, #tpu.memory_space<vmem>>, vector<1x16xf32>,
        %get3A_533 = arith.index_cast %add3A_487 : i32 to index
        %get3A_534 = arith.constant 80 : index
        %get3A_535 = tpu.vector_load %arg11[%get3A_533, %get3A_534] {strides = array<i32>} : memref<200x128xf32, #tpu.memory_space<vmem>>, vector<1x16xf32>,
        %get3A_536 = vector.shape_cast %get3A_535 : vector<1x16xf32> to vector<16xf32>
        %swap3A_537 = arith.index_cast %add3A_487 : i32 to index
        %swap3A_538 = arith.constant 80 : index
        %swap3A_539 = tpu.vector_load %arg7[%swap3A_537, %swap3A_538] {strides = array<i32>} : memref<200x128xf32, #tpu.memory_space<vmem>>, vector<1x16xf32>,
        %swap3A_540 = vector.shape_cast %swap3A_539 : vector<1x16xf32> to vector<16xf32>
        %swap3A_541 = vector.shape_cast %get3A_536 : vector<16xf32> to vector<1x16xf32>
        tpu.vector_store %arg7[%swap3A_537, %swap3A_538], %swap3A_541 {add = true, strides = array<i32>} : memref<200x128xf32, #tpu.memory_space<vmem>>, vector<1x16xf32>,
        %get3A_542 = arith.index_cast %add3A_487 : i32 to index
        %get3A_543 = arith.constant 96 : index
        %get3A_544 = tpu.vector_load %arg11[%get3A_542, %get3A_543] {strides = array<i32>} : memref<200x128xf32, #tpu.memory_space<vmem>>, vector<1x16xf32>,
        %get3A_545 = vector.shape_cast %get3A_544 : vector<1x16xf32> to vector<16xf32>
        %swap3A_546 = arith.index_cast %add3A_487 : i32 to index
        %swap3A_547 = arith.constant 96 : index
        %swap3A_548 = tpu.vector_load %arg7[%swap3A_546, %swap3A_547] {strides = array<i32>} : memref<200x128xf32, #tpu.memory_space<vmem>>, vector<1x16xf32>,
        %swap3A_549 = vector.shape_cast %swap3A_548 : vector<1x16xf32> to vector<16xf32>
        %swap3A_550 = vector.shape_cast %get3A_545 : vector<16xf32> to vector<1x16xf32>
        tpu.vector_store %arg7[%swap3A_546, %swap3A_547], %swap3A_550 {add = true, strides = array<i32>} : memref<200x128xf32, #tpu.memory_space<vmem>>, vector<1x16xf32>,
        %get3A_551 = arith.index_cast %add3A_487 : i32 to index
        %get3A_552 = arith.constant 112 : index
        %get3A_553 = tpu.vector_load %arg11[%get3A_551, %get3A_552] {strides = array<i32>} : memref<200x128xf32, #tpu.memory_space<vmem>>, vector<1x16xf32>,
        %get3A_554 = vector.shape_cast %get3A_553 : vector<1x16xf32> to vector<16xf32>
        %swap3A_555 = arith.index_cast %add3A_487 : i32 to index
        %swap3A_556 = arith.constant 112 : index
        %swap3A_557 = tpu.vector_load %arg7[%swap3A_555, %swap3A_556] {strides = array<i32>} : memref<200x128xf32, #tpu.memory_space<vmem>>, vector<1x16xf32>,
        %swap3A_558 = vector.shape_cast %swap3A_557 : vector<1x16xf32> to vector<16xf32>
        %swap3A_559 = vector.shape_cast %get3A_554 : vector<16xf32> to vector<1x16xf32>
        tpu.vector_store %arg7[%swap3A_555, %swap3A_556], %swap3A_559 {add = true, strides = array<i32>} : memref<200x128xf32, #tpu.memory_space<vmem>>, vector<1x16xf32>,
        %mul3A_560 = arith.constant 4 : i32
        %mul3A_561 = arith.muli %mul3A_560, %scan3A_409 : i32
        %add3A_562 = arith.constant 2 : i32
        %add3A_563 = arith.addi %mul3A_561, %add3A_562 : i32
        %get3A_564 = arith.index_cast %add3A_563 : i32 to index
        %get3A_565 = arith.constant 0 : index
        %get3A_566 = tpu.vector_load %arg11[%get3A_564, %get3A_565] {strides = array<i32>} : memref<200x128xf32, #tpu.memory_space<vmem>>, vector<1x16xf32>,
        %get3A_567 = vector.shape_cast %get3A_566 : vector<1x16xf32> to vector<16xf32>
        %swap3A_568 = arith.index_cast %add3A_563 : i32 to index
        %swap3A_569 = arith.constant 0 : index
        %swap3A_570 = tpu.vector_load %arg7[%swap3A_568, %swap3A_569] {strides = array<i32>} : memref<200x128xf32, #tpu.memory_space<vmem>>, vector<1x16xf32>,
        %swap3A_571 = vector.shape_cast %swap3A_570 : vector<1x16xf32> to vector<16xf32>
        %swap3A_572 = vector.shape_cast %get3A_567 : vector<16xf32> to vector<1x16xf32>
        tpu.vector_store %arg7[%swap3A_568, %swap3A_569], %swap3A_572 {add = true, strides = array<i32>} : memref<200x128xf32, #tpu.memory_space<vmem>>, vector<1x16xf32>,
        %get3A_573 = arith.index_cast %add3A_563 : i32 to index
        %get3A_574 = arith.constant 16 : index
        %get3A_575 = tpu.vector_load %arg11[%get3A_573, %get3A_574] {strides = array<i32>} : memref<200x128xf32, #tpu.memory_space<vmem>>, vector<1x16xf32>,
        %get3A_576 = vector.shape_cast %get3A_575 : vector<1x16xf32> to vector<16xf32>
        %swap3A_577 = arith.index_cast %add3A_563 : i32 to index
        %swap3A_578 = arith.constant 16 : index
        %swap3A_579 = tpu.vector_load %arg7[%swap3A_577, %swap3A_578] {strides = array<i32>} : memref<200x128xf32, #tpu.memory_space<vmem>>, vector<1x16xf32>,
        %swap3A_580 = vector.shape_cast %swap3A_579 : vector<1x16xf32> to vector<16xf32>
        %swap3A_581 = vector.shape_cast %get3A_576 : vector<16xf32> to vector<1x16xf32>
        tpu.vector_store %arg7[%swap3A_577, %swap3A_578], %swap3A_581 {add = true, strides = array<i32>} : memref<200x128xf32, #tpu.memory_space<vmem>>, vector<1x16xf32>,
        %get3A_582 = arith.index_cast %add3A_563 : i32 to index
        %get3A_583 = arith.constant 32 : index
        %get3A_584 = tpu.vector_load %arg11[%get3A_582, %get3A_583] {strides = array<i32>} : memref<200x128xf32, #tpu.memory_space<vmem>>, vector<1x16xf32>,
        %get3A_585 = vector.shape_cast %get3A_584 : vector<1x16xf32> to vector<16xf32>
        %swap3A_586 = arith.index_cast %add3A_563 : i32 to index
        %swap3A_587 = arith.constant 32 : index
        %swap3A_588 = tpu.vector_load %arg7[%swap3A_586, %swap3A_587] {strides = array<i32>} : memref<200x128xf32, #tpu.memory_space<vmem>>, vector<1x16xf32>,
        %swap3A_589 = vector.shape_cast %swap3A_588 : vector<1x16xf32> to vector<16xf32>
        %swap3A_590 = vector.shape_cast %get3A_585 : vector<16xf32> to vector<1x16xf32>
        tpu.vector_store %arg7[%swap3A_586, %swap3A_587], %swap3A_590 {add = true, strides = array<i32>} : memref<200x128xf32, #tpu.memory_space<vmem>>, vector<1x16xf32>,
        %get3A_591 = arith.index_cast %add3A_563 : i32 to index
        %get3A_592 = arith.constant 48 : index
        %get3A_593 = tpu.vector_load %arg11[%get3A_591, %get3A_592] {strides = array<i32>} : memref<200x128xf32, #tpu.memory_space<vmem>>, vector<1x16xf32>,
        %get3A_594 = vector.shape_cast %get3A_593 : vector<1x16xf32> to vector<16xf32>
        %swap3A_595 = arith.index_cast %add3A_563 : i32 to index
        %swap3A_596 = arith.constant 48 : index
        %swap3A_597 = tpu.vector_load %arg7[%swap3A_595, %swap3A_596] {strides = array<i32>} : memref<200x128xf32, #tpu.memory_space<vmem>>, vector<1x16xf32>,
        %swap3A_598 = vector.shape_cast %swap3A_597 : vector<1x16xf32> to vector<16xf32>
        %swap3A_599 = vector.shape_cast %get3A_594 : vector<16xf32> to vector<1x16xf32>
        tpu.vector_store %arg7[%swap3A_595, %swap3A_596], %swap3A_599 {add = true, strides = array<i32>} : memref<200x128xf32, #tpu.memory_space<vmem>>, vector<1x16xf32>,
        %get3A_600 = arith.index_cast %add3A_563 : i32 to index
        %get3A_601 = arith.constant 64 : index
        %get3A_602 = tpu.vector_load %arg11[%get3A_600, %get3A_601] {strides = array<i32>} : memref<200x128xf32, #tpu.memory_space<vmem>>, vector<1x16xf32>,
        %get3A_603 = vector.shape_cast %get3A_602 : vector<1x16xf32> to vector<16xf32>
        %swap3A_604 = arith.index_cast %add3A_563 : i32 to index
        %swap3A_605 = arith.constant 64 : index
        %swap3A_606 = tpu.vector_load %arg7[%swap3A_604, %swap3A_605] {strides = array<i32>} : memref<200x128xf32, #tpu.memory_space<vmem>>, vector<1x16xf32>,
        %swap3A_607 = vector.shape_cast %swap3A_606 : vector<1x16xf32> to vector<16xf32>
        %swap3A_608 = vector.shape_cast %get3A_603 : vector<16xf32> to vector<1x16xf32>
        tpu.vector_store %arg7[%swap3A_604, %swap3A_605], %swap3A_608 {add = true, strides = array<i32>} : memref<200x128xf32, #tpu.memory_space<vmem>>, vector<1x16xf32>,
        %get3A_609 = arith.index_cast %add3A_563 : i32 to index
        %get3A_610 = arith.constant 80 : index
        %get3A_611 = tpu.vector_load %arg11[%get3A_609, %get3A_610] {strides = array<i32>} : memref<200x128xf32, #tpu.memory_space<vmem>>, vector<1x16xf32>,
        %get3A_612 = vector.shape_cast %get3A_611 : vector<1x16xf32> to vector<16xf32>
        %swap3A_613 = arith.index_cast %add3A_563 : i32 to index
        %swap3A_614 = arith.constant 80 : index
        %swap3A_615 = tpu.vector_load %arg7[%swap3A_613, %swap3A_614] {strides = array<i32>} : memref<200x128xf32, #tpu.memory_space<vmem>>, vector<1x16xf32>,
        %swap3A_616 = vector.shape_cast %swap3A_615 : vector<1x16xf32> to vector<16xf32>
        %swap3A_617 = vector.shape_cast %get3A_612 : vector<16xf32> to vector<1x16xf32>
        tpu.vector_store %arg7[%swap3A_613, %swap3A_614], %swap3A_617 {add = true, strides = array<i32>} : memref<200x128xf32, #tpu.memory_space<vmem>>, vector<1x16xf32>,
        %get3A_618 = arith.index_cast %add3A_563 : i32 to index
        %get3A_619 = arith.constant 96 : index
        %get3A_620 = tpu.vector_load %arg11[%get3A_618, %get3A_619] {strides = array<i32>} : memref<200x128xf32, #tpu.memory_space<vmem>>, vector<1x16xf32>,
        %get3A_621 = vector.shape_cast %get3A_620 : vector<1x16xf32> to vector<16xf32>
        %swap3A_622 = arith.index_cast %add3A_563 : i32 to index
        %swap3A_623 = arith.constant 96 : index
        %swap3A_624 = tpu.vector_load %arg7[%swap3A_622, %swap3A_623] {strides = array<i32>} : memref<200x128xf32, #tpu.memory_space<vmem>>, vector<1x16xf32>,
        %swap3A_625 = vector.shape_cast %swap3A_624 : vector<1x16xf32> to vector<16xf32>
        %swap3A_626 = vector.shape_cast %get3A_621 : vector<16xf32> to vector<1x16xf32>
        tpu.vector_store %arg7[%swap3A_622, %swap3A_623], %swap3A_626 {add = true, strides = array<i32>} : memref<200x128xf32, #tpu.memory_space<vmem>>, vector<1x16xf32>,
        %get3A_627 = arith.index_cast %add3A_563 : i32 to index
        %get3A_628 = arith.constant 112 : index
        %get3A_629 = tpu.vector_load %arg11[%get3A_627, %get3A_628] {strides = array<i32>} : memref<200x128xf32, #tpu.memory_space<vmem>>, vector<1x16xf32>,
        %get3A_630 = vector.shape_cast %get3A_629 : vector<1x16xf32> to vector<16xf32>
        %swap3A_631 = arith.index_cast %add3A_563 : i32 to index
        %swap3A_632 = arith.constant 112 : index
        %swap3A_633 = tpu.vector_load %arg7[%swap3A_631, %swap3A_632] {strides = array<i32>} : memref<200x128xf32, #tpu.memory_space<vmem>>, vector<1x16xf32>,
        %swap3A_634 = vector.shape_cast %swap3A_633 : vector<1x16xf32> to vector<16xf32>
        %swap3A_635 = vector.shape_cast %get3A_630 : vector<16xf32> to vector<1x16xf32>
        tpu.vector_store %arg7[%swap3A_631, %swap3A_632], %swap3A_635 {add = true, strides = array<i32>} : memref<200x128xf32, #tpu.memory_space<vmem>>, vector<1x16xf32>,
        %mul3A_636 = arith.constant 4 : i32
        %mul3A_637 = arith.muli %mul3A_636, %scan3A_409 : i32
        %add3A_638 = arith.constant 3 : i32
        %add3A_639 = arith.addi %mul3A_637, %add3A_638 : i32
        %get3A_640 = arith.index_cast %add3A_639 : i32 to index
        %get3A_641 = arith.constant 0 : index
        %get3A_642 = tpu.vector_load %arg11[%get3A_640, %get3A_641] {strides = array<i32>} : memref<200x128xf32, #tpu.memory_space<vmem>>, vector<1x16xf32>,
        %get3A_643 = vector.shape_cast %get3A_642 : vector<1x16xf32> to vector<16xf32>
        %swap3A_644 = arith.index_cast %add3A_639 : i32 to index
        %swap3A_645 = arith.constant 0 : index
        %swap3A_646 = tpu.vector_load %arg7[%swap3A_644, %swap3A_645] {strides = array<i32>} : memref<200x128xf32, #tpu.memory_space<vmem>>, vector<1x16xf32>,
        %swap3A_647 = vector.shape_cast %swap3A_646 : vector<1x16xf32> to vector<16xf32>
        %swap3A_648 = vector.shape_cast %get3A_643 : vector<16xf32> to vector<1x16xf32>
        tpu.vector_store %arg7[%swap3A_644, %swap3A_645], %swap3A_648 {add = true, strides = array<i32>} : memref<200x128xf32, #tpu.memory_space<vmem>>, vector<1x16xf32>,
        %get3A_649 = arith.index_cast %add3A_639 : i32 to index
        %get3A_650 = arith.constant 16 : index
        %get3A_651 = tpu.vector_load %arg11[%get3A_649, %get3A_650] {strides = array<i32>} : memref<200x128xf32, #tpu.memory_space<vmem>>, vector<1x16xf32>,
        %get3A_652 = vector.shape_cast %get3A_651 : vector<1x16xf32> to vector<16xf32>
        %swap3A_653 = arith.index_cast %add3A_639 : i32 to index
        %swap3A_654 = arith.constant 16 : index
        %swap3A_655 = tpu.vector_load %arg7[%swap3A_653, %swap3A_654] {strides = array<i32>} : memref<200x128xf32, #tpu.memory_space<vmem>>, vector<1x16xf32>,
        %swap3A_656 = vector.shape_cast %swap3A_655 : vector<1x16xf32> to vector<16xf32>
        %swap3A_657 = vector.shape_cast %get3A_652 : vector<16xf32> to vector<1x16xf32>
        tpu.vector_store %arg7[%swap3A_653, %swap3A_654], %swap3A_657 {add = true, strides = array<i32>} : memref<200x128xf32, #tpu.memory_space<vmem>>, vector<1x16xf32>,
        %get3A_658 = arith.index_cast %add3A_639 : i32 to index
        %get3A_659 = arith.constant 32 : index
        %get3A_660 = tpu.vector_load %arg11[%get3A_658, %get3A_659] {strides = array<i32>} : memref<200x128xf32, #tpu.memory_space<vmem>>, vector<1x16xf32>,
        %get3A_661 = vector.shape_cast %get3A_660 : vector<1x16xf32> to vector<16xf32>
        %swap3A_662 = arith.index_cast %add3A_639 : i32 to index
        %swap3A_663 = arith.constant 32 : index
        %swap3A_664 = tpu.vector_load %arg7[%swap3A_662, %swap3A_663] {strides = array<i32>} : memref<200x128xf32, #tpu.memory_space<vmem>>, vector<1x16xf32>,
        %swap3A_665 = vector.shape_cast %swap3A_664 : vector<1x16xf32> to vector<16xf32>
        %swap3A_666 = vector.shape_cast %get3A_661 : vector<16xf32> to vector<1x16xf32>
        tpu.vector_store %arg7[%swap3A_662, %swap3A_663], %swap3A_666 {add = true, strides = array<i32>} : memref<200x128xf32, #tpu.memory_space<vmem>>, vector<1x16xf32>,
        %get3A_667 = arith.index_cast %add3A_639 : i32 to index
        %get3A_668 = arith.constant 48 : index
        %get3A_669 = tpu.vector_load %arg11[%get3A_667, %get3A_668] {strides = array<i32>} : memref<200x128xf32, #tpu.memory_space<vmem>>, vector<1x16xf32>,
        %get3A_670 = vector.shape_cast %get3A_669 : vector<1x16xf32> to vector<16xf32>
        %swap3A_671 = arith.index_cast %add3A_639 : i32 to index
        %swap3A_672 = arith.constant 48 : index
        %swap3A_673 = tpu.vector_load %arg7[%swap3A_671, %swap3A_672] {strides = array<i32>} : memref<200x128xf32, #tpu.memory_space<vmem>>, vector<1x16xf32>,
        %swap3A_674 = vector.shape_cast %swap3A_673 : vector<1x16xf32> to vector<16xf32>
        %swap3A_675 = vector.shape_cast %get3A_670 : vector<16xf32> to vector<1x16xf32>
        tpu.vector_store %arg7[%swap3A_671, %swap3A_672], %swap3A_675 {add = true, strides = array<i32>} : memref<200x128xf32, #tpu.memory_space<vmem>>, vector<1x16xf32>,
        %get3A_676 = arith.index_cast %add3A_639 : i32 to index
        %get3A_677 = arith.constant 64 : index
        %get3A_678 = tpu.vector_load %arg11[%get3A_676, %get3A_677] {strides = array<i32>} : memref<200x128xf32, #tpu.memory_space<vmem>>, vector<1x16xf32>,
        %get3A_679 = vector.shape_cast %get3A_678 : vector<1x16xf32> to vector<16xf32>
        %swap3A_680 = arith.index_cast %add3A_639 : i32 to index
        %swap3A_681 = arith.constant 64 : index
        %swap3A_682 = tpu.vector_load %arg7[%swap3A_680, %swap3A_681] {strides = array<i32>} : memref<200x128xf32, #tpu.memory_space<vmem>>, vector<1x16xf32>,
        %swap3A_683 = vector.shape_cast %swap3A_682 : vector<1x16xf32> to vector<16xf32>
        %swap3A_684 = vector.shape_cast %get3A_679 : vector<16xf32> to vector<1x16xf32>
        tpu.vector_store %arg7[%swap3A_680, %swap3A_681], %swap3A_684 {add = true, strides = array<i32>} : memref<200x128xf32, #tpu.memory_space<vmem>>, vector<1x16xf32>,
        %get3A_685 = arith.index_cast %add3A_639 : i32 to index
        %get3A_686 = arith.constant 80 : index
        %get3A_687 = tpu.vector_load %arg11[%get3A_685, %get3A_686] {strides = array<i32>} : memref<200x128xf32, #tpu.memory_space<vmem>>, vector<1x16xf32>,
        %get3A_688 = vector.shape_cast %get3A_687 : vector<1x16xf32> to vector<16xf32>
        %swap3A_689 = arith.index_cast %add3A_639 : i32 to index
        %swap3A_690 = arith.constant 80 : index
        %swap3A_691 = tpu.vector_load %arg7[%swap3A_689, %swap3A_690] {strides = array<i32>} : memref<200x128xf32, #tpu.memory_space<vmem>>, vector<1x16xf32>,
        %swap3A_692 = vector.shape_cast %swap3A_691 : vector<1x16xf32> to vector<16xf32>
        %swap3A_693 = vector.shape_cast %get3A_688 : vector<16xf32> to vector<1x16xf32>
        tpu.vector_store %arg7[%swap3A_689, %swap3A_690], %swap3A_693 {add = true, strides = array<i32>} : memref<200x128xf32, #tpu.memory_space<vmem>>, vector<1x16xf32>,
        %get3A_694 = arith.index_cast %add3A_639 : i32 to index
        %get3A_695 = arith.constant 96 : index
        %get3A_696 = tpu.vector_load %arg11[%get3A_694, %get3A_695] {strides = array<i32>} : memref<200x128xf32, #tpu.memory_space<vmem>>, vector<1x16xf32>,
        %get3A_697 = vector.shape_cast %get3A_696 : vector<1x16xf32> to vector<16xf32>
        %swap3A_698 = arith.index_cast %add3A_639 : i32 to index
        %swap3A_699 = arith.constant 96 : index
        %swap3A_700 = tpu.vector_load %arg7[%swap3A_698, %swap3A_699] {strides = array<i32>} : memref<200x128xf32, #tpu.memory_space<vmem>>, vector<1x16xf32>,
        %swap3A_701 = vector.shape_cast %swap3A_700 : vector<1x16xf32> to vector<16xf32>
        %swap3A_702 = vector.shape_cast %get3A_697 : vector<16xf32> to vector<1x16xf32>
        tpu.vector_store %arg7[%swap3A_698, %swap3A_699], %swap3A_702 {add = true, strides = array<i32>} : memref<200x128xf32, #tpu.memory_space<vmem>>, vector<1x16xf32>,
        %get3A_703 = arith.index_cast %add3A_639 : i32 to index
        %get3A_704 = arith.constant 112 : index
        %get3A_705 = tpu.vector_load %arg11[%get3A_703, %get3A_704] {strides = array<i32>} : memref<200x128xf32, #tpu.memory_space<vmem>>, vector<1x16xf32>,
        %get3A_706 = vector.shape_cast %get3A_705 : vector<1x16xf32> to vector<16xf32>
        %swap3A_707 = arith.index_cast %add3A_639 : i32 to index
        %swap3A_708 = arith.constant 112 : index
        %swap3A_709 = tpu.vector_load %arg7[%swap3A_707, %swap3A_708] {strides = array<i32>} : memref<200x128xf32, #tpu.memory_space<vmem>>, vector<1x16xf32>,
        %swap3A_710 = vector.shape_cast %swap3A_709 : vector<1x16xf32> to vector<16xf32>
        %swap3A_711 = vector.shape_cast %get3A_706 : vector<16xf32> to vector<1x16xf32>
        tpu.vector_store %arg7[%swap3A_707, %swap3A_708], %swap3A_711 {add = true, strides = array<i32>} : memref<200x128xf32, #tpu.memory_space<vmem>>, vector<1x16xf32>,
      }
      %scan3A_226 = arith.constant 50 : i32
      %mul3A_227 = arith.constant 128 : i32
      %mul3A_228 = arith.muli %add3A, %mul3A_227 : i32
      %add3A_229 = arith.addi %mul3A_228, %add3A_187 : i32
      %dma_start3A_230 = arith.constant 0 : i32
      %dma_start3A_231 = arith.constant 0 : i32
      %dma_start3A_232 = tpu.memref_slice %arg5[%add3A_229, %dma_start3A_230, %dma_start3A_231] : memref<4096x200x128xf32, #tpu.memory_space<hbm>> -> memref<1x200x128xf32, #tpu.memory_space<hbm>>
      %dma_start3A_233 = tpu.memref_squeeze %dma_start3A_232 : memref<1x200x128xf32, #tpu.memory_space<hbm>> -> memref<200x128xf32, #tpu.memory_space<hbm>>
      %dma_start3A_234 = arith.constant 0 : i32
      %dma_start3A_235 = arith.constant 0 : i32
      %dma_start3A_236 = tpu.memref_slice %arg5[%add3A_229, %dma_start3A_234, %dma_start3A_235] : memref<4096x200x128xf32, #tpu.memory_space<hbm>> -> memref<1x200x128xf32, #tpu.memory_space<hbm>>
      %dma_start3A_237 = tpu.memref_squeeze %dma_start3A_236 : memref<1x200x128xf32, #tpu.memory_space<hbm>> -> memref<200x128xf32, #tpu.memory_space<hbm>>
      tpu.enqueue_dma source(%arg7 : memref<200x128xf32, #tpu.memory_space<vmem>>) target(%dma_start3A_237 : memref<200x128xf32, #tpu.memory_space<hbm>>) target_semaphore(%arg16 : memref<!tpu.dma_semaphore, #tpu.memory_space<semaphore_mem>>)
      %mul3A_238 = arith.constant 4 : i32
      %mul3A_239 = arith.muli %mul3A_238, %scan3A_183 : i32
      %add3A_240 = arith.constant 1 : i32
      %add3A_241 = arith.addi %mul3A_239, %add3A_240 : i32
      %add3A_242 = arith.constant 3 : i32
      %add3A_243 = arith.addi %add3A_241, %add3A_242 : i32
      %lt3A_244 = arith.constant 128 : i32
      %lt3A_245 = arith.cmpi slt, %add3A_243, %lt3A_244 : i32
      %convert_element_type3A_246 = arith.extui %lt3A_245 : i1 to i32
      %cond3A_247 = arith.constant 0 : i32
      %cond3A_248 = arith.cmpi ne, %convert_element_type3A_246, %cond3A_247 : i32
      scf.if %cond3A_248 {
        %add3A_409 = arith.constant 3 : i32
        %add3A_410 = arith.addi %add3A_241, %add3A_409 : i32
        %mul3A_411 = arith.constant 128 : i32
        %mul3A_412 = arith.muli %add3A, %mul3A_411 : i32
        %add3A_413 = arith.addi %mul3A_412, %add3A_410 : i32
        %dma_start3A_414 = arith.constant 0 : i32
        %dma_start3A_415 = arith.constant 0 : i32
        %dma_start3A_416 = arith.constant 0 : i32
        %dma_start3A_417 = tpu.memref_slice %arg6[%dma_start3A_414, %dma_start3A_415, %dma_start3A_416] : memref<4x2x100xi32, #tpu.memory_space<vmem>> -> memref<1x2x100xi32, #tpu.memory_space<vmem>>
        %dma_start3A_418 = tpu.memref_squeeze %dma_start3A_417 : memref<1x2x100xi32, #tpu.memory_space<vmem>> -> memref<2x100xi32, #tpu.memory_space<vmem>>
        %dma_start3A_419 = arith.constant 0 : i32
        %dma_start3A_420 = arith.constant 0 : i32
        %dma_start3A_421 = tpu.memref_slice %arg2[%add3A_413, %dma_start3A_419, %dma_start3A_420] : memref<4096x2x100xi32, #tpu.memory_space<hbm>> -> memref<1x2x100xi32, #tpu.memory_space<hbm>>
        %dma_start3A_422 = tpu.memref_squeeze %dma_start3A_421 : memref<1x2x100xi32, #tpu.memory_space<hbm>> -> memref<2x100xi32, #tpu.memory_space<hbm>>
        %dma_start3A_423 = arith.constant 0 : i32
        %dma_start3A_424 = arith.constant 0 : i32
        %dma_start3A_425 = tpu.memref_slice %arg6[%dma_start3A_414, %dma_start3A_423, %dma_start3A_424] : memref<4x2x100xi32, #tpu.memory_space<vmem>> -> memref<1x2x100xi32, #tpu.memory_space<vmem>>
        %dma_start3A_426 = tpu.memref_squeeze %dma_start3A_425 : memref<1x2x100xi32, #tpu.memory_space<vmem>> -> memref<2x100xi32, #tpu.memory_space<vmem>>
        %dma_start3A_427 = arith.constant 0 : i32
        %dma_start3A_428 = arith.constant 0 : i32
        %dma_start3A_429 = tpu.memref_slice %arg2[%add3A_413, %dma_start3A_427, %dma_start3A_428] : memref<4096x2x100xi32, #tpu.memory_space<hbm>> -> memref<1x2x100xi32, #tpu.memory_space<hbm>>
        %dma_start3A_430 = tpu.memref_squeeze %dma_start3A_429 : memref<1x2x100xi32, #tpu.memory_space<hbm>> -> memref<2x100xi32, #tpu.memory_space<hbm>>
        tpu.enqueue_dma source(%dma_start3A_430 : memref<2x100xi32, #tpu.memory_space<hbm>>) target(%dma_start3A_426 : memref<2x100xi32, #tpu.memory_space<vmem>>) target_semaphore(%arg20 : memref<!tpu.dma_semaphore, #tpu.memory_space<semaphore_mem>>)
      } else {
      }
      %add3A_249 = arith.constant 2 : i32
      %add3A_250 = arith.addi %add3A_241, %add3A_249 : i32
      %lt3A_251 = arith.constant 128 : i32
      %lt3A_252 = arith.cmpi slt, %add3A_250, %lt3A_251 : i32
      %convert_element_type3A_253 = arith.extui %lt3A_252 : i1 to i32
      %cond3A_254 = arith.constant 0 : i32
      %cond3A_255 = arith.cmpi ne, %convert_element_type3A_253, %cond3A_254 : i32
      scf.if %cond3A_255 {
        %ge3A = arith.constant 2 : i32
        %ge3A_409 = arith.cmpi sge, %add3A_241, %ge3A : i32
        %convert_element_type3A_410 = arith.extui %ge3A_409 : i1 to i32
        %cond3A_411 = arith.constant 0 : i32
        %cond3A_412 = arith.cmpi ne, %convert_element_type3A_410, %cond3A_411 : i32
        scf.if %cond3A_412 {
          %dma_wait3A_453 = arith.constant 0 : i32
          %dma_wait3A_454 = arith.constant 0 : i32
          %dma_wait3A_455 = arith.constant 0 : i32
          %dma_wait3A_456 = tpu.memref_slice %arg5[%dma_wait3A_453, %dma_wait3A_454, %dma_wait3A_455] : memref<4096x200x128xf32, #tpu.memory_space<hbm>> -> memref<1x200x128xf32, #tpu.memory_space<hbm>>
          %dma_wait3A_457 = tpu.memref_squeeze %dma_wait3A_456 : memref<1x200x128xf32, #tpu.memory_space<hbm>> -> memref<200x128xf32, #tpu.memory_space<hbm>>
          %dma_wait3A_458 = arith.constant 0 : i32
          %dma_wait3A_459 = arith.constant 0 : i32
          %dma_wait3A_460 = tpu.memref_slice %arg5[%dma_wait3A_453, %dma_wait3A_458, %dma_wait3A_459] : memref<4096x200x128xf32, #tpu.memory_space<hbm>> -> memref<1x200x128xf32, #tpu.memory_space<hbm>>
          %dma_wait3A_461 = tpu.memref_squeeze %dma_wait3A_460 : memref<1x200x128xf32, #tpu.memory_space<hbm>> -> memref<200x128xf32, #tpu.memory_space<hbm>>
          tpu.wait_dma2 semaphore(%arg19 : memref<!tpu.dma_semaphore, #tpu.memory_space<semaphore_mem>>) src(%arg10 : memref<200x128xf32, #tpu.memory_space<vmem>>) dst(%dma_wait3A_461 : memref<200x128xf32, #tpu.memory_space<hbm>>)
        } else {
        }
        %dma_wait3A_413 = arith.constant 0 : i32
        %dma_wait3A_414 = arith.constant 0 : i32
        %dma_wait3A_415 = arith.constant 0 : i32
        %dma_wait3A_416 = arith.constant 0 : i32
        %dma_wait3A_417 = tpu.memref_slice %arg6[%dma_wait3A_414, %dma_wait3A_415, %dma_wait3A_416] : memref<4x2x100xi32, #tpu.memory_space<vmem>> -> memref<1x2x100xi32, #tpu.memory_space<vmem>>
        %dma_wait3A_418 = tpu.memref_squeeze %dma_wait3A_417 : memref<1x2x100xi32, #tpu.memory_space<vmem>> -> memref<2x100xi32, #tpu.memory_space<vmem>>
        %dma_wait3A_419 = arith.constant 0 : i32
        %dma_wait3A_420 = arith.constant 0 : i32
        %dma_wait3A_421 = tpu.memref_slice %arg2[%dma_wait3A_413, %dma_wait3A_419, %dma_wait3A_420] : memref<4096x2x100xi32, #tpu.memory_space<hbm>> -> memref<1x2x100xi32, #tpu.memory_space<hbm>>
        %dma_wait3A_422 = tpu.memref_squeeze %dma_wait3A_421 : memref<1x2x100xi32, #tpu.memory_space<hbm>> -> memref<2x100xi32, #tpu.memory_space<hbm>>
        %dma_wait3A_423 = arith.constant 0 : i32
        %dma_wait3A_424 = arith.constant 0 : i32
        %dma_wait3A_425 = tpu.memref_slice %arg6[%dma_wait3A_414, %dma_wait3A_423, %dma_wait3A_424] : memref<4x2x100xi32, #tpu.memory_space<vmem>> -> memref<1x2x100xi32, #tpu.memory_space<vmem>>
        %dma_wait3A_426 = tpu.memref_squeeze %dma_wait3A_425 : memref<1x2x100xi32, #tpu.memory_space<vmem>> -> memref<2x100xi32, #tpu.memory_space<vmem>>
        %dma_wait3A_427 = arith.constant 0 : i32
        %dma_wait3A_428 = arith.constant 0 : i32
        %dma_wait3A_429 = tpu.memref_slice %arg2[%dma_wait3A_413, %dma_wait3A_427, %dma_wait3A_428] : memref<4096x2x100xi32, #tpu.memory_space<hbm>> -> memref<1x2x100xi32, #tpu.memory_space<hbm>>
        %dma_wait3A_430 = tpu.memref_squeeze %dma_wait3A_429 : memref<1x2x100xi32, #tpu.memory_space<hbm>> -> memref<2x100xi32, #tpu.memory_space<hbm>>
        tpu.wait_dma2 semaphore(%arg23 : memref<!tpu.dma_semaphore, #tpu.memory_space<semaphore_mem>>) src(%dma_wait3A_430 : memref<2x100xi32, #tpu.memory_space<hbm>>) dst(%dma_wait3A_426 : memref<2x100xi32, #tpu.memory_space<vmem>>)
        %dma_start3A_431 = arith.constant 3 : i32
        %dma_start3A_432 = arith.constant 0 : i32
        %dma_start3A_433 = arith.constant 0 : i32
        %dma_start3A_434 = arith.constant 0 : i32
        %dma_start3A_435 = tpu.memref_slice %arg10[%dma_start3A_433, %dma_start3A_434] : memref<200x128xf32, #tpu.memory_space<vmem>> -> memref<100x128xf32, #tpu.memory_space<vmem>>
        %dma_start3A_436 = arith.constant 0 : i32
        %dma_start3A_437 = tpu.memref_slice %arg6[%dma_start3A_431, %dma_start3A_432, %dma_start3A_436] : memref<4x2x100xi32, #tpu.memory_space<vmem>> -> memref<1x1x100xi32, #tpu.memory_space<vmem>>
        %dma_start3A_438 = tpu.memref_squeeze %dma_start3A_437 : memref<1x1x100xi32, #tpu.memory_space<vmem>> -> memref<100xi32, #tpu.memory_space<vmem>>
        %dma_start3A_439 = arith.constant 0 : i32
        %dma_start3A_440 = arith.constant 0 : i32
        %dma_start3A_441 = tpu.memref_slice %arg3[%dma_start3A_439, %dma_start3A_440] : memref<100000x128xf32, #tpu.memory_space<hbm>> -> memref<100000x128xf32, #tpu.memory_space<hbm>>
        tpu.enqueue_indirect_dma source(%dma_start3A_441 : memref<100000x128xf32, #tpu.memory_space<hbm>>) target(%dma_start3A_435 : memref<100x128xf32, #tpu.memory_space<vmem>>) offsets(%dma_start3A_438 : memref<100xi32, #tpu.memory_space<vmem>>) semaphore(%arg15 : memref<!tpu.dma_semaphore, #tpu.memory_space<semaphore_mem>>)
        %dma_start3A_442 = arith.constant 3 : i32
        %dma_start3A_443 = arith.constant 1 : i32
        %dma_start3A_444 = arith.constant 100 : i32
        %dma_start3A_445 = arith.constant 0 : i32
        %dma_start3A_446 = tpu.memref_slice %arg10[%dma_start3A_444, %dma_start3A_445] : memref<200x128xf32, #tpu.memory_space<vmem>> -> memref<100x128xf32, #tpu.memory_space<vmem>>
        %dma_start3A_447 = arith.constant 0 : i32
        %dma_start3A_448 = tpu.memref_slice %arg6[%dma_start3A_442, %dma_start3A_443, %dma_start3A_447] : memref<4x2x100xi32, #tpu.memory_space<vmem>> -> memref<1x1x100xi32, #tpu.memory_space<vmem>>
        %dma_start3A_449 = tpu.memref_squeeze %dma_start3A_448 : memref<1x1x100xi32, #tpu.memory_space<vmem>> -> memref<100xi32, #tpu.memory_space<vmem>>
        %dma_start3A_450 = arith.constant 0 : i32
        %dma_start3A_451 = arith.constant 0 : i32
        %dma_start3A_452 = tpu.memref_slice %arg3[%dma_start3A_450, %dma_start3A_451] : memref<100000x128xf32, #tpu.memory_space<hbm>> -> memref<100000x128xf32, #tpu.memory_space<hbm>>
        tpu.enqueue_indirect_dma source(%dma_start3A_452 : memref<100000x128xf32, #tpu.memory_space<hbm>>) target(%dma_start3A_446 : memref<100x128xf32, #tpu.memory_space<vmem>>) offsets(%dma_start3A_449 : memref<100xi32, #tpu.memory_space<vmem>>) semaphore(%arg15 : memref<!tpu.dma_semaphore, #tpu.memory_space<semaphore_mem>>)
      } else {
      }
      %dma_wait3A_256 = arith.constant 0 : i32
      %dma_wait3A_257 = arith.constant 0 : i32
      %dma_wait3A_258 = arith.constant 0 : i32
      %dma_wait3A_259 = arith.constant 0 : i32
      %dma_wait3A_260 = tpu.memref_slice %arg8[%dma_wait3A_258, %dma_wait3A_259] : memref<200x128xf32, #tpu.memory_space<vmem>> -> memref<100x128xf32, #tpu.memory_space<vmem>>
      %dma_wait3A_261 = arith.constant 0 : i32
      %dma_wait3A_262 = tpu.memref_slice %arg6[%dma_wait3A_256, %dma_wait3A_257, %dma_wait3A_261] : memref<4x2x100xi32, #tpu.memory_space<vmem>> -> memref<1x1x100xi32, #tpu.memory_space<vmem>>
      %dma_wait3A_263 = tpu.memref_squeeze %dma_wait3A_262 : memref<1x1x100xi32, #tpu.memory_space<vmem>> -> memref<100xi32, #tpu.memory_space<vmem>>
      %dma_wait3A_264 = arith.constant 0 : i32
      %dma_wait3A_265 = arith.constant 0 : i32
      %dma_wait3A_266 = tpu.memref_slice %arg3[%dma_wait3A_264, %dma_wait3A_265] : memref<100000x128xf32, #tpu.memory_space<hbm>> -> memref<100000x128xf32, #tpu.memory_space<hbm>>
      tpu.wait_indirect_dma semaphore(%arg13 : memref<!tpu.dma_semaphore, #tpu.memory_space<semaphore_mem>>) src(%dma_wait3A_266 : memref<100000x128xf32, #tpu.memory_space<hbm>>) dst(%dma_wait3A_260 : memref<100x128xf32, #tpu.memory_space<vmem>>)
      %dma_wait3A_267 = arith.constant 0 : i32
      %dma_wait3A_268 = arith.constant 0 : i32
      %dma_wait3A_269 = arith.constant 100 : i32
      %dma_wait3A_270 = arith.constant 0 : i32
      %dma_wait3A_271 = tpu.memref_slice %arg8[%dma_wait3A_269, %dma_wait3A_270] : memref<200x128xf32, #tpu.memory_space<vmem>> -> memref<100x128xf32, #tpu.memory_space<vmem>>
      %dma_wait3A_272 = arith.constant 0 : i32
      %dma_wait3A_273 = tpu.memref_slice %arg6[%dma_wait3A_267, %dma_wait3A_268, %dma_wait3A_272] : memref<4x2x100xi32, #tpu.memory_space<vmem>> -> memref<1x1x100xi32, #tpu.memory_space<vmem>>
      %dma_wait3A_274 = tpu.memref_squeeze %dma_wait3A_273 : memref<1x1x100xi32, #tpu.memory_space<vmem>> -> memref<100xi32, #tpu.memory_space<vmem>>
      %dma_wait3A_275 = arith.constant 0 : i32
      %dma_wait3A_276 = arith.constant 0 : i32
      %dma_wait3A_277 = tpu.memref_slice %arg3[%dma_wait3A_275, %dma_wait3A_276] : memref<100000x128xf32, #tpu.memory_space<hbm>> -> memref<100000x128xf32, #tpu.memory_space<hbm>>
      tpu.wait_indirect_dma semaphore(%arg13 : memref<!tpu.dma_semaphore, #tpu.memory_space<semaphore_mem>>) src(%dma_wait3A_277 : memref<100000x128xf32, #tpu.memory_space<hbm>>) dst(%dma_wait3A_271 : memref<100x128xf32, #tpu.memory_space<vmem>>)
      %scan3A_278 = arith.constant 0 : i32
      %scan3A_279 = arith.constant 0 : i32
      %scan3A_280 = arith.constant 50 : i32
      %scan3A_281 = arith.addi %scan3A_279, %scan3A_280 : i32
      %scan3A_282 = arith.constant 1 : i32
      scf.for %scan3A_409 = %scan3A_279 to %scan3A_281 step %scan3A_282  : i32 {
        %mul3A_410 = arith.constant 4 : i32
        %mul3A_411 = arith.muli %mul3A_410, %scan3A_409 : i32
        %add3A_412 = arith.constant 0 : i32
        %add3A_413 = arith.addi %mul3A_411, %add3A_412 : i32
        %get3A = arith.index_cast %add3A_413 : i32 to index
        %get3A_414 = arith.constant 0 : index
        %get3A_415 = tpu.vector_load %arg11[%get3A, %get3A_414] {strides = array<i32>} : memref<200x128xf32, #tpu.memory_space<vmem>>, vector<1x16xf32>,
        %get3A_416 = vector.shape_cast %get3A_415 : vector<1x16xf32> to vector<16xf32>
        %swap3A = arith.index_cast %add3A_413 : i32 to index
        %swap3A_417 = arith.constant 0 : index
        %swap3A_418 = tpu.vector_load %arg8[%swap3A, %swap3A_417] {strides = array<i32>} : memref<200x128xf32, #tpu.memory_space<vmem>>, vector<1x16xf32>,
        %swap3A_419 = vector.shape_cast %swap3A_418 : vector<1x16xf32> to vector<16xf32>
        %swap3A_420 = vector.shape_cast %get3A_416 : vector<16xf32> to vector<1x16xf32>
        tpu.vector_store %arg8[%swap3A, %swap3A_417], %swap3A_420 {add = true, strides = array<i32>} : memref<200x128xf32, #tpu.memory_space<vmem>>, vector<1x16xf32>,
        %get3A_421 = arith.index_cast %add3A_413 : i32 to index
        %get3A_422 = arith.constant 16 : index
        %get3A_423 = tpu.vector_load %arg11[%get3A_421, %get3A_422] {strides = array<i32>} : memref<200x128xf32, #tpu.memory_space<vmem>>, vector<1x16xf32>,
        %get3A_424 = vector.shape_cast %get3A_423 : vector<1x16xf32> to vector<16xf32>
        %swap3A_425 = arith.index_cast %add3A_413 : i32 to index
        %swap3A_426 = arith.constant 16 : index
        %swap3A_427 = tpu.vector_load %arg8[%swap3A_425, %swap3A_426] {strides = array<i32>} : memref<200x128xf32, #tpu.memory_space<vmem>>, vector<1x16xf32>,
        %swap3A_428 = vector.shape_cast %swap3A_427 : vector<1x16xf32> to vector<16xf32>
        %swap3A_429 = vector.shape_cast %get3A_424 : vector<16xf32> to vector<1x16xf32>
        tpu.vector_store %arg8[%swap3A_425, %swap3A_426], %swap3A_429 {add = true, strides = array<i32>} : memref<200x128xf32, #tpu.memory_space<vmem>>, vector<1x16xf32>,
        %get3A_430 = arith.index_cast %add3A_413 : i32 to index
        %get3A_431 = arith.constant 32 : index
        %get3A_432 = tpu.vector_load %arg11[%get3A_430, %get3A_431] {strides = array<i32>} : memref<200x128xf32, #tpu.memory_space<vmem>>, vector<1x16xf32>,
        %get3A_433 = vector.shape_cast %get3A_432 : vector<1x16xf32> to vector<16xf32>
        %swap3A_434 = arith.index_cast %add3A_413 : i32 to index
        %swap3A_435 = arith.constant 32 : index
        %swap3A_436 = tpu.vector_load %arg8[%swap3A_434, %swap3A_435] {strides = array<i32>} : memref<200x128xf32, #tpu.memory_space<vmem>>, vector<1x16xf32>,
        %swap3A_437 = vector.shape_cast %swap3A_436 : vector<1x16xf32> to vector<16xf32>
        %swap3A_438 = vector.shape_cast %get3A_433 : vector<16xf32> to vector<1x16xf32>
        tpu.vector_store %arg8[%swap3A_434, %swap3A_435], %swap3A_438 {add = true, strides = array<i32>} : memref<200x128xf32, #tpu.memory_space<vmem>>, vector<1x16xf32>,
        %get3A_439 = arith.index_cast %add3A_413 : i32 to index
        %get3A_440 = arith.constant 48 : index
        %get3A_441 = tpu.vector_load %arg11[%get3A_439, %get3A_440] {strides = array<i32>} : memref<200x128xf32, #tpu.memory_space<vmem>>, vector<1x16xf32>,
        %get3A_442 = vector.shape_cast %get3A_441 : vector<1x16xf32> to vector<16xf32>
        %swap3A_443 = arith.index_cast %add3A_413 : i32 to index
        %swap3A_444 = arith.constant 48 : index
        %swap3A_445 = tpu.vector_load %arg8[%swap3A_443, %swap3A_444] {strides = array<i32>} : memref<200x128xf32, #tpu.memory_space<vmem>>, vector<1x16xf32>,
        %swap3A_446 = vector.shape_cast %swap3A_445 : vector<1x16xf32> to vector<16xf32>
        %swap3A_447 = vector.shape_cast %get3A_442 : vector<16xf32> to vector<1x16xf32>
        tpu.vector_store %arg8[%swap3A_443, %swap3A_444], %swap3A_447 {add = true, strides = array<i32>} : memref<200x128xf32, #tpu.memory_space<vmem>>, vector<1x16xf32>,
        %get3A_448 = arith.index_cast %add3A_413 : i32 to index
        %get3A_449 = arith.constant 64 : index
        %get3A_450 = tpu.vector_load %arg11[%get3A_448, %get3A_449] {strides = array<i32>} : memref<200x128xf32, #tpu.memory_space<vmem>>, vector<1x16xf32>,
        %get3A_451 = vector.shape_cast %get3A_450 : vector<1x16xf32> to vector<16xf32>
        %swap3A_452 = arith.index_cast %add3A_413 : i32 to index
        %swap3A_453 = arith.constant 64 : index
        %swap3A_454 = tpu.vector_load %arg8[%swap3A_452, %swap3A_453] {strides = array<i32>} : memref<200x128xf32, #tpu.memory_space<vmem>>, vector<1x16xf32>,
        %swap3A_455 = vector.shape_cast %swap3A_454 : vector<1x16xf32> to vector<16xf32>
        %swap3A_456 = vector.shape_cast %get3A_451 : vector<16xf32> to vector<1x16xf32>
        tpu.vector_store %arg8[%swap3A_452, %swap3A_453], %swap3A_456 {add = true, strides = array<i32>} : memref<200x128xf32, #tpu.memory_space<vmem>>, vector<1x16xf32>,
        %get3A_457 = arith.index_cast %add3A_413 : i32 to index
        %get3A_458 = arith.constant 80 : index
        %get3A_459 = tpu.vector_load %arg11[%get3A_457, %get3A_458] {strides = array<i32>} : memref<200x128xf32, #tpu.memory_space<vmem>>, vector<1x16xf32>,
        %get3A_460 = vector.shape_cast %get3A_459 : vector<1x16xf32> to vector<16xf32>
        %swap3A_461 = arith.index_cast %add3A_413 : i32 to index
        %swap3A_462 = arith.constant 80 : index
        %swap3A_463 = tpu.vector_load %arg8[%swap3A_461, %swap3A_462] {strides = array<i32>} : memref<200x128xf32, #tpu.memory_space<vmem>>, vector<1x16xf32>,
        %swap3A_464 = vector.shape_cast %swap3A_463 : vector<1x16xf32> to vector<16xf32>
        %swap3A_465 = vector.shape_cast %get3A_460 : vector<16xf32> to vector<1x16xf32>
        tpu.vector_store %arg8[%swap3A_461, %swap3A_462], %swap3A_465 {add = true, strides = array<i32>} : memref<200x128xf32, #tpu.memory_space<vmem>>, vector<1x16xf32>,
        %get3A_466 = arith.index_cast %add3A_413 : i32 to index
        %get3A_467 = arith.constant 96 : index
        %get3A_468 = tpu.vector_load %arg11[%get3A_466, %get3A_467] {strides = array<i32>} : memref<200x128xf32, #tpu.memory_space<vmem>>, vector<1x16xf32>,
        %get3A_469 = vector.shape_cast %get3A_468 : vector<1x16xf32> to vector<16xf32>
        %swap3A_470 = arith.index_cast %add3A_413 : i32 to index
        %swap3A_471 = arith.constant 96 : index
        %swap3A_472 = tpu.vector_load %arg8[%swap3A_470, %swap3A_471] {strides = array<i32>} : memref<200x128xf32, #tpu.memory_space<vmem>>, vector<1x16xf32>,
        %swap3A_473 = vector.shape_cast %swap3A_472 : vector<1x16xf32> to vector<16xf32>
        %swap3A_474 = vector.shape_cast %get3A_469 : vector<16xf32> to vector<1x16xf32>
        tpu.vector_store %arg8[%swap3A_470, %swap3A_471], %swap3A_474 {add = true, strides = array<i32>} : memref<200x128xf32, #tpu.memory_space<vmem>>, vector<1x16xf32>,
        %get3A_475 = arith.index_cast %add3A_413 : i32 to index
        %get3A_476 = arith.constant 112 : index
        %get3A_477 = tpu.vector_load %arg11[%get3A_475, %get3A_476] {strides = array<i32>} : memref<200x128xf32, #tpu.memory_space<vmem>>, vector<1x16xf32>,
        %get3A_478 = vector.shape_cast %get3A_477 : vector<1x16xf32> to vector<16xf32>
        %swap3A_479 = arith.index_cast %add3A_413 : i32 to index
        %swap3A_480 = arith.constant 112 : index
        %swap3A_481 = tpu.vector_load %arg8[%swap3A_479, %swap3A_480] {strides = array<i32>} : memref<200x128xf32, #tpu.memory_space<vmem>>, vector<1x16xf32>,
        %swap3A_482 = vector.shape_cast %swap3A_481 : vector<1x16xf32> to vector<16xf32>
        %swap3A_483 = vector.shape_cast %get3A_478 : vector<16xf32> to vector<1x16xf32>
        tpu.vector_store %arg8[%swap3A_479, %swap3A_480], %swap3A_483 {add = true, strides = array<i32>} : memref<200x128xf32, #tpu.memory_space<vmem>>, vector<1x16xf32>,
        %mul3A_484 = arith.constant 4 : i32
        %mul3A_485 = arith.muli %mul3A_484, %scan3A_409 : i32
        %add3A_486 = arith.constant 1 : i32
        %add3A_487 = arith.addi %mul3A_485, %add3A_486 : i32
        %get3A_488 = arith.index_cast %add3A_487 : i32 to index
        %get3A_489 = arith.constant 0 : index
        %get3A_490 = tpu.vector_load %arg11[%get3A_488, %get3A_489] {strides = array<i32>} : memref<200x128xf32, #tpu.memory_space<vmem>>, vector<1x16xf32>,
        %get3A_491 = vector.shape_cast %get3A_490 : vector<1x16xf32> to vector<16xf32>
        %swap3A_492 = arith.index_cast %add3A_487 : i32 to index
        %swap3A_493 = arith.constant 0 : index
        %swap3A_494 = tpu.vector_load %arg8[%swap3A_492, %swap3A_493] {strides = array<i32>} : memref<200x128xf32, #tpu.memory_space<vmem>>, vector<1x16xf32>,
        %swap3A_495 = vector.shape_cast %swap3A_494 : vector<1x16xf32> to vector<16xf32>
        %swap3A_496 = vector.shape_cast %get3A_491 : vector<16xf32> to vector<1x16xf32>
        tpu.vector_store %arg8[%swap3A_492, %swap3A_493], %swap3A_496 {add = true, strides = array<i32>} : memref<200x128xf32, #tpu.memory_space<vmem>>, vector<1x16xf32>,
        %get3A_497 = arith.index_cast %add3A_487 : i32 to index
        %get3A_498 = arith.constant 16 : index
        %get3A_499 = tpu.vector_load %arg11[%get3A_497, %get3A_498] {strides = array<i32>} : memref<200x128xf32, #tpu.memory_space<vmem>>, vector<1x16xf32>,
        %get3A_500 = vector.shape_cast %get3A_499 : vector<1x16xf32> to vector<16xf32>
        %swap3A_501 = arith.index_cast %add3A_487 : i32 to index
        %swap3A_502 = arith.constant 16 : index
        %swap3A_503 = tpu.vector_load %arg8[%swap3A_501, %swap3A_502] {strides = array<i32>} : memref<200x128xf32, #tpu.memory_space<vmem>>, vector<1x16xf32>,
        %swap3A_504 = vector.shape_cast %swap3A_503 : vector<1x16xf32> to vector<16xf32>
        %swap3A_505 = vector.shape_cast %get3A_500 : vector<16xf32> to vector<1x16xf32>
        tpu.vector_store %arg8[%swap3A_501, %swap3A_502], %swap3A_505 {add = true, strides = array<i32>} : memref<200x128xf32, #tpu.memory_space<vmem>>, vector<1x16xf32>,
        %get3A_506 = arith.index_cast %add3A_487 : i32 to index
        %get3A_507 = arith.constant 32 : index
        %get3A_508 = tpu.vector_load %arg11[%get3A_506, %get3A_507] {strides = array<i32>} : memref<200x128xf32, #tpu.memory_space<vmem>>, vector<1x16xf32>,
        %get3A_509 = vector.shape_cast %get3A_508 : vector<1x16xf32> to vector<16xf32>
        %swap3A_510 = arith.index_cast %add3A_487 : i32 to index
        %swap3A_511 = arith.constant 32 : index
        %swap3A_512 = tpu.vector_load %arg8[%swap3A_510, %swap3A_511] {strides = array<i32>} : memref<200x128xf32, #tpu.memory_space<vmem>>, vector<1x16xf32>,
        %swap3A_513 = vector.shape_cast %swap3A_512 : vector<1x16xf32> to vector<16xf32>
        %swap3A_514 = vector.shape_cast %get3A_509 : vector<16xf32> to vector<1x16xf32>
        tpu.vector_store %arg8[%swap3A_510, %swap3A_511], %swap3A_514 {add = true, strides = array<i32>} : memref<200x128xf32, #tpu.memory_space<vmem>>, vector<1x16xf32>,
        %get3A_515 = arith.index_cast %add3A_487 : i32 to index
        %get3A_516 = arith.constant 48 : index
        %get3A_517 = tpu.vector_load %arg11[%get3A_515, %get3A_516] {strides = array<i32>} : memref<200x128xf32, #tpu.memory_space<vmem>>, vector<1x16xf32>,
        %get3A_518 = vector.shape_cast %get3A_517 : vector<1x16xf32> to vector<16xf32>
        %swap3A_519 = arith.index_cast %add3A_487 : i32 to index
        %swap3A_520 = arith.constant 48 : index
        %swap3A_521 = tpu.vector_load %arg8[%swap3A_519, %swap3A_520] {strides = array<i32>} : memref<200x128xf32, #tpu.memory_space<vmem>>, vector<1x16xf32>,
        %swap3A_522 = vector.shape_cast %swap3A_521 : vector<1x16xf32> to vector<16xf32>
        %swap3A_523 = vector.shape_cast %get3A_518 : vector<16xf32> to vector<1x16xf32>
        tpu.vector_store %arg8[%swap3A_519, %swap3A_520], %swap3A_523 {add = true, strides = array<i32>} : memref<200x128xf32, #tpu.memory_space<vmem>>, vector<1x16xf32>,
        %get3A_524 = arith.index_cast %add3A_487 : i32 to index
        %get3A_525 = arith.constant 64 : index
        %get3A_526 = tpu.vector_load %arg11[%get3A_524, %get3A_525] {strides = array<i32>} : memref<200x128xf32, #tpu.memory_space<vmem>>, vector<1x16xf32>,
        %get3A_527 = vector.shape_cast %get3A_526 : vector<1x16xf32> to vector<16xf32>
        %swap3A_528 = arith.index_cast %add3A_487 : i32 to index
        %swap3A_529 = arith.constant 64 : index
        %swap3A_530 = tpu.vector_load %arg8[%swap3A_528, %swap3A_529] {strides = array<i32>} : memref<200x128xf32, #tpu.memory_space<vmem>>, vector<1x16xf32>,
        %swap3A_531 = vector.shape_cast %swap3A_530 : vector<1x16xf32> to vector<16xf32>
        %swap3A_532 = vector.shape_cast %get3A_527 : vector<16xf32> to vector<1x16xf32>
        tpu.vector_store %arg8[%swap3A_528, %swap3A_529], %swap3A_532 {add = true, strides = array<i32>} : memref<200x128xf32, #tpu.memory_space<vmem>>, vector<1x16xf32>,
        %get3A_533 = arith.index_cast %add3A_487 : i32 to index
        %get3A_534 = arith.constant 80 : index
        %get3A_535 = tpu.vector_load %arg11[%get3A_533, %get3A_534] {strides = array<i32>} : memref<200x128xf32, #tpu.memory_space<vmem>>, vector<1x16xf32>,
        %get3A_536 = vector.shape_cast %get3A_535 : vector<1x16xf32> to vector<16xf32>
        %swap3A_537 = arith.index_cast %add3A_487 : i32 to index
        %swap3A_538 = arith.constant 80 : index
        %swap3A_539 = tpu.vector_load %arg8[%swap3A_537, %swap3A_538] {strides = array<i32>} : memref<200x128xf32, #tpu.memory_space<vmem>>, vector<1x16xf32>,
        %swap3A_540 = vector.shape_cast %swap3A_539 : vector<1x16xf32> to vector<16xf32>
        %swap3A_541 = vector.shape_cast %get3A_536 : vector<16xf32> to vector<1x16xf32>
        tpu.vector_store %arg8[%swap3A_537, %swap3A_538], %swap3A_541 {add = true, strides = array<i32>} : memref<200x128xf32, #tpu.memory_space<vmem>>, vector<1x16xf32>,
        %get3A_542 = arith.index_cast %add3A_487 : i32 to index
        %get3A_543 = arith.constant 96 : index
        %get3A_544 = tpu.vector_load %arg11[%get3A_542, %get3A_543] {strides = array<i32>} : memref<200x128xf32, #tpu.memory_space<vmem>>, vector<1x16xf32>,
        %get3A_545 = vector.shape_cast %get3A_544 : vector<1x16xf32> to vector<16xf32>
        %swap3A_546 = arith.index_cast %add3A_487 : i32 to index
        %swap3A_547 = arith.constant 96 : index
        %swap3A_548 = tpu.vector_load %arg8[%swap3A_546, %swap3A_547] {strides = array<i32>} : memref<200x128xf32, #tpu.memory_space<vmem>>, vector<1x16xf32>,
        %swap3A_549 = vector.shape_cast %swap3A_548 : vector<1x16xf32> to vector<16xf32>
        %swap3A_550 = vector.shape_cast %get3A_545 : vector<16xf32> to vector<1x16xf32>
        tpu.vector_store %arg8[%swap3A_546, %swap3A_547], %swap3A_550 {add = true, strides = array<i32>} : memref<200x128xf32, #tpu.memory_space<vmem>>, vector<1x16xf32>,
        %get3A_551 = arith.index_cast %add3A_487 : i32 to index
        %get3A_552 = arith.constant 112 : index
        %get3A_553 = tpu.vector_load %arg11[%get3A_551, %get3A_552] {strides = array<i32>} : memref<200x128xf32, #tpu.memory_space<vmem>>, vector<1x16xf32>,
        %get3A_554 = vector.shape_cast %get3A_553 : vector<1x16xf32> to vector<16xf32>
        %swap3A_555 = arith.index_cast %add3A_487 : i32 to index
        %swap3A_556 = arith.constant 112 : index
        %swap3A_557 = tpu.vector_load %arg8[%swap3A_555, %swap3A_556] {strides = array<i32>} : memref<200x128xf32, #tpu.memory_space<vmem>>, vector<1x16xf32>,
        %swap3A_558 = vector.shape_cast %swap3A_557 : vector<1x16xf32> to vector<16xf32>
        %swap3A_559 = vector.shape_cast %get3A_554 : vector<16xf32> to vector<1x16xf32>
        tpu.vector_store %arg8[%swap3A_555, %swap3A_556], %swap3A_559 {add = true, strides = array<i32>} : memref<200x128xf32, #tpu.memory_space<vmem>>, vector<1x16xf32>,
        %mul3A_560 = arith.constant 4 : i32
        %mul3A_561 = arith.muli %mul3A_560, %scan3A_409 : i32
        %add3A_562 = arith.constant 2 : i32
        %add3A_563 = arith.addi %mul3A_561, %add3A_562 : i32
        %get3A_564 = arith.index_cast %add3A_563 : i32 to index
        %get3A_565 = arith.constant 0 : index
        %get3A_566 = tpu.vector_load %arg11[%get3A_564, %get3A_565] {strides = array<i32>} : memref<200x128xf32, #tpu.memory_space<vmem>>, vector<1x16xf32>,
        %get3A_567 = vector.shape_cast %get3A_566 : vector<1x16xf32> to vector<16xf32>
        %swap3A_568 = arith.index_cast %add3A_563 : i32 to index
        %swap3A_569 = arith.constant 0 : index
        %swap3A_570 = tpu.vector_load %arg8[%swap3A_568, %swap3A_569] {strides = array<i32>} : memref<200x128xf32, #tpu.memory_space<vmem>>, vector<1x16xf32>,
        %swap3A_571 = vector.shape_cast %swap3A_570 : vector<1x16xf32> to vector<16xf32>
        %swap3A_572 = vector.shape_cast %get3A_567 : vector<16xf32> to vector<1x16xf32>
        tpu.vector_store %arg8[%swap3A_568, %swap3A_569], %swap3A_572 {add = true, strides = array<i32>} : memref<200x128xf32, #tpu.memory_space<vmem>>, vector<1x16xf32>,
        %get3A_573 = arith.index_cast %add3A_563 : i32 to index
        %get3A_574 = arith.constant 16 : index
        %get3A_575 = tpu.vector_load %arg11[%get3A_573, %get3A_574] {strides = array<i32>} : memref<200x128xf32, #tpu.memory_space<vmem>>, vector<1x16xf32>,
        %get3A_576 = vector.shape_cast %get3A_575 : vector<1x16xf32> to vector<16xf32>
        %swap3A_577 = arith.index_cast %add3A_563 : i32 to index
        %swap3A_578 = arith.constant 16 : index
        %swap3A_579 = tpu.vector_load %arg8[%swap3A_577, %swap3A_578] {strides = array<i32>} : memref<200x128xf32, #tpu.memory_space<vmem>>, vector<1x16xf32>,
        %swap3A_580 = vector.shape_cast %swap3A_579 : vector<1x16xf32> to vector<16xf32>
        %swap3A_581 = vector.shape_cast %get3A_576 : vector<16xf32> to vector<1x16xf32>
        tpu.vector_store %arg8[%swap3A_577, %swap3A_578], %swap3A_581 {add = true, strides = array<i32>} : memref<200x128xf32, #tpu.memory_space<vmem>>, vector<1x16xf32>,
        %get3A_582 = arith.index_cast %add3A_563 : i32 to index
        %get3A_583 = arith.constant 32 : index
        %get3A_584 = tpu.vector_load %arg11[%get3A_582, %get3A_583] {strides = array<i32>} : memref<200x128xf32, #tpu.memory_space<vmem>>, vector<1x16xf32>,
        %get3A_585 = vector.shape_cast %get3A_584 : vector<1x16xf32> to vector<16xf32>
        %swap3A_586 = arith.index_cast %add3A_563 : i32 to index
        %swap3A_587 = arith.constant 32 : index
        %swap3A_588 = tpu.vector_load %arg8[%swap3A_586, %swap3A_587] {strides = array<i32>} : memref<200x128xf32, #tpu.memory_space<vmem>>, vector<1x16xf32>,
        %swap3A_589 = vector.shape_cast %swap3A_588 : vector<1x16xf32> to vector<16xf32>
        %swap3A_590 = vector.shape_cast %get3A_585 : vector<16xf32> to vector<1x16xf32>
        tpu.vector_store %arg8[%swap3A_586, %swap3A_587], %swap3A_590 {add = true, strides = array<i32>} : memref<200x128xf32, #tpu.memory_space<vmem>>, vector<1x16xf32>,
        %get3A_591 = arith.index_cast %add3A_563 : i32 to index
        %get3A_592 = arith.constant 48 : index
        %get3A_593 = tpu.vector_load %arg11[%get3A_591, %get3A_592] {strides = array<i32>} : memref<200x128xf32, #tpu.memory_space<vmem>>, vector<1x16xf32>,
        %get3A_594 = vector.shape_cast %get3A_593 : vector<1x16xf32> to vector<16xf32>
        %swap3A_595 = arith.index_cast %add3A_563 : i32 to index
        %swap3A_596 = arith.constant 48 : index
        %swap3A_597 = tpu.vector_load %arg8[%swap3A_595, %swap3A_596] {strides = array<i32>} : memref<200x128xf32, #tpu.memory_space<vmem>>, vector<1x16xf32>,
        %swap3A_598 = vector.shape_cast %swap3A_597 : vector<1x16xf32> to vector<16xf32>
        %swap3A_599 = vector.shape_cast %get3A_594 : vector<16xf32> to vector<1x16xf32>
        tpu.vector_store %arg8[%swap3A_595, %swap3A_596], %swap3A_599 {add = true, strides = array<i32>} : memref<200x128xf32, #tpu.memory_space<vmem>>, vector<1x16xf32>,
        %get3A_600 = arith.index_cast %add3A_563 : i32 to index
        %get3A_601 = arith.constant 64 : index
        %get3A_602 = tpu.vector_load %arg11[%get3A_600, %get3A_601] {strides = array<i32>} : memref<200x128xf32, #tpu.memory_space<vmem>>, vector<1x16xf32>,
        %get3A_603 = vector.shape_cast %get3A_602 : vector<1x16xf32> to vector<16xf32>
        %swap3A_604 = arith.index_cast %add3A_563 : i32 to index
        %swap3A_605 = arith.constant 64 : index
        %swap3A_606 = tpu.vector_load %arg8[%swap3A_604, %swap3A_605] {strides = array<i32>} : memref<200x128xf32, #tpu.memory_space<vmem>>, vector<1x16xf32>,
        %swap3A_607 = vector.shape_cast %swap3A_606 : vector<1x16xf32> to vector<16xf32>
        %swap3A_608 = vector.shape_cast %get3A_603 : vector<16xf32> to vector<1x16xf32>
        tpu.vector_store %arg8[%swap3A_604, %swap3A_605], %swap3A_608 {add = true, strides = array<i32>} : memref<200x128xf32, #tpu.memory_space<vmem>>, vector<1x16xf32>,
        %get3A_609 = arith.index_cast %add3A_563 : i32 to index
        %get3A_610 = arith.constant 80 : index
        %get3A_611 = tpu.vector_load %arg11[%get3A_609, %get3A_610] {strides = array<i32>} : memref<200x128xf32, #tpu.memory_space<vmem>>, vector<1x16xf32>,
        %get3A_612 = vector.shape_cast %get3A_611 : vector<1x16xf32> to vector<16xf32>
        %swap3A_613 = arith.index_cast %add3A_563 : i32 to index
        %swap3A_614 = arith.constant 80 : index
        %swap3A_615 = tpu.vector_load %arg8[%swap3A_613, %swap3A_614] {strides = array<i32>} : memref<200x128xf32, #tpu.memory_space<vmem>>, vector<1x16xf32>,
        %swap3A_616 = vector.shape_cast %swap3A_615 : vector<1x16xf32> to vector<16xf32>
        %swap3A_617 = vector.shape_cast %get3A_612 : vector<16xf32> to vector<1x16xf32>
        tpu.vector_store %arg8[%swap3A_613, %swap3A_614], %swap3A_617 {add = true, strides = array<i32>} : memref<200x128xf32, #tpu.memory_space<vmem>>, vector<1x16xf32>,
        %get3A_618 = arith.index_cast %add3A_563 : i32 to index
        %get3A_619 = arith.constant 96 : index
        %get3A_620 = tpu.vector_load %arg11[%get3A_618, %get3A_619] {strides = array<i32>} : memref<200x128xf32, #tpu.memory_space<vmem>>, vector<1x16xf32>,
        %get3A_621 = vector.shape_cast %get3A_620 : vector<1x16xf32> to vector<16xf32>
        %swap3A_622 = arith.index_cast %add3A_563 : i32 to index
        %swap3A_623 = arith.constant 96 : index
        %swap3A_624 = tpu.vector_load %arg8[%swap3A_622, %swap3A_623] {strides = array<i32>} : memref<200x128xf32, #tpu.memory_space<vmem>>, vector<1x16xf32>,
        %swap3A_625 = vector.shape_cast %swap3A_624 : vector<1x16xf32> to vector<16xf32>
        %swap3A_626 = vector.shape_cast %get3A_621 : vector<16xf32> to vector<1x16xf32>
        tpu.vector_store %arg8[%swap3A_622, %swap3A_623], %swap3A_626 {add = true, strides = array<i32>} : memref<200x128xf32, #tpu.memory_space<vmem>>, vector<1x16xf32>,
        %get3A_627 = arith.index_cast %add3A_563 : i32 to index
        %get3A_628 = arith.constant 112 : index
        %get3A_629 = tpu.vector_load %arg11[%get3A_627, %get3A_628] {strides = array<i32>} : memref<200x128xf32, #tpu.memory_space<vmem>>, vector<1x16xf32>,
        %get3A_630 = vector.shape_cast %get3A_629 : vector<1x16xf32> to vector<16xf32>
        %swap3A_631 = arith.index_cast %add3A_563 : i32 to index
        %swap3A_632 = arith.constant 112 : index
        %swap3A_633 = tpu.vector_load %arg8[%swap3A_631, %swap3A_632] {strides = array<i32>} : memref<200x128xf32, #tpu.memory_space<vmem>>, vector<1x16xf32>,
        %swap3A_634 = vector.shape_cast %swap3A_633 : vector<1x16xf32> to vector<16xf32>
        %swap3A_635 = vector.shape_cast %get3A_630 : vector<16xf32> to vector<1x16xf32>
        tpu.vector_store %arg8[%swap3A_631, %swap3A_632], %swap3A_635 {add = true, strides = array<i32>} : memref<200x128xf32, #tpu.memory_space<vmem>>, vector<1x16xf32>,
        %mul3A_636 = arith.constant 4 : i32
        %mul3A_637 = arith.muli %mul3A_636, %scan3A_409 : i32
        %add3A_638 = arith.constant 3 : i32
        %add3A_639 = arith.addi %mul3A_637, %add3A_638 : i32
        %get3A_640 = arith.index_cast %add3A_639 : i32 to index
        %get3A_641 = arith.constant 0 : index
        %get3A_642 = tpu.vector_load %arg11[%get3A_640, %get3A_641] {strides = array<i32>} : memref<200x128xf32, #tpu.memory_space<vmem>>, vector<1x16xf32>,
        %get3A_643 = vector.shape_cast %get3A_642 : vector<1x16xf32> to vector<16xf32>
        %swap3A_644 = arith.index_cast %add3A_639 : i32 to index
        %swap3A_645 = arith.constant 0 : index
        %swap3A_646 = tpu.vector_load %arg8[%swap3A_644, %swap3A_645] {strides = array<i32>} : memref<200x128xf32, #tpu.memory_space<vmem>>, vector<1x16xf32>,
        %swap3A_647 = vector.shape_cast %swap3A_646 : vector<1x16xf32> to vector<16xf32>
        %swap3A_648 = vector.shape_cast %get3A_643 : vector<16xf32> to vector<1x16xf32>
        tpu.vector_store %arg8[%swap3A_644, %swap3A_645], %swap3A_648 {add = true, strides = array<i32>} : memref<200x128xf32, #tpu.memory_space<vmem>>, vector<1x16xf32>,
        %get3A_649 = arith.index_cast %add3A_639 : i32 to index
        %get3A_650 = arith.constant 16 : index
        %get3A_651 = tpu.vector_load %arg11[%get3A_649, %get3A_650] {strides = array<i32>} : memref<200x128xf32, #tpu.memory_space<vmem>>, vector<1x16xf32>,
        %get3A_652 = vector.shape_cast %get3A_651 : vector<1x16xf32> to vector<16xf32>
        %swap3A_653 = arith.index_cast %add3A_639 : i32 to index
        %swap3A_654 = arith.constant 16 : index
        %swap3A_655 = tpu.vector_load %arg8[%swap3A_653, %swap3A_654] {strides = array<i32>} : memref<200x128xf32, #tpu.memory_space<vmem>>, vector<1x16xf32>,
        %swap3A_656 = vector.shape_cast %swap3A_655 : vector<1x16xf32> to vector<16xf32>
        %swap3A_657 = vector.shape_cast %get3A_652 : vector<16xf32> to vector<1x16xf32>
        tpu.vector_store %arg8[%swap3A_653, %swap3A_654], %swap3A_657 {add = true, strides = array<i32>} : memref<200x128xf32, #tpu.memory_space<vmem>>, vector<1x16xf32>,
        %get3A_658 = arith.index_cast %add3A_639 : i32 to index
        %get3A_659 = arith.constant 32 : index
        %get3A_660 = tpu.vector_load %arg11[%get3A_658, %get3A_659] {strides = array<i32>} : memref<200x128xf32, #tpu.memory_space<vmem>>, vector<1x16xf32>,
        %get3A_661 = vector.shape_cast %get3A_660 : vector<1x16xf32> to vector<16xf32>
        %swap3A_662 = arith.index_cast %add3A_639 : i32 to index
        %swap3A_663 = arith.constant 32 : index
        %swap3A_664 = tpu.vector_load %arg8[%swap3A_662, %swap3A_663] {strides = array<i32>} : memref<200x128xf32, #tpu.memory_space<vmem>>, vector<1x16xf32>,
        %swap3A_665 = vector.shape_cast %swap3A_664 : vector<1x16xf32> to vector<16xf32>
        %swap3A_666 = vector.shape_cast %get3A_661 : vector<16xf32> to vector<1x16xf32>
        tpu.vector_store %arg8[%swap3A_662, %swap3A_663], %swap3A_666 {add = true, strides = array<i32>} : memref<200x128xf32, #tpu.memory_space<vmem>>, vector<1x16xf32>,
        %get3A_667 = arith.index_cast %add3A_639 : i32 to index
        %get3A_668 = arith.constant 48 : index
        %get3A_669 = tpu.vector_load %arg11[%get3A_667, %get3A_668] {strides = array<i32>} : memref<200x128xf32, #tpu.memory_space<vmem>>, vector<1x16xf32>,
        %get3A_670 = vector.shape_cast %get3A_669 : vector<1x16xf32> to vector<16xf32>
        %swap3A_671 = arith.index_cast %add3A_639 : i32 to index
        %swap3A_672 = arith.constant 48 : index
        %swap3A_673 = tpu.vector_load %arg8[%swap3A_671, %swap3A_672] {strides = array<i32>} : memref<200x128xf32, #tpu.memory_space<vmem>>, vector<1x16xf32>,
        %swap3A_674 = vector.shape_cast %swap3A_673 : vector<1x16xf32> to vector<16xf32>
        %swap3A_675 = vector.shape_cast %get3A_670 : vector<16xf32> to vector<1x16xf32>
        tpu.vector_store %arg8[%swap3A_671, %swap3A_672], %swap3A_675 {add = true, strides = array<i32>} : memref<200x128xf32, #tpu.memory_space<vmem>>, vector<1x16xf32>,
        %get3A_676 = arith.index_cast %add3A_639 : i32 to index
        %get3A_677 = arith.constant 64 : index
        %get3A_678 = tpu.vector_load %arg11[%get3A_676, %get3A_677] {strides = array<i32>} : memref<200x128xf32, #tpu.memory_space<vmem>>, vector<1x16xf32>,
        %get3A_679 = vector.shape_cast %get3A_678 : vector<1x16xf32> to vector<16xf32>
        %swap3A_680 = arith.index_cast %add3A_639 : i32 to index
        %swap3A_681 = arith.constant 64 : index
        %swap3A_682 = tpu.vector_load %arg8[%swap3A_680, %swap3A_681] {strides = array<i32>} : memref<200x128xf32, #tpu.memory_space<vmem>>, vector<1x16xf32>,
        %swap3A_683 = vector.shape_cast %swap3A_682 : vector<1x16xf32> to vector<16xf32>
        %swap3A_684 = vector.shape_cast %get3A_679 : vector<16xf32> to vector<1x16xf32>
        tpu.vector_store %arg8[%swap3A_680, %swap3A_681], %swap3A_684 {add = true, strides = array<i32>} : memref<200x128xf32, #tpu.memory_space<vmem>>, vector<1x16xf32>,
        %get3A_685 = arith.index_cast %add3A_639 : i32 to index
        %get3A_686 = arith.constant 80 : index
        %get3A_687 = tpu.vector_load %arg11[%get3A_685, %get3A_686] {strides = array<i32>} : memref<200x128xf32, #tpu.memory_space<vmem>>, vector<1x16xf32>,
        %get3A_688 = vector.shape_cast %get3A_687 : vector<1x16xf32> to vector<16xf32>
        %swap3A_689 = arith.index_cast %add3A_639 : i32 to index
        %swap3A_690 = arith.constant 80 : index
        %swap3A_691 = tpu.vector_load %arg8[%swap3A_689, %swap3A_690] {strides = array<i32>} : memref<200x128xf32, #tpu.memory_space<vmem>>, vector<1x16xf32>,
        %swap3A_692 = vector.shape_cast %swap3A_691 : vector<1x16xf32> to vector<16xf32>
        %swap3A_693 = vector.shape_cast %get3A_688 : vector<16xf32> to vector<1x16xf32>
        tpu.vector_store %arg8[%swap3A_689, %swap3A_690], %swap3A_693 {add = true, strides = array<i32>} : memref<200x128xf32, #tpu.memory_space<vmem>>, vector<1x16xf32>,
        %get3A_694 = arith.index_cast %add3A_639 : i32 to index
        %get3A_695 = arith.constant 96 : index
        %get3A_696 = tpu.vector_load %arg11[%get3A_694, %get3A_695] {strides = array<i32>} : memref<200x128xf32, #tpu.memory_space<vmem>>, vector<1x16xf32>,
        %get3A_697 = vector.shape_cast %get3A_696 : vector<1x16xf32> to vector<16xf32>
        %swap3A_698 = arith.index_cast %add3A_639 : i32 to index
        %swap3A_699 = arith.constant 96 : index
        %swap3A_700 = tpu.vector_load %arg8[%swap3A_698, %swap3A_699] {strides = array<i32>} : memref<200x128xf32, #tpu.memory_space<vmem>>, vector<1x16xf32>,
        %swap3A_701 = vector.shape_cast %swap3A_700 : vector<1x16xf32> to vector<16xf32>
        %swap3A_702 = vector.shape_cast %get3A_697 : vector<16xf32> to vector<1x16xf32>
        tpu.vector_store %arg8[%swap3A_698, %swap3A_699], %swap3A_702 {add = true, strides = array<i32>} : memref<200x128xf32, #tpu.memory_space<vmem>>, vector<1x16xf32>,
        %get3A_703 = arith.index_cast %add3A_639 : i32 to index
        %get3A_704 = arith.constant 112 : index
        %get3A_705 = tpu.vector_load %arg11[%get3A_703, %get3A_704] {strides = array<i32>} : memref<200x128xf32, #tpu.memory_space<vmem>>, vector<1x16xf32>,
        %get3A_706 = vector.shape_cast %get3A_705 : vector<1x16xf32> to vector<16xf32>
        %swap3A_707 = arith.index_cast %add3A_639 : i32 to index
        %swap3A_708 = arith.constant 112 : index
        %swap3A_709 = tpu.vector_load %arg8[%swap3A_707, %swap3A_708] {strides = array<i32>} : memref<200x128xf32, #tpu.memory_space<vmem>>, vector<1x16xf32>,
        %swap3A_710 = vector.shape_cast %swap3A_709 : vector<1x16xf32> to vector<16xf32>
        %swap3A_711 = vector.shape_cast %get3A_706 : vector<16xf32> to vector<1x16xf32>
        tpu.vector_store %arg8[%swap3A_707, %swap3A_708], %swap3A_711 {add = true, strides = array<i32>} : memref<200x128xf32, #tpu.memory_space<vmem>>, vector<1x16xf32>,
      }
      %scan3A_283 = arith.constant 50 : i32
      %mul3A_284 = arith.constant 128 : i32
      %mul3A_285 = arith.muli %add3A, %mul3A_284 : i32
      %add3A_286 = arith.addi %mul3A_285, %add3A_241 : i32
      %dma_start3A_287 = arith.constant 0 : i32
      %dma_start3A_288 = arith.constant 0 : i32
      %dma_start3A_289 = tpu.memref_slice %arg5[%add3A_286, %dma_start3A_287, %dma_start3A_288] : memref<4096x200x128xf32, #tpu.memory_space<hbm>> -> memref<1x200x128xf32, #tpu.memory_space<hbm>>
      %dma_start3A_290 = tpu.memref_squeeze %dma_start3A_289 : memref<1x200x128xf32, #tpu.memory_space<hbm>> -> memref<200x128xf32, #tpu.memory_space<hbm>>
      %dma_start3A_291 = arith.constant 0 : i32
      %dma_start3A_292 = arith.constant 0 : i32
      %dma_start3A_293 = tpu.memref_slice %arg5[%add3A_286, %dma_start3A_291, %dma_start3A_292] : memref<4096x200x128xf32, #tpu.memory_space<hbm>> -> memref<1x200x128xf32, #tpu.memory_space<hbm>>
      %dma_start3A_294 = tpu.memref_squeeze %dma_start3A_293 : memref<1x200x128xf32, #tpu.memory_space<hbm>> -> memref<200x128xf32, #tpu.memory_space<hbm>>
      tpu.enqueue_dma source(%arg8 : memref<200x128xf32, #tpu.memory_space<vmem>>) target(%dma_start3A_294 : memref<200x128xf32, #tpu.memory_space<hbm>>) target_semaphore(%arg17 : memref<!tpu.dma_semaphore, #tpu.memory_space<semaphore_mem>>)
      %mul3A_295 = arith.constant 4 : i32
      %mul3A_296 = arith.muli %mul3A_295, %scan3A_183 : i32
      %add3A_297 = arith.constant 2 : i32
      %add3A_298 = arith.addi %mul3A_296, %add3A_297 : i32
      %add3A_299 = arith.constant 3 : i32
      %add3A_300 = arith.addi %add3A_298, %add3A_299 : i32
      %lt3A_301 = arith.constant 128 : i32
      %lt3A_302 = arith.cmpi slt, %add3A_300, %lt3A_301 : i32
      %convert_element_type3A_303 = arith.extui %lt3A_302 : i1 to i32
      %cond3A_304 = arith.constant 0 : i32
      %cond3A_305 = arith.cmpi ne, %convert_element_type3A_303, %cond3A_304 : i32
      scf.if %cond3A_305 {
        %add3A_409 = arith.constant 3 : i32
        %add3A_410 = arith.addi %add3A_298, %add3A_409 : i32
        %mul3A_411 = arith.constant 128 : i32
        %mul3A_412 = arith.muli %add3A, %mul3A_411 : i32
        %add3A_413 = arith.addi %mul3A_412, %add3A_410 : i32
        %dma_start3A_414 = arith.constant 1 : i32
        %dma_start3A_415 = arith.constant 0 : i32
        %dma_start3A_416 = arith.constant 0 : i32
        %dma_start3A_417 = tpu.memref_slice %arg6[%dma_start3A_414, %dma_start3A_415, %dma_start3A_416] : memref<4x2x100xi32, #tpu.memory_space<vmem>> -> memref<1x2x100xi32, #tpu.memory_space<vmem>>
        %dma_start3A_418 = tpu.memref_squeeze %dma_start3A_417 : memref<1x2x100xi32, #tpu.memory_space<vmem>> -> memref<2x100xi32, #tpu.memory_space<vmem>>
        %dma_start3A_419 = arith.constant 0 : i32
        %dma_start3A_420 = arith.constant 0 : i32
        %dma_start3A_421 = tpu.memref_slice %arg2[%add3A_413, %dma_start3A_419, %dma_start3A_420] : memref<4096x2x100xi32, #tpu.memory_space<hbm>> -> memref<1x2x100xi32, #tpu.memory_space<hbm>>
        %dma_start3A_422 = tpu.memref_squeeze %dma_start3A_421 : memref<1x2x100xi32, #tpu.memory_space<hbm>> -> memref<2x100xi32, #tpu.memory_space<hbm>>
        %dma_start3A_423 = arith.constant 0 : i32
        %dma_start3A_424 = arith.constant 0 : i32
        %dma_start3A_425 = tpu.memref_slice %arg6[%dma_start3A_414, %dma_start3A_423, %dma_start3A_424] : memref<4x2x100xi32, #tpu.memory_space<vmem>> -> memref<1x2x100xi32, #tpu.memory_space<vmem>>
        %dma_start3A_426 = tpu.memref_squeeze %dma_start3A_425 : memref<1x2x100xi32, #tpu.memory_space<vmem>> -> memref<2x100xi32, #tpu.memory_space<vmem>>
        %dma_start3A_427 = arith.constant 0 : i32
        %dma_start3A_428 = arith.constant 0 : i32
        %dma_start3A_429 = tpu.memref_slice %arg2[%add3A_413, %dma_start3A_427, %dma_start3A_428] : memref<4096x2x100xi32, #tpu.memory_space<hbm>> -> memref<1x2x100xi32, #tpu.memory_space<hbm>>
        %dma_start3A_430 = tpu.memref_squeeze %dma_start3A_429 : memref<1x2x100xi32, #tpu.memory_space<hbm>> -> memref<2x100xi32, #tpu.memory_space<hbm>>
        tpu.enqueue_dma source(%dma_start3A_430 : memref<2x100xi32, #tpu.memory_space<hbm>>) target(%dma_start3A_426 : memref<2x100xi32, #tpu.memory_space<vmem>>) target_semaphore(%arg21 : memref<!tpu.dma_semaphore, #tpu.memory_space<semaphore_mem>>)
      } else {
      }
      %add3A_306 = arith.constant 2 : i32
      %add3A_307 = arith.addi %add3A_298, %add3A_306 : i32
      %lt3A_308 = arith.constant 128 : i32
      %lt3A_309 = arith.cmpi slt, %add3A_307, %lt3A_308 : i32
      %convert_element_type3A_310 = arith.extui %lt3A_309 : i1 to i32
      %cond3A_311 = arith.constant 0 : i32
      %cond3A_312 = arith.cmpi ne, %convert_element_type3A_310, %cond3A_311 : i32
      scf.if %cond3A_312 {
        %ge3A = arith.constant 2 : i32
        %ge3A_409 = arith.cmpi sge, %add3A_298, %ge3A : i32
        %convert_element_type3A_410 = arith.extui %ge3A_409 : i1 to i32
        %cond3A_411 = arith.constant 0 : i32
        %cond3A_412 = arith.cmpi ne, %convert_element_type3A_410, %cond3A_411 : i32
        scf.if %cond3A_412 {
          %dma_wait3A_453 = arith.constant 0 : i32
          %dma_wait3A_454 = arith.constant 0 : i32
          %dma_wait3A_455 = arith.constant 0 : i32
          %dma_wait3A_456 = tpu.memref_slice %arg5[%dma_wait3A_453, %dma_wait3A_454, %dma_wait3A_455] : memref<4096x200x128xf32, #tpu.memory_space<hbm>> -> memref<1x200x128xf32, #tpu.memory_space<hbm>>
          %dma_wait3A_457 = tpu.memref_squeeze %dma_wait3A_456 : memref<1x200x128xf32, #tpu.memory_space<hbm>> -> memref<200x128xf32, #tpu.memory_space<hbm>>
          %dma_wait3A_458 = arith.constant 0 : i32
          %dma_wait3A_459 = arith.constant 0 : i32
          %dma_wait3A_460 = tpu.memref_slice %arg5[%dma_wait3A_453, %dma_wait3A_458, %dma_wait3A_459] : memref<4096x200x128xf32, #tpu.memory_space<hbm>> -> memref<1x200x128xf32, #tpu.memory_space<hbm>>
          %dma_wait3A_461 = tpu.memref_squeeze %dma_wait3A_460 : memref<1x200x128xf32, #tpu.memory_space<hbm>> -> memref<200x128xf32, #tpu.memory_space<hbm>>
          tpu.wait_dma2 semaphore(%arg16 : memref<!tpu.dma_semaphore, #tpu.memory_space<semaphore_mem>>) src(%arg7 : memref<200x128xf32, #tpu.memory_space<vmem>>) dst(%dma_wait3A_461 : memref<200x128xf32, #tpu.memory_space<hbm>>)
        } else {
        }
        %dma_wait3A_413 = arith.constant 0 : i32
        %dma_wait3A_414 = arith.constant 0 : i32
        %dma_wait3A_415 = arith.constant 0 : i32
        %dma_wait3A_416 = arith.constant 0 : i32
        %dma_wait3A_417 = tpu.memref_slice %arg6[%dma_wait3A_414, %dma_wait3A_415, %dma_wait3A_416] : memref<4x2x100xi32, #tpu.memory_space<vmem>> -> memref<1x2x100xi32, #tpu.memory_space<vmem>>
        %dma_wait3A_418 = tpu.memref_squeeze %dma_wait3A_417 : memref<1x2x100xi32, #tpu.memory_space<vmem>> -> memref<2x100xi32, #tpu.memory_space<vmem>>
        %dma_wait3A_419 = arith.constant 0 : i32
        %dma_wait3A_420 = arith.constant 0 : i32
        %dma_wait3A_421 = tpu.memref_slice %arg2[%dma_wait3A_413, %dma_wait3A_419, %dma_wait3A_420] : memref<4096x2x100xi32, #tpu.memory_space<hbm>> -> memref<1x2x100xi32, #tpu.memory_space<hbm>>
        %dma_wait3A_422 = tpu.memref_squeeze %dma_wait3A_421 : memref<1x2x100xi32, #tpu.memory_space<hbm>> -> memref<2x100xi32, #tpu.memory_space<hbm>>
        %dma_wait3A_423 = arith.constant 0 : i32
        %dma_wait3A_424 = arith.constant 0 : i32
        %dma_wait3A_425 = tpu.memref_slice %arg6[%dma_wait3A_414, %dma_wait3A_423, %dma_wait3A_424] : memref<4x2x100xi32, #tpu.memory_space<vmem>> -> memref<1x2x100xi32, #tpu.memory_space<vmem>>
        %dma_wait3A_426 = tpu.memref_squeeze %dma_wait3A_425 : memref<1x2x100xi32, #tpu.memory_space<vmem>> -> memref<2x100xi32, #tpu.memory_space<vmem>>
        %dma_wait3A_427 = arith.constant 0 : i32
        %dma_wait3A_428 = arith.constant 0 : i32
        %dma_wait3A_429 = tpu.memref_slice %arg2[%dma_wait3A_413, %dma_wait3A_427, %dma_wait3A_428] : memref<4096x2x100xi32, #tpu.memory_space<hbm>> -> memref<1x2x100xi32, #tpu.memory_space<hbm>>
        %dma_wait3A_430 = tpu.memref_squeeze %dma_wait3A_429 : memref<1x2x100xi32, #tpu.memory_space<hbm>> -> memref<2x100xi32, #tpu.memory_space<hbm>>
        tpu.wait_dma2 semaphore(%arg20 : memref<!tpu.dma_semaphore, #tpu.memory_space<semaphore_mem>>) src(%dma_wait3A_430 : memref<2x100xi32, #tpu.memory_space<hbm>>) dst(%dma_wait3A_426 : memref<2x100xi32, #tpu.memory_space<vmem>>)
        %dma_start3A_431 = arith.constant 0 : i32
        %dma_start3A_432 = arith.constant 0 : i32
        %dma_start3A_433 = arith.constant 0 : i32
        %dma_start3A_434 = arith.constant 0 : i32
        %dma_start3A_435 = tpu.memref_slice %arg7[%dma_start3A_433, %dma_start3A_434] : memref<200x128xf32, #tpu.memory_space<vmem>> -> memref<100x128xf32, #tpu.memory_space<vmem>>
        %dma_start3A_436 = arith.constant 0 : i32
        %dma_start3A_437 = tpu.memref_slice %arg6[%dma_start3A_431, %dma_start3A_432, %dma_start3A_436] : memref<4x2x100xi32, #tpu.memory_space<vmem>> -> memref<1x1x100xi32, #tpu.memory_space<vmem>>
        %dma_start3A_438 = tpu.memref_squeeze %dma_start3A_437 : memref<1x1x100xi32, #tpu.memory_space<vmem>> -> memref<100xi32, #tpu.memory_space<vmem>>
        %dma_start3A_439 = arith.constant 0 : i32
        %dma_start3A_440 = arith.constant 0 : i32
        %dma_start3A_441 = tpu.memref_slice %arg3[%dma_start3A_439, %dma_start3A_440] : memref<100000x128xf32, #tpu.memory_space<hbm>> -> memref<100000x128xf32, #tpu.memory_space<hbm>>
        tpu.enqueue_indirect_dma source(%dma_start3A_441 : memref<100000x128xf32, #tpu.memory_space<hbm>>) target(%dma_start3A_435 : memref<100x128xf32, #tpu.memory_space<vmem>>) offsets(%dma_start3A_438 : memref<100xi32, #tpu.memory_space<vmem>>) semaphore(%arg12 : memref<!tpu.dma_semaphore, #tpu.memory_space<semaphore_mem>>)
        %dma_start3A_442 = arith.constant 0 : i32
        %dma_start3A_443 = arith.constant 1 : i32
        %dma_start3A_444 = arith.constant 100 : i32
        %dma_start3A_445 = arith.constant 0 : i32
        %dma_start3A_446 = tpu.memref_slice %arg7[%dma_start3A_444, %dma_start3A_445] : memref<200x128xf32, #tpu.memory_space<vmem>> -> memref<100x128xf32, #tpu.memory_space<vmem>>
        %dma_start3A_447 = arith.constant 0 : i32
        %dma_start3A_448 = tpu.memref_slice %arg6[%dma_start3A_442, %dma_start3A_443, %dma_start3A_447] : memref<4x2x100xi32, #tpu.memory_space<vmem>> -> memref<1x1x100xi32, #tpu.memory_space<vmem>>
        %dma_start3A_449 = tpu.memref_squeeze %dma_start3A_448 : memref<1x1x100xi32, #tpu.memory_space<vmem>> -> memref<100xi32, #tpu.memory_space<vmem>>
        %dma_start3A_450 = arith.constant 0 : i32
        %dma_start3A_451 = arith.constant 0 : i32
        %dma_start3A_452 = tpu.memref_slice %arg3[%dma_start3A_450, %dma_start3A_451] : memref<100000x128xf32, #tpu.memory_space<hbm>> -> memref<100000x128xf32, #tpu.memory_space<hbm>>
        tpu.enqueue_indirect_dma source(%dma_start3A_452 : memref<100000x128xf32, #tpu.memory_space<hbm>>) target(%dma_start3A_446 : memref<100x128xf32, #tpu.memory_space<vmem>>) offsets(%dma_start3A_449 : memref<100xi32, #tpu.memory_space<vmem>>) semaphore(%arg12 : memref<!tpu.dma_semaphore, #tpu.memory_space<semaphore_mem>>)
      } else {
      }
      %dma_wait3A_313 = arith.constant 0 : i32
      %dma_wait3A_314 = arith.constant 0 : i32
      %dma_wait3A_315 = arith.constant 0 : i32
      %dma_wait3A_316 = arith.constant 0 : i32
      %dma_wait3A_317 = tpu.memref_slice %arg9[%dma_wait3A_315, %dma_wait3A_316] : memref<200x128xf32, #tpu.memory_space<vmem>> -> memref<100x128xf32, #tpu.memory_space<vmem>>
      %dma_wait3A_318 = arith.constant 0 : i32
      %dma_wait3A_319 = tpu.memref_slice %arg6[%dma_wait3A_313, %dma_wait3A_314, %dma_wait3A_318] : memref<4x2x100xi32, #tpu.memory_space<vmem>> -> memref<1x1x100xi32, #tpu.memory_space<vmem>>
      %dma_wait3A_320 = tpu.memref_squeeze %dma_wait3A_319 : memref<1x1x100xi32, #tpu.memory_space<vmem>> -> memref<100xi32, #tpu.memory_space<vmem>>
      %dma_wait3A_321 = arith.constant 0 : i32
      %dma_wait3A_322 = arith.constant 0 : i32
      %dma_wait3A_323 = tpu.memref_slice %arg3[%dma_wait3A_321, %dma_wait3A_322] : memref<100000x128xf32, #tpu.memory_space<hbm>> -> memref<100000x128xf32, #tpu.memory_space<hbm>>
      tpu.wait_indirect_dma semaphore(%arg14 : memref<!tpu.dma_semaphore, #tpu.memory_space<semaphore_mem>>) src(%dma_wait3A_323 : memref<100000x128xf32, #tpu.memory_space<hbm>>) dst(%dma_wait3A_317 : memref<100x128xf32, #tpu.memory_space<vmem>>)
      %dma_wait3A_324 = arith.constant 0 : i32
      %dma_wait3A_325 = arith.constant 0 : i32
      %dma_wait3A_326 = arith.constant 100 : i32
      %dma_wait3A_327 = arith.constant 0 : i32
      %dma_wait3A_328 = tpu.memref_slice %arg9[%dma_wait3A_326, %dma_wait3A_327] : memref<200x128xf32, #tpu.memory_space<vmem>> -> memref<100x128xf32, #tpu.memory_space<vmem>>
      %dma_wait3A_329 = arith.constant 0 : i32
      %dma_wait3A_330 = tpu.memref_slice %arg6[%dma_wait3A_324, %dma_wait3A_325, %dma_wait3A_329] : memref<4x2x100xi32, #tpu.memory_space<vmem>> -> memref<1x1x100xi32, #tpu.memory_space<vmem>>
      %dma_wait3A_331 = tpu.memref_squeeze %dma_wait3A_330 : memref<1x1x100xi32, #tpu.memory_space<vmem>> -> memref<100xi32, #tpu.memory_space<vmem>>
      %dma_wait3A_332 = arith.constant 0 : i32
      %dma_wait3A_333 = arith.constant 0 : i32
      %dma_wait3A_334 = tpu.memref_slice %arg3[%dma_wait3A_332, %dma_wait3A_333] : memref<100000x128xf32, #tpu.memory_space<hbm>> -> memref<100000x128xf32, #tpu.memory_space<hbm>>
      tpu.wait_indirect_dma semaphore(%arg14 : memref<!tpu.dma_semaphore, #tpu.memory_space<semaphore_mem>>) src(%dma_wait3A_334 : memref<100000x128xf32, #tpu.memory_space<hbm>>) dst(%dma_wait3A_328 : memref<100x128xf32, #tpu.memory_space<vmem>>)
      %scan3A_335 = arith.constant 0 : i32
      %scan3A_336 = arith.constant 0 : i32
      %scan3A_337 = arith.constant 50 : i32
      %scan3A_338 = arith.addi %scan3A_336, %scan3A_337 : i32
      %scan3A_339 = arith.constant 1 : i32
      scf.for %scan3A_409 = %scan3A_336 to %scan3A_338 step %scan3A_339  : i32 {
        %mul3A_410 = arith.constant 4 : i32
        %mul3A_411 = arith.muli %mul3A_410, %scan3A_409 : i32
        %add3A_412 = arith.constant 0 : i32
        %add3A_413 = arith.addi %mul3A_411, %add3A_412 : i32
        %get3A = arith.index_cast %add3A_413 : i32 to index
        %get3A_414 = arith.constant 0 : index
        %get3A_415 = tpu.vector_load %arg11[%get3A, %get3A_414] {strides = array<i32>} : memref<200x128xf32, #tpu.memory_space<vmem>>, vector<1x16xf32>,
        %get3A_416 = vector.shape_cast %get3A_415 : vector<1x16xf32> to vector<16xf32>
        %swap3A = arith.index_cast %add3A_413 : i32 to index
        %swap3A_417 = arith.constant 0 : index
        %swap3A_418 = tpu.vector_load %arg9[%swap3A, %swap3A_417] {strides = array<i32>} : memref<200x128xf32, #tpu.memory_space<vmem>>, vector<1x16xf32>,
        %swap3A_419 = vector.shape_cast %swap3A_418 : vector<1x16xf32> to vector<16xf32>
        %swap3A_420 = vector.shape_cast %get3A_416 : vector<16xf32> to vector<1x16xf32>
        tpu.vector_store %arg9[%swap3A, %swap3A_417], %swap3A_420 {add = true, strides = array<i32>} : memref<200x128xf32, #tpu.memory_space<vmem>>, vector<1x16xf32>,
        %get3A_421 = arith.index_cast %add3A_413 : i32 to index
        %get3A_422 = arith.constant 16 : index
        %get3A_423 = tpu.vector_load %arg11[%get3A_421, %get3A_422] {strides = array<i32>} : memref<200x128xf32, #tpu.memory_space<vmem>>, vector<1x16xf32>,
        %get3A_424 = vector.shape_cast %get3A_423 : vector<1x16xf32> to vector<16xf32>
        %swap3A_425 = arith.index_cast %add3A_413 : i32 to index
        %swap3A_426 = arith.constant 16 : index
        %swap3A_427 = tpu.vector_load %arg9[%swap3A_425, %swap3A_426] {strides = array<i32>} : memref<200x128xf32, #tpu.memory_space<vmem>>, vector<1x16xf32>,
        %swap3A_428 = vector.shape_cast %swap3A_427 : vector<1x16xf32> to vector<16xf32>
        %swap3A_429 = vector.shape_cast %get3A_424 : vector<16xf32> to vector<1x16xf32>
        tpu.vector_store %arg9[%swap3A_425, %swap3A_426], %swap3A_429 {add = true, strides = array<i32>} : memref<200x128xf32, #tpu.memory_space<vmem>>, vector<1x16xf32>,
        %get3A_430 = arith.index_cast %add3A_413 : i32 to index
        %get3A_431 = arith.constant 32 : index
        %get3A_432 = tpu.vector_load %arg11[%get3A_430, %get3A_431] {strides = array<i32>} : memref<200x128xf32, #tpu.memory_space<vmem>>, vector<1x16xf32>,
        %get3A_433 = vector.shape_cast %get3A_432 : vector<1x16xf32> to vector<16xf32>
        %swap3A_434 = arith.index_cast %add3A_413 : i32 to index
        %swap3A_435 = arith.constant 32 : index
        %swap3A_436 = tpu.vector_load %arg9[%swap3A_434, %swap3A_435] {strides = array<i32>} : memref<200x128xf32, #tpu.memory_space<vmem>>, vector<1x16xf32>,
        %swap3A_437 = vector.shape_cast %swap3A_436 : vector<1x16xf32> to vector<16xf32>
        %swap3A_438 = vector.shape_cast %get3A_433 : vector<16xf32> to vector<1x16xf32>
        tpu.vector_store %arg9[%swap3A_434, %swap3A_435], %swap3A_438 {add = true, strides = array<i32>} : memref<200x128xf32, #tpu.memory_space<vmem>>, vector<1x16xf32>,
        %get3A_439 = arith.index_cast %add3A_413 : i32 to index
        %get3A_440 = arith.constant 48 : index
        %get3A_441 = tpu.vector_load %arg11[%get3A_439, %get3A_440] {strides = array<i32>} : memref<200x128xf32, #tpu.memory_space<vmem>>, vector<1x16xf32>,
        %get3A_442 = vector.shape_cast %get3A_441 : vector<1x16xf32> to vector<16xf32>
        %swap3A_443 = arith.index_cast %add3A_413 : i32 to index
        %swap3A_444 = arith.constant 48 : index
        %swap3A_445 = tpu.vector_load %arg9[%swap3A_443, %swap3A_444] {strides = array<i32>} : memref<200x128xf32, #tpu.memory_space<vmem>>, vector<1x16xf32>,
        %swap3A_446 = vector.shape_cast %swap3A_445 : vector<1x16xf32> to vector<16xf32>
        %swap3A_447 = vector.shape_cast %get3A_442 : vector<16xf32> to vector<1x16xf32>
        tpu.vector_store %arg9[%swap3A_443, %swap3A_444], %swap3A_447 {add = true, strides = array<i32>} : memref<200x128xf32, #tpu.memory_space<vmem>>, vector<1x16xf32>,
        %get3A_448 = arith.index_cast %add3A_413 : i32 to index
        %get3A_449 = arith.constant 64 : index
        %get3A_450 = tpu.vector_load %arg11[%get3A_448, %get3A_449] {strides = array<i32>} : memref<200x128xf32, #tpu.memory_space<vmem>>, vector<1x16xf32>,
        %get3A_451 = vector.shape_cast %get3A_450 : vector<1x16xf32> to vector<16xf32>
        %swap3A_452 = arith.index_cast %add3A_413 : i32 to index
        %swap3A_453 = arith.constant 64 : index
        %swap3A_454 = tpu.vector_load %arg9[%swap3A_452, %swap3A_453] {strides = array<i32>} : memref<200x128xf32, #tpu.memory_space<vmem>>, vector<1x16xf32>,
        %swap3A_455 = vector.shape_cast %swap3A_454 : vector<1x16xf32> to vector<16xf32>
        %swap3A_456 = vector.shape_cast %get3A_451 : vector<16xf32> to vector<1x16xf32>
        tpu.vector_store %arg9[%swap3A_452, %swap3A_453], %swap3A_456 {add = true, strides = array<i32>} : memref<200x128xf32, #tpu.memory_space<vmem>>, vector<1x16xf32>,
        %get3A_457 = arith.index_cast %add3A_413 : i32 to index
        %get3A_458 = arith.constant 80 : index
        %get3A_459 = tpu.vector_load %arg11[%get3A_457, %get3A_458] {strides = array<i32>} : memref<200x128xf32, #tpu.memory_space<vmem>>, vector<1x16xf32>,
        %get3A_460 = vector.shape_cast %get3A_459 : vector<1x16xf32> to vector<16xf32>
        %swap3A_461 = arith.index_cast %add3A_413 : i32 to index
        %swap3A_462 = arith.constant 80 : index
        %swap3A_463 = tpu.vector_load %arg9[%swap3A_461, %swap3A_462] {strides = array<i32>} : memref<200x128xf32, #tpu.memory_space<vmem>>, vector<1x16xf32>,
        %swap3A_464 = vector.shape_cast %swap3A_463 : vector<1x16xf32> to vector<16xf32>
        %swap3A_465 = vector.shape_cast %get3A_460 : vector<16xf32> to vector<1x16xf32>
        tpu.vector_store %arg9[%swap3A_461, %swap3A_462], %swap3A_465 {add = true, strides = array<i32>} : memref<200x128xf32, #tpu.memory_space<vmem>>, vector<1x16xf32>,
        %get3A_466 = arith.index_cast %add3A_413 : i32 to index
        %get3A_467 = arith.constant 96 : index
        %get3A_468 = tpu.vector_load %arg11[%get3A_466, %get3A_467] {strides = array<i32>} : memref<200x128xf32, #tpu.memory_space<vmem>>, vector<1x16xf32>,
        %get3A_469 = vector.shape_cast %get3A_468 : vector<1x16xf32> to vector<16xf32>
        %swap3A_470 = arith.index_cast %add3A_413 : i32 to index
        %swap3A_471 = arith.constant 96 : index
        %swap3A_472 = tpu.vector_load %arg9[%swap3A_470, %swap3A_471] {strides = array<i32>} : memref<200x128xf32, #tpu.memory_space<vmem>>, vector<1x16xf32>,
        %swap3A_473 = vector.shape_cast %swap3A_472 : vector<1x16xf32> to vector<16xf32>
        %swap3A_474 = vector.shape_cast %get3A_469 : vector<16xf32> to vector<1x16xf32>
        tpu.vector_store %arg9[%swap3A_470, %swap3A_471], %swap3A_474 {add = true, strides = array<i32>} : memref<200x128xf32, #tpu.memory_space<vmem>>, vector<1x16xf32>,
        %get3A_475 = arith.index_cast %add3A_413 : i32 to index
        %get3A_476 = arith.constant 112 : index
        %get3A_477 = tpu.vector_load %arg11[%get3A_475, %get3A_476] {strides = array<i32>} : memref<200x128xf32, #tpu.memory_space<vmem>>, vector<1x16xf32>,
        %get3A_478 = vector.shape_cast %get3A_477 : vector<1x16xf32> to vector<16xf32>
        %swap3A_479 = arith.index_cast %add3A_413 : i32 to index
        %swap3A_480 = arith.constant 112 : index
        %swap3A_481 = tpu.vector_load %arg9[%swap3A_479, %swap3A_480] {strides = array<i32>} : memref<200x128xf32, #tpu.memory_space<vmem>>, vector<1x16xf32>,
        %swap3A_482 = vector.shape_cast %swap3A_481 : vector<1x16xf32> to vector<16xf32>
        %swap3A_483 = vector.shape_cast %get3A_478 : vector<16xf32> to vector<1x16xf32>
        tpu.vector_store %arg9[%swap3A_479, %swap3A_480], %swap3A_483 {add = true, strides = array<i32>} : memref<200x128xf32, #tpu.memory_space<vmem>>, vector<1x16xf32>,
        %mul3A_484 = arith.constant 4 : i32
        %mul3A_485 = arith.muli %mul3A_484, %scan3A_409 : i32
        %add3A_486 = arith.constant 1 : i32
        %add3A_487 = arith.addi %mul3A_485, %add3A_486 : i32
        %get3A_488 = arith.index_cast %add3A_487 : i32 to index
        %get3A_489 = arith.constant 0 : index
        %get3A_490 = tpu.vector_load %arg11[%get3A_488, %get3A_489] {strides = array<i32>} : memref<200x128xf32, #tpu.memory_space<vmem>>, vector<1x16xf32>,
        %get3A_491 = vector.shape_cast %get3A_490 : vector<1x16xf32> to vector<16xf32>
        %swap3A_492 = arith.index_cast %add3A_487 : i32 to index
        %swap3A_493 = arith.constant 0 : index
        %swap3A_494 = tpu.vector_load %arg9[%swap3A_492, %swap3A_493] {strides = array<i32>} : memref<200x128xf32, #tpu.memory_space<vmem>>, vector<1x16xf32>,
        %swap3A_495 = vector.shape_cast %swap3A_494 : vector<1x16xf32> to vector<16xf32>
        %swap3A_496 = vector.shape_cast %get3A_491 : vector<16xf32> to vector<1x16xf32>
        tpu.vector_store %arg9[%swap3A_492, %swap3A_493], %swap3A_496 {add = true, strides = array<i32>} : memref<200x128xf32, #tpu.memory_space<vmem>>, vector<1x16xf32>,
        %get3A_497 = arith.index_cast %add3A_487 : i32 to index
        %get3A_498 = arith.constant 16 : index
        %get3A_499 = tpu.vector_load %arg11[%get3A_497, %get3A_498] {strides = array<i32>} : memref<200x128xf32, #tpu.memory_space<vmem>>, vector<1x16xf32>,
        %get3A_500 = vector.shape_cast %get3A_499 : vector<1x16xf32> to vector<16xf32>
        %swap3A_501 = arith.index_cast %add3A_487 : i32 to index
        %swap3A_502 = arith.constant 16 : index
        %swap3A_503 = tpu.vector_load %arg9[%swap3A_501, %swap3A_502] {strides = array<i32>} : memref<200x128xf32, #tpu.memory_space<vmem>>, vector<1x16xf32>,
        %swap3A_504 = vector.shape_cast %swap3A_503 : vector<1x16xf32> to vector<16xf32>
        %swap3A_505 = vector.shape_cast %get3A_500 : vector<16xf32> to vector<1x16xf32>
        tpu.vector_store %arg9[%swap3A_501, %swap3A_502], %swap3A_505 {add = true, strides = array<i32>} : memref<200x128xf32, #tpu.memory_space<vmem>>, vector<1x16xf32>,
        %get3A_506 = arith.index_cast %add3A_487 : i32 to index
        %get3A_507 = arith.constant 32 : index
        %get3A_508 = tpu.vector_load %arg11[%get3A_506, %get3A_507] {strides = array<i32>} : memref<200x128xf32, #tpu.memory_space<vmem>>, vector<1x16xf32>,
        %get3A_509 = vector.shape_cast %get3A_508 : vector<1x16xf32> to vector<16xf32>
        %swap3A_510 = arith.index_cast %add3A_487 : i32 to index
        %swap3A_511 = arith.constant 32 : index
        %swap3A_512 = tpu.vector_load %arg9[%swap3A_510, %swap3A_511] {strides = array<i32>} : memref<200x128xf32, #tpu.memory_space<vmem>>, vector<1x16xf32>,
        %swap3A_513 = vector.shape_cast %swap3A_512 : vector<1x16xf32> to vector<16xf32>
        %swap3A_514 = vector.shape_cast %get3A_509 : vector<16xf32> to vector<1x16xf32>
        tpu.vector_store %arg9[%swap3A_510, %swap3A_511], %swap3A_514 {add = true, strides = array<i32>} : memref<200x128xf32, #tpu.memory_space<vmem>>, vector<1x16xf32>,
        %get3A_515 = arith.index_cast %add3A_487 : i32 to index
        %get3A_516 = arith.constant 48 : index
        %get3A_517 = tpu.vector_load %arg11[%get3A_515, %get3A_516] {strides = array<i32>} : memref<200x128xf32, #tpu.memory_space<vmem>>, vector<1x16xf32>,
        %get3A_518 = vector.shape_cast %get3A_517 : vector<1x16xf32> to vector<16xf32>
        %swap3A_519 = arith.index_cast %add3A_487 : i32 to index
        %swap3A_520 = arith.constant 48 : index
        %swap3A_521 = tpu.vector_load %arg9[%swap3A_519, %swap3A_520] {strides = array<i32>} : memref<200x128xf32, #tpu.memory_space<vmem>>, vector<1x16xf32>,
        %swap3A_522 = vector.shape_cast %swap3A_521 : vector<1x16xf32> to vector<16xf32>
        %swap3A_523 = vector.shape_cast %get3A_518 : vector<16xf32> to vector<1x16xf32>
        tpu.vector_store %arg9[%swap3A_519, %swap3A_520], %swap3A_523 {add = true, strides = array<i32>} : memref<200x128xf32, #tpu.memory_space<vmem>>, vector<1x16xf32>,
        %get3A_524 = arith.index_cast %add3A_487 : i32 to index
        %get3A_525 = arith.constant 64 : index
        %get3A_526 = tpu.vector_load %arg11[%get3A_524, %get3A_525] {strides = array<i32>} : memref<200x128xf32, #tpu.memory_space<vmem>>, vector<1x16xf32>,
        %get3A_527 = vector.shape_cast %get3A_526 : vector<1x16xf32> to vector<16xf32>
        %swap3A_528 = arith.index_cast %add3A_487 : i32 to index
        %swap3A_529 = arith.constant 64 : index
        %swap3A_530 = tpu.vector_load %arg9[%swap3A_528, %swap3A_529] {strides = array<i32>} : memref<200x128xf32, #tpu.memory_space<vmem>>, vector<1x16xf32>,
        %swap3A_531 = vector.shape_cast %swap3A_530 : vector<1x16xf32> to vector<16xf32>
        %swap3A_532 = vector.shape_cast %get3A_527 : vector<16xf32> to vector<1x16xf32>
        tpu.vector_store %arg9[%swap3A_528, %swap3A_529], %swap3A_532 {add = true, strides = array<i32>} : memref<200x128xf32, #tpu.memory_space<vmem>>, vector<1x16xf32>,
        %get3A_533 = arith.index_cast %add3A_487 : i32 to index
        %get3A_534 = arith.constant 80 : index
        %get3A_535 = tpu.vector_load %arg11[%get3A_533, %get3A_534] {strides = array<i32>} : memref<200x128xf32, #tpu.memory_space<vmem>>, vector<1x16xf32>,
        %get3A_536 = vector.shape_cast %get3A_535 : vector<1x16xf32> to vector<16xf32>
        %swap3A_537 = arith.index_cast %add3A_487 : i32 to index
        %swap3A_538 = arith.constant 80 : index
        %swap3A_539 = tpu.vector_load %arg9[%swap3A_537, %swap3A_538] {strides = array<i32>} : memref<200x128xf32, #tpu.memory_space<vmem>>, vector<1x16xf32>,
        %swap3A_540 = vector.shape_cast %swap3A_539 : vector<1x16xf32> to vector<16xf32>
        %swap3A_541 = vector.shape_cast %get3A_536 : vector<16xf32> to vector<1x16xf32>
        tpu.vector_store %arg9[%swap3A_537, %swap3A_538], %swap3A_541 {add = true, strides = array<i32>} : memref<200x128xf32, #tpu.memory_space<vmem>>, vector<1x16xf32>,
        %get3A_542 = arith.index_cast %add3A_487 : i32 to index
        %get3A_543 = arith.constant 96 : index
        %get3A_544 = tpu.vector_load %arg11[%get3A_542, %get3A_543] {strides = array<i32>} : memref<200x128xf32, #tpu.memory_space<vmem>>, vector<1x16xf32>,
        %get3A_545 = vector.shape_cast %get3A_544 : vector<1x16xf32> to vector<16xf32>
        %swap3A_546 = arith.index_cast %add3A_487 : i32 to index
        %swap3A_547 = arith.constant 96 : index
        %swap3A_548 = tpu.vector_load %arg9[%swap3A_546, %swap3A_547] {strides = array<i32>} : memref<200x128xf32, #tpu.memory_space<vmem>>, vector<1x16xf32>,
        %swap3A_549 = vector.shape_cast %swap3A_548 : vector<1x16xf32> to vector<16xf32>
        %swap3A_550 = vector.shape_cast %get3A_545 : vector<16xf32> to vector<1x16xf32>
        tpu.vector_store %arg9[%swap3A_546, %swap3A_547], %swap3A_550 {add = true, strides = array<i32>} : memref<200x128xf32, #tpu.memory_space<vmem>>, vector<1x16xf32>,
        %get3A_551 = arith.index_cast %add3A_487 : i32 to index
        %get3A_552 = arith.constant 112 : index
        %get3A_553 = tpu.vector_load %arg11[%get3A_551, %get3A_552] {strides = array<i32>} : memref<200x128xf32, #tpu.memory_space<vmem>>, vector<1x16xf32>,
        %get3A_554 = vector.shape_cast %get3A_553 : vector<1x16xf32> to vector<16xf32>
        %swap3A_555 = arith.index_cast %add3A_487 : i32 to index
        %swap3A_556 = arith.constant 112 : index
        %swap3A_557 = tpu.vector_load %arg9[%swap3A_555, %swap3A_556] {strides = array<i32>} : memref<200x128xf32, #tpu.memory_space<vmem>>, vector<1x16xf32>,
        %swap3A_558 = vector.shape_cast %swap3A_557 : vector<1x16xf32> to vector<16xf32>
        %swap3A_559 = vector.shape_cast %get3A_554 : vector<16xf32> to vector<1x16xf32>
        tpu.vector_store %arg9[%swap3A_555, %swap3A_556], %swap3A_559 {add = true, strides = array<i32>} : memref<200x128xf32, #tpu.memory_space<vmem>>, vector<1x16xf32>,
        %mul3A_560 = arith.constant 4 : i32
        %mul3A_561 = arith.muli %mul3A_560, %scan3A_409 : i32
        %add3A_562 = arith.constant 2 : i32
        %add3A_563 = arith.addi %mul3A_561, %add3A_562 : i32
        %get3A_564 = arith.index_cast %add3A_563 : i32 to index
        %get3A_565 = arith.constant 0 : index
        %get3A_566 = tpu.vector_load %arg11[%get3A_564, %get3A_565] {strides = array<i32>} : memref<200x128xf32, #tpu.memory_space<vmem>>, vector<1x16xf32>,
        %get3A_567 = vector.shape_cast %get3A_566 : vector<1x16xf32> to vector<16xf32>
        %swap3A_568 = arith.index_cast %add3A_563 : i32 to index
        %swap3A_569 = arith.constant 0 : index
        %swap3A_570 = tpu.vector_load %arg9[%swap3A_568, %swap3A_569] {strides = array<i32>} : memref<200x128xf32, #tpu.memory_space<vmem>>, vector<1x16xf32>,
        %swap3A_571 = vector.shape_cast %swap3A_570 : vector<1x16xf32> to vector<16xf32>
        %swap3A_572 = vector.shape_cast %get3A_567 : vector<16xf32> to vector<1x16xf32>
        tpu.vector_store %arg9[%swap3A_568, %swap3A_569], %swap3A_572 {add = true, strides = array<i32>} : memref<200x128xf32, #tpu.memory_space<vmem>>, vector<1x16xf32>,
        %get3A_573 = arith.index_cast %add3A_563 : i32 to index
        %get3A_574 = arith.constant 16 : index
        %get3A_575 = tpu.vector_load %arg11[%get3A_573, %get3A_574] {strides = array<i32>} : memref<200x128xf32, #tpu.memory_space<vmem>>, vector<1x16xf32>,
        %get3A_576 = vector.shape_cast %get3A_575 : vector<1x16xf32> to vector<16xf32>
        %swap3A_577 = arith.index_cast %add3A_563 : i32 to index
        %swap3A_578 = arith.constant 16 : index
        %swap3A_579 = tpu.vector_load %arg9[%swap3A_577, %swap3A_578] {strides = array<i32>} : memref<200x128xf32, #tpu.memory_space<vmem>>, vector<1x16xf32>,
        %swap3A_580 = vector.shape_cast %swap3A_579 : vector<1x16xf32> to vector<16xf32>
        %swap3A_581 = vector.shape_cast %get3A_576 : vector<16xf32> to vector<1x16xf32>
        tpu.vector_store %arg9[%swap3A_577, %swap3A_578], %swap3A_581 {add = true, strides = array<i32>} : memref<200x128xf32, #tpu.memory_space<vmem>>, vector<1x16xf32>,
        %get3A_582 = arith.index_cast %add3A_563 : i32 to index
        %get3A_583 = arith.constant 32 : index
        %get3A_584 = tpu.vector_load %arg11[%get3A_582, %get3A_583] {strides = array<i32>} : memref<200x128xf32, #tpu.memory_space<vmem>>, vector<1x16xf32>,
        %get3A_585 = vector.shape_cast %get3A_584 : vector<1x16xf32> to vector<16xf32>
        %swap3A_586 = arith.index_cast %add3A_563 : i32 to index
        %swap3A_587 = arith.constant 32 : index
        %swap3A_588 = tpu.vector_load %arg9[%swap3A_586, %swap3A_587] {strides = array<i32>} : memref<200x128xf32, #tpu.memory_space<vmem>>, vector<1x16xf32>,
        %swap3A_589 = vector.shape_cast %swap3A_588 : vector<1x16xf32> to vector<16xf32>
        %swap3A_590 = vector.shape_cast %get3A_585 : vector<16xf32> to vector<1x16xf32>
        tpu.vector_store %arg9[%swap3A_586, %swap3A_587], %swap3A_590 {add = true, strides = array<i32>} : memref<200x128xf32, #tpu.memory_space<vmem>>, vector<1x16xf32>,
        %get3A_591 = arith.index_cast %add3A_563 : i32 to index
        %get3A_592 = arith.constant 48 : index
        %get3A_593 = tpu.vector_load %arg11[%get3A_591, %get3A_592] {strides = array<i32>} : memref<200x128xf32, #tpu.memory_space<vmem>>, vector<1x16xf32>,
        %get3A_594 = vector.shape_cast %get3A_593 : vector<1x16xf32> to vector<16xf32>
        %swap3A_595 = arith.index_cast %add3A_563 : i32 to index
        %swap3A_596 = arith.constant 48 : index
        %swap3A_597 = tpu.vector_load %arg9[%swap3A_595, %swap3A_596] {strides = array<i32>} : memref<200x128xf32, #tpu.memory_space<vmem>>, vector<1x16xf32>,
        %swap3A_598 = vector.shape_cast %swap3A_597 : vector<1x16xf32> to vector<16xf32>
        %swap3A_599 = vector.shape_cast %get3A_594 : vector<16xf32> to vector<1x16xf32>
        tpu.vector_store %arg9[%swap3A_595, %swap3A_596], %swap3A_599 {add = true, strides = array<i32>} : memref<200x128xf32, #tpu.memory_space<vmem>>, vector<1x16xf32>,
        %get3A_600 = arith.index_cast %add3A_563 : i32 to index
        %get3A_601 = arith.constant 64 : index
        %get3A_602 = tpu.vector_load %arg11[%get3A_600, %get3A_601] {strides = array<i32>} : memref<200x128xf32, #tpu.memory_space<vmem>>, vector<1x16xf32>,
        %get3A_603 = vector.shape_cast %get3A_602 : vector<1x16xf32> to vector<16xf32>
        %swap3A_604 = arith.index_cast %add3A_563 : i32 to index
        %swap3A_605 = arith.constant 64 : index
        %swap3A_606 = tpu.vector_load %arg9[%swap3A_604, %swap3A_605] {strides = array<i32>} : memref<200x128xf32, #tpu.memory_space<vmem>>, vector<1x16xf32>,
        %swap3A_607 = vector.shape_cast %swap3A_606 : vector<1x16xf32> to vector<16xf32>
        %swap3A_608 = vector.shape_cast %get3A_603 : vector<16xf32> to vector<1x16xf32>
        tpu.vector_store %arg9[%swap3A_604, %swap3A_605], %swap3A_608 {add = true, strides = array<i32>} : memref<200x128xf32, #tpu.memory_space<vmem>>, vector<1x16xf32>,
        %get3A_609 = arith.index_cast %add3A_563 : i32 to index
        %get3A_610 = arith.constant 80 : index
        %get3A_611 = tpu.vector_load %arg11[%get3A_609, %get3A_610] {strides = array<i32>} : memref<200x128xf32, #tpu.memory_space<vmem>>, vector<1x16xf32>,
        %get3A_612 = vector.shape_cast %get3A_611 : vector<1x16xf32> to vector<16xf32>
        %swap3A_613 = arith.index_cast %add3A_563 : i32 to index
        %swap3A_614 = arith.constant 80 : index
        %swap3A_615 = tpu.vector_load %arg9[%swap3A_613, %swap3A_614] {strides = array<i32>} : memref<200x128xf32, #tpu.memory_space<vmem>>, vector<1x16xf32>,
        %swap3A_616 = vector.shape_cast %swap3A_615 : vector<1x16xf32> to vector<16xf32>
        %swap3A_617 = vector.shape_cast %get3A_612 : vector<16xf32> to vector<1x16xf32>
        tpu.vector_store %arg9[%swap3A_613, %swap3A_614], %swap3A_617 {add = true, strides = array<i32>} : memref<200x128xf32, #tpu.memory_space<vmem>>, vector<1x16xf32>,
        %get3A_618 = arith.index_cast %add3A_563 : i32 to index
        %get3A_619 = arith.constant 96 : index
        %get3A_620 = tpu.vector_load %arg11[%get3A_618, %get3A_619] {strides = array<i32>} : memref<200x128xf32, #tpu.memory_space<vmem>>, vector<1x16xf32>,
        %get3A_621 = vector.shape_cast %get3A_620 : vector<1x16xf32> to vector<16xf32>
        %swap3A_622 = arith.index_cast %add3A_563 : i32 to index
        %swap3A_623 = arith.constant 96 : index
        %swap3A_624 = tpu.vector_load %arg9[%swap3A_622, %swap3A_623] {strides = array<i32>} : memref<200x128xf32, #tpu.memory_space<vmem>>, vector<1x16xf32>,
        %swap3A_625 = vector.shape_cast %swap3A_624 : vector<1x16xf32> to vector<16xf32>
        %swap3A_626 = vector.shape_cast %get3A_621 : vector<16xf32> to vector<1x16xf32>
        tpu.vector_store %arg9[%swap3A_622, %swap3A_623], %swap3A_626 {add = true, strides = array<i32>} : memref<200x128xf32, #tpu.memory_space<vmem>>, vector<1x16xf32>,
        %get3A_627 = arith.index_cast %add3A_563 : i32 to index
        %get3A_628 = arith.constant 112 : index
        %get3A_629 = tpu.vector_load %arg11[%get3A_627, %get3A_628] {strides = array<i32>} : memref<200x128xf32, #tpu.memory_space<vmem>>, vector<1x16xf32>,
        %get3A_630 = vector.shape_cast %get3A_629 : vector<1x16xf32> to vector<16xf32>
        %swap3A_631 = arith.index_cast %add3A_563 : i32 to index
        %swap3A_632 = arith.constant 112 : index
        %swap3A_633 = tpu.vector_load %arg9[%swap3A_631, %swap3A_632] {strides = array<i32>} : memref<200x128xf32, #tpu.memory_space<vmem>>, vector<1x16xf32>,
        %swap3A_634 = vector.shape_cast %swap3A_633 : vector<1x16xf32> to vector<16xf32>
        %swap3A_635 = vector.shape_cast %get3A_630 : vector<16xf32> to vector<1x16xf32>
        tpu.vector_store %arg9[%swap3A_631, %swap3A_632], %swap3A_635 {add = true, strides = array<i32>} : memref<200x128xf32, #tpu.memory_space<vmem>>, vector<1x16xf32>,
        %mul3A_636 = arith.constant 4 : i32
        %mul3A_637 = arith.muli %mul3A_636, %scan3A_409 : i32
        %add3A_638 = arith.constant 3 : i32
        %add3A_639 = arith.addi %mul3A_637, %add3A_638 : i32
        %get3A_640 = arith.index_cast %add3A_639 : i32 to index
        %get3A_641 = arith.constant 0 : index
        %get3A_642 = tpu.vector_load %arg11[%get3A_640, %get3A_641] {strides = array<i32>} : memref<200x128xf32, #tpu.memory_space<vmem>>, vector<1x16xf32>,
        %get3A_643 = vector.shape_cast %get3A_642 : vector<1x16xf32> to vector<16xf32>
        %swap3A_644 = arith.index_cast %add3A_639 : i32 to index
        %swap3A_645 = arith.constant 0 : index
        %swap3A_646 = tpu.vector_load %arg9[%swap3A_644, %swap3A_645] {strides = array<i32>} : memref<200x128xf32, #tpu.memory_space<vmem>>, vector<1x16xf32>,
        %swap3A_647 = vector.shape_cast %swap3A_646 : vector<1x16xf32> to vector<16xf32>
        %swap3A_648 = vector.shape_cast %get3A_643 : vector<16xf32> to vector<1x16xf32>
        tpu.vector_store %arg9[%swap3A_644, %swap3A_645], %swap3A_648 {add = true, strides = array<i32>} : memref<200x128xf32, #tpu.memory_space<vmem>>, vector<1x16xf32>,
        %get3A_649 = arith.index_cast %add3A_639 : i32 to index
        %get3A_650 = arith.constant 16 : index
        %get3A_651 = tpu.vector_load %arg11[%get3A_649, %get3A_650] {strides = array<i32>} : memref<200x128xf32, #tpu.memory_space<vmem>>, vector<1x16xf32>,
        %get3A_652 = vector.shape_cast %get3A_651 : vector<1x16xf32> to vector<16xf32>
        %swap3A_653 = arith.index_cast %add3A_639 : i32 to index
        %swap3A_654 = arith.constant 16 : index
        %swap3A_655 = tpu.vector_load %arg9[%swap3A_653, %swap3A_654] {strides = array<i32>} : memref<200x128xf32, #tpu.memory_space<vmem>>, vector<1x16xf32>,
        %swap3A_656 = vector.shape_cast %swap3A_655 : vector<1x16xf32> to vector<16xf32>
        %swap3A_657 = vector.shape_cast %get3A_652 : vector<16xf32> to vector<1x16xf32>
        tpu.vector_store %arg9[%swap3A_653, %swap3A_654], %swap3A_657 {add = true, strides = array<i32>} : memref<200x128xf32, #tpu.memory_space<vmem>>, vector<1x16xf32>,
        %get3A_658 = arith.index_cast %add3A_639 : i32 to index
        %get3A_659 = arith.constant 32 : index
        %get3A_660 = tpu.vector_load %arg11[%get3A_658, %get3A_659] {strides = array<i32>} : memref<200x128xf32, #tpu.memory_space<vmem>>, vector<1x16xf32>,
        %get3A_661 = vector.shape_cast %get3A_660 : vector<1x16xf32> to vector<16xf32>
        %swap3A_662 = arith.index_cast %add3A_639 : i32 to index
        %swap3A_663 = arith.constant 32 : index
        %swap3A_664 = tpu.vector_load %arg9[%swap3A_662, %swap3A_663] {strides = array<i32>} : memref<200x128xf32, #tpu.memory_space<vmem>>, vector<1x16xf32>,
        %swap3A_665 = vector.shape_cast %swap3A_664 : vector<1x16xf32> to vector<16xf32>
        %swap3A_666 = vector.shape_cast %get3A_661 : vector<16xf32> to vector<1x16xf32>
        tpu.vector_store %arg9[%swap3A_662, %swap3A_663], %swap3A_666 {add = true, strides = array<i32>} : memref<200x128xf32, #tpu.memory_space<vmem>>, vector<1x16xf32>,
        %get3A_667 = arith.index_cast %add3A_639 : i32 to index
        %get3A_668 = arith.constant 48 : index
        %get3A_669 = tpu.vector_load %arg11[%get3A_667, %get3A_668] {strides = array<i32>} : memref<200x128xf32, #tpu.memory_space<vmem>>, vector<1x16xf32>,
        %get3A_670 = vector.shape_cast %get3A_669 : vector<1x16xf32> to vector<16xf32>
        %swap3A_671 = arith.index_cast %add3A_639 : i32 to index
        %swap3A_672 = arith.constant 48 : index
        %swap3A_673 = tpu.vector_load %arg9[%swap3A_671, %swap3A_672] {strides = array<i32>} : memref<200x128xf32, #tpu.memory_space<vmem>>, vector<1x16xf32>,
        %swap3A_674 = vector.shape_cast %swap3A_673 : vector<1x16xf32> to vector<16xf32>
        %swap3A_675 = vector.shape_cast %get3A_670 : vector<16xf32> to vector<1x16xf32>
        tpu.vector_store %arg9[%swap3A_671, %swap3A_672], %swap3A_675 {add = true, strides = array<i32>} : memref<200x128xf32, #tpu.memory_space<vmem>>, vector<1x16xf32>,
        %get3A_676 = arith.index_cast %add3A_639 : i32 to index
        %get3A_677 = arith.constant 64 : index
        %get3A_678 = tpu.vector_load %arg11[%get3A_676, %get3A_677] {strides = array<i32>} : memref<200x128xf32, #tpu.memory_space<vmem>>, vector<1x16xf32>,
        %get3A_679 = vector.shape_cast %get3A_678 : vector<1x16xf32> to vector<16xf32>
        %swap3A_680 = arith.index_cast %add3A_639 : i32 to index
        %swap3A_681 = arith.constant 64 : index
        %swap3A_682 = tpu.vector_load %arg9[%swap3A_680, %swap3A_681] {strides = array<i32>} : memref<200x128xf32, #tpu.memory_space<vmem>>, vector<1x16xf32>,
        %swap3A_683 = vector.shape_cast %swap3A_682 : vector<1x16xf32> to vector<16xf32>
        %swap3A_684 = vector.shape_cast %get3A_679 : vector<16xf32> to vector<1x16xf32>
        tpu.vector_store %arg9[%swap3A_680, %swap3A_681], %swap3A_684 {add = true, strides = array<i32>} : memref<200x128xf32, #tpu.memory_space<vmem>>, vector<1x16xf32>,
        %get3A_685 = arith.index_cast %add3A_639 : i32 to index
        %get3A_686 = arith.constant 80 : index
        %get3A_687 = tpu.vector_load %arg11[%get3A_685, %get3A_686] {strides = array<i32>} : memref<200x128xf32, #tpu.memory_space<vmem>>, vector<1x16xf32>,
        %get3A_688 = vector.shape_cast %get3A_687 : vector<1x16xf32> to vector<16xf32>
        %swap3A_689 = arith.index_cast %add3A_639 : i32 to index
        %swap3A_690 = arith.constant 80 : index
        %swap3A_691 = tpu.vector_load %arg9[%swap3A_689, %swap3A_690] {strides = array<i32>} : memref<200x128xf32, #tpu.memory_space<vmem>>, vector<1x16xf32>,
        %swap3A_692 = vector.shape_cast %swap3A_691 : vector<1x16xf32> to vector<16xf32>
        %swap3A_693 = vector.shape_cast %get3A_688 : vector<16xf32> to vector<1x16xf32>
        tpu.vector_store %arg9[%swap3A_689, %swap3A_690], %swap3A_693 {add = true, strides = array<i32>} : memref<200x128xf32, #tpu.memory_space<vmem>>, vector<1x16xf32>,
        %get3A_694 = arith.index_cast %add3A_639 : i32 to index
        %get3A_695 = arith.constant 96 : index
        %get3A_696 = tpu.vector_load %arg11[%get3A_694, %get3A_695] {strides = array<i32>} : memref<200x128xf32, #tpu.memory_space<vmem>>, vector<1x16xf32>,
        %get3A_697 = vector.shape_cast %get3A_696 : vector<1x16xf32> to vector<16xf32>
        %swap3A_698 = arith.index_cast %add3A_639 : i32 to index
        %swap3A_699 = arith.constant 96 : index
        %swap3A_700 = tpu.vector_load %arg9[%swap3A_698, %swap3A_699] {strides = array<i32>} : memref<200x128xf32, #tpu.memory_space<vmem>>, vector<1x16xf32>,
        %swap3A_701 = vector.shape_cast %swap3A_700 : vector<1x16xf32> to vector<16xf32>
        %swap3A_702 = vector.shape_cast %get3A_697 : vector<16xf32> to vector<1x16xf32>
        tpu.vector_store %arg9[%swap3A_698, %swap3A_699], %swap3A_702 {add = true, strides = array<i32>} : memref<200x128xf32, #tpu.memory_space<vmem>>, vector<1x16xf32>,
        %get3A_703 = arith.index_cast %add3A_639 : i32 to index
        %get3A_704 = arith.constant 112 : index
        %get3A_705 = tpu.vector_load %arg11[%get3A_703, %get3A_704] {strides = array<i32>} : memref<200x128xf32, #tpu.memory_space<vmem>>, vector<1x16xf32>,
        %get3A_706 = vector.shape_cast %get3A_705 : vector<1x16xf32> to vector<16xf32>
        %swap3A_707 = arith.index_cast %add3A_639 : i32 to index
        %swap3A_708 = arith.constant 112 : index
        %swap3A_709 = tpu.vector_load %arg9[%swap3A_707, %swap3A_708] {strides = array<i32>} : memref<200x128xf32, #tpu.memory_space<vmem>>, vector<1x16xf32>,
        %swap3A_710 = vector.shape_cast %swap3A_709 : vector<1x16xf32> to vector<16xf32>
        %swap3A_711 = vector.shape_cast %get3A_706 : vector<16xf32> to vector<1x16xf32>
        tpu.vector_store %arg9[%swap3A_707, %swap3A_708], %swap3A_711 {add = true, strides = array<i32>} : memref<200x128xf32, #tpu.memory_space<vmem>>, vector<1x16xf32>,
      }
      %scan3A_340 = arith.constant 50 : i32
      %mul3A_341 = arith.constant 128 : i32
      %mul3A_342 = arith.muli %add3A, %mul3A_341 : i32
      %add3A_343 = arith.addi %mul3A_342, %add3A_298 : i32
      %dma_start3A_344 = arith.constant 0 : i32
      %dma_start3A_345 = arith.constant 0 : i32
      %dma_start3A_346 = tpu.memref_slice %arg5[%add3A_343, %dma_start3A_344, %dma_start3A_345] : memref<4096x200x128xf32, #tpu.memory_space<hbm>> -> memref<1x200x128xf32, #tpu.memory_space<hbm>>
      %dma_start3A_347 = tpu.memref_squeeze %dma_start3A_346 : memref<1x200x128xf32, #tpu.memory_space<hbm>> -> memref<200x128xf32, #tpu.memory_space<hbm>>
      %dma_start3A_348 = arith.constant 0 : i32
      %dma_start3A_349 = arith.constant 0 : i32
      %dma_start3A_350 = tpu.memref_slice %arg5[%add3A_343, %dma_start3A_348, %dma_start3A_349] : memref<4096x200x128xf32, #tpu.memory_space<hbm>> -> memref<1x200x128xf32, #tpu.memory_space<hbm>>
      %dma_start3A_351 = tpu.memref_squeeze %dma_start3A_350 : memref<1x200x128xf32, #tpu.memory_space<hbm>> -> memref<200x128xf32, #tpu.memory_space<hbm>>
      tpu.enqueue_dma source(%arg9 : memref<200x128xf32, #tpu.memory_space<vmem>>) target(%dma_start3A_351 : memref<200x128xf32, #tpu.memory_space<hbm>>) target_semaphore(%arg18 : memref<!tpu.dma_semaphore, #tpu.memory_space<semaphore_mem>>)
      %mul3A_352 = arith.constant 4 : i32
      %mul3A_353 = arith.muli %mul3A_352, %scan3A_183 : i32
      %add3A_354 = arith.constant 3 : i32
      %add3A_355 = arith.addi %mul3A_353, %add3A_354 : i32
      %add3A_356 = arith.constant 3 : i32
      %add3A_357 = arith.addi %add3A_355, %add3A_356 : i32
      %lt3A_358 = arith.constant 128 : i32
      %lt3A_359 = arith.cmpi slt, %add3A_357, %lt3A_358 : i32
      %convert_element_type3A_360 = arith.extui %lt3A_359 : i1 to i32
      %cond3A_361 = arith.constant 0 : i32
      %cond3A_362 = arith.cmpi ne, %convert_element_type3A_360, %cond3A_361 : i32
      scf.if %cond3A_362 {
        %add3A_409 = arith.constant 3 : i32
        %add3A_410 = arith.addi %add3A_355, %add3A_409 : i32
        %mul3A_411 = arith.constant 128 : i32
        %mul3A_412 = arith.muli %add3A, %mul3A_411 : i32
        %add3A_413 = arith.addi %mul3A_412, %add3A_410 : i32
        %dma_start3A_414 = arith.constant 2 : i32
        %dma_start3A_415 = arith.constant 0 : i32
        %dma_start3A_416 = arith.constant 0 : i32
        %dma_start3A_417 = tpu.memref_slice %arg6[%dma_start3A_414, %dma_start3A_415, %dma_start3A_416] : memref<4x2x100xi32, #tpu.memory_space<vmem>> -> memref<1x2x100xi32, #tpu.memory_space<vmem>>
        %dma_start3A_418 = tpu.memref_squeeze %dma_start3A_417 : memref<1x2x100xi32, #tpu.memory_space<vmem>> -> memref<2x100xi32, #tpu.memory_space<vmem>>
        %dma_start3A_419 = arith.constant 0 : i32
        %dma_start3A_420 = arith.constant 0 : i32
        %dma_start3A_421 = tpu.memref_slice %arg2[%add3A_413, %dma_start3A_419, %dma_start3A_420] : memref<4096x2x100xi32, #tpu.memory_space<hbm>> -> memref<1x2x100xi32, #tpu.memory_space<hbm>>
        %dma_start3A_422 = tpu.memref_squeeze %dma_start3A_421 : memref<1x2x100xi32, #tpu.memory_space<hbm>> -> memref<2x100xi32, #tpu.memory_space<hbm>>
        %dma_start3A_423 = arith.constant 0 : i32
        %dma_start3A_424 = arith.constant 0 : i32
        %dma_start3A_425 = tpu.memref_slice %arg6[%dma_start3A_414, %dma_start3A_423, %dma_start3A_424] : memref<4x2x100xi32, #tpu.memory_space<vmem>> -> memref<1x2x100xi32, #tpu.memory_space<vmem>>
        %dma_start3A_426 = tpu.memref_squeeze %dma_start3A_425 : memref<1x2x100xi32, #tpu.memory_space<vmem>> -> memref<2x100xi32, #tpu.memory_space<vmem>>
        %dma_start3A_427 = arith.constant 0 : i32
        %dma_start3A_428 = arith.constant 0 : i32
        %dma_start3A_429 = tpu.memref_slice %arg2[%add3A_413, %dma_start3A_427, %dma_start3A_428] : memref<4096x2x100xi32, #tpu.memory_space<hbm>> -> memref<1x2x100xi32, #tpu.memory_space<hbm>>
        %dma_start3A_430 = tpu.memref_squeeze %dma_start3A_429 : memref<1x2x100xi32, #tpu.memory_space<hbm>> -> memref<2x100xi32, #tpu.memory_space<hbm>>
        tpu.enqueue_dma source(%dma_start3A_430 : memref<2x100xi32, #tpu.memory_space<hbm>>) target(%dma_start3A_426 : memref<2x100xi32, #tpu.memory_space<vmem>>) target_semaphore(%arg22 : memref<!tpu.dma_semaphore, #tpu.memory_space<semaphore_mem>>)
      } else {
      }
      %add3A_363 = arith.constant 2 : i32
      %add3A_364 = arith.addi %add3A_355, %add3A_363 : i32
      %lt3A_365 = arith.constant 128 : i32
      %lt3A_366 = arith.cmpi slt, %add3A_364, %lt3A_365 : i32
      %convert_element_type3A_367 = arith.extui %lt3A_366 : i1 to i32
      %cond3A_368 = arith.constant 0 : i32
      %cond3A_369 = arith.cmpi ne, %convert_element_type3A_367, %cond3A_368 : i32
      scf.if %cond3A_369 {
        %ge3A = arith.constant 2 : i32
        %ge3A_409 = arith.cmpi sge, %add3A_355, %ge3A : i32
        %convert_element_type3A_410 = arith.extui %ge3A_409 : i1 to i32
        %cond3A_411 = arith.constant 0 : i32
        %cond3A_412 = arith.cmpi ne, %convert_element_type3A_410, %cond3A_411 : i32
        scf.if %cond3A_412 {
          %dma_wait3A_453 = arith.constant 0 : i32
          %dma_wait3A_454 = arith.constant 0 : i32
          %dma_wait3A_455 = arith.constant 0 : i32
          %dma_wait3A_456 = tpu.memref_slice %arg5[%dma_wait3A_453, %dma_wait3A_454, %dma_wait3A_455] : memref<4096x200x128xf32, #tpu.memory_space<hbm>> -> memref<1x200x128xf32, #tpu.memory_space<hbm>>
          %dma_wait3A_457 = tpu.memref_squeeze %dma_wait3A_456 : memref<1x200x128xf32, #tpu.memory_space<hbm>> -> memref<200x128xf32, #tpu.memory_space<hbm>>
          %dma_wait3A_458 = arith.constant 0 : i32
          %dma_wait3A_459 = arith.constant 0 : i32
          %dma_wait3A_460 = tpu.memref_slice %arg5[%dma_wait3A_453, %dma_wait3A_458, %dma_wait3A_459] : memref<4096x200x128xf32, #tpu.memory_space<hbm>> -> memref<1x200x128xf32, #tpu.memory_space<hbm>>
          %dma_wait3A_461 = tpu.memref_squeeze %dma_wait3A_460 : memref<1x200x128xf32, #tpu.memory_space<hbm>> -> memref<200x128xf32, #tpu.memory_space<hbm>>
          tpu.wait_dma2 semaphore(%arg17 : memref<!tpu.dma_semaphore, #tpu.memory_space<semaphore_mem>>) src(%arg8 : memref<200x128xf32, #tpu.memory_space<vmem>>) dst(%dma_wait3A_461 : memref<200x128xf32, #tpu.memory_space<hbm>>)
        } else {
        }
        %dma_wait3A_413 = arith.constant 0 : i32
        %dma_wait3A_414 = arith.constant 0 : i32
        %dma_wait3A_415 = arith.constant 0 : i32
        %dma_wait3A_416 = arith.constant 0 : i32
        %dma_wait3A_417 = tpu.memref_slice %arg6[%dma_wait3A_414, %dma_wait3A_415, %dma_wait3A_416] : memref<4x2x100xi32, #tpu.memory_space<vmem>> -> memref<1x2x100xi32, #tpu.memory_space<vmem>>
        %dma_wait3A_418 = tpu.memref_squeeze %dma_wait3A_417 : memref<1x2x100xi32, #tpu.memory_space<vmem>> -> memref<2x100xi32, #tpu.memory_space<vmem>>
        %dma_wait3A_419 = arith.constant 0 : i32
        %dma_wait3A_420 = arith.constant 0 : i32
        %dma_wait3A_421 = tpu.memref_slice %arg2[%dma_wait3A_413, %dma_wait3A_419, %dma_wait3A_420] : memref<4096x2x100xi32, #tpu.memory_space<hbm>> -> memref<1x2x100xi32, #tpu.memory_space<hbm>>
        %dma_wait3A_422 = tpu.memref_squeeze %dma_wait3A_421 : memref<1x2x100xi32, #tpu.memory_space<hbm>> -> memref<2x100xi32, #tpu.memory_space<hbm>>
        %dma_wait3A_423 = arith.constant 0 : i32
        %dma_wait3A_424 = arith.constant 0 : i32
        %dma_wait3A_425 = tpu.memref_slice %arg6[%dma_wait3A_414, %dma_wait3A_423, %dma_wait3A_424] : memref<4x2x100xi32, #tpu.memory_space<vmem>> -> memref<1x2x100xi32, #tpu.memory_space<vmem>>
        %dma_wait3A_426 = tpu.memref_squeeze %dma_wait3A_425 : memref<1x2x100xi32, #tpu.memory_space<vmem>> -> memref<2x100xi32, #tpu.memory_space<vmem>>
        %dma_wait3A_427 = arith.constant 0 : i32
        %dma_wait3A_428 = arith.constant 0 : i32
        %dma_wait3A_429 = tpu.memref_slice %arg2[%dma_wait3A_413, %dma_wait3A_427, %dma_wait3A_428] : memref<4096x2x100xi32, #tpu.memory_space<hbm>> -> memref<1x2x100xi32, #tpu.memory_space<hbm>>
        %dma_wait3A_430 = tpu.memref_squeeze %dma_wait3A_429 : memref<1x2x100xi32, #tpu.memory_space<hbm>> -> memref<2x100xi32, #tpu.memory_space<hbm>>
        tpu.wait_dma2 semaphore(%arg21 : memref<!tpu.dma_semaphore, #tpu.memory_space<semaphore_mem>>) src(%dma_wait3A_430 : memref<2x100xi32, #tpu.memory_space<hbm>>) dst(%dma_wait3A_426 : memref<2x100xi32, #tpu.memory_space<vmem>>)
        %dma_start3A_431 = arith.constant 1 : i32
        %dma_start3A_432 = arith.constant 0 : i32
        %dma_start3A_433 = arith.constant 0 : i32
        %dma_start3A_434 = arith.constant 0 : i32
        %dma_start3A_435 = tpu.memref_slice %arg8[%dma_start3A_433, %dma_start3A_434] : memref<200x128xf32, #tpu.memory_space<vmem>> -> memref<100x128xf32, #tpu.memory_space<vmem>>
        %dma_start3A_436 = arith.constant 0 : i32
        %dma_start3A_437 = tpu.memref_slice %arg6[%dma_start3A_431, %dma_start3A_432, %dma_start3A_436] : memref<4x2x100xi32, #tpu.memory_space<vmem>> -> memref<1x1x100xi32, #tpu.memory_space<vmem>>
        %dma_start3A_438 = tpu.memref_squeeze %dma_start3A_437 : memref<1x1x100xi32, #tpu.memory_space<vmem>> -> memref<100xi32, #tpu.memory_space<vmem>>
        %dma_start3A_439 = arith.constant 0 : i32
        %dma_start3A_440 = arith.constant 0 : i32
        %dma_start3A_441 = tpu.memref_slice %arg3[%dma_start3A_439, %dma_start3A_440] : memref<100000x128xf32, #tpu.memory_space<hbm>> -> memref<100000x128xf32, #tpu.memory_space<hbm>>
        tpu.enqueue_indirect_dma source(%dma_start3A_441 : memref<100000x128xf32, #tpu.memory_space<hbm>>) target(%dma_start3A_435 : memref<100x128xf32, #tpu.memory_space<vmem>>) offsets(%dma_start3A_438 : memref<100xi32, #tpu.memory_space<vmem>>) semaphore(%arg13 : memref<!tpu.dma_semaphore, #tpu.memory_space<semaphore_mem>>)
        %dma_start3A_442 = arith.constant 1 : i32
        %dma_start3A_443 = arith.constant 1 : i32
        %dma_start3A_444 = arith.constant 100 : i32
        %dma_start3A_445 = arith.constant 0 : i32
        %dma_start3A_446 = tpu.memref_slice %arg8[%dma_start3A_444, %dma_start3A_445] : memref<200x128xf32, #tpu.memory_space<vmem>> -> memref<100x128xf32, #tpu.memory_space<vmem>>
        %dma_start3A_447 = arith.constant 0 : i32
        %dma_start3A_448 = tpu.memref_slice %arg6[%dma_start3A_442, %dma_start3A_443, %dma_start3A_447] : memref<4x2x100xi32, #tpu.memory_space<vmem>> -> memref<1x1x100xi32, #tpu.memory_space<vmem>>
        %dma_start3A_449 = tpu.memref_squeeze %dma_start3A_448 : memref<1x1x100xi32, #tpu.memory_space<vmem>> -> memref<100xi32, #tpu.memory_space<vmem>>
        %dma_start3A_450 = arith.constant 0 : i32
        %dma_start3A_451 = arith.constant 0 : i32
        %dma_start3A_452 = tpu.memref_slice %arg3[%dma_start3A_450, %dma_start3A_451] : memref<100000x128xf32, #tpu.memory_space<hbm>> -> memref<100000x128xf32, #tpu.memory_space<hbm>>
        tpu.enqueue_indirect_dma source(%dma_start3A_452 : memref<100000x128xf32, #tpu.memory_space<hbm>>) target(%dma_start3A_446 : memref<100x128xf32, #tpu.memory_space<vmem>>) offsets(%dma_start3A_449 : memref<100xi32, #tpu.memory_space<vmem>>) semaphore(%arg13 : memref<!tpu.dma_semaphore, #tpu.memory_space<semaphore_mem>>)
      } else {
      }
      %dma_wait3A_370 = arith.constant 0 : i32
      %dma_wait3A_371 = arith.constant 0 : i32
      %dma_wait3A_372 = arith.constant 0 : i32
      %dma_wait3A_373 = arith.constant 0 : i32
      %dma_wait3A_374 = tpu.memref_slice %arg10[%dma_wait3A_372, %dma_wait3A_373] : memref<200x128xf32, #tpu.memory_space<vmem>> -> memref<100x128xf32, #tpu.memory_space<vmem>>
      %dma_wait3A_375 = arith.constant 0 : i32
      %dma_wait3A_376 = tpu.memref_slice %arg6[%dma_wait3A_370, %dma_wait3A_371, %dma_wait3A_375] : memref<4x2x100xi32, #tpu.memory_space<vmem>> -> memref<1x1x100xi32, #tpu.memory_space<vmem>>
      %dma_wait3A_377 = tpu.memref_squeeze %dma_wait3A_376 : memref<1x1x100xi32, #tpu.memory_space<vmem>> -> memref<100xi32, #tpu.memory_space<vmem>>
      %dma_wait3A_378 = arith.constant 0 : i32
      %dma_wait3A_379 = arith.constant 0 : i32
      %dma_wait3A_380 = tpu.memref_slice %arg3[%dma_wait3A_378, %dma_wait3A_379] : memref<100000x128xf32, #tpu.memory_space<hbm>> -> memref<100000x128xf32, #tpu.memory_space<hbm>>
      tpu.wait_indirect_dma semaphore(%arg15 : memref<!tpu.dma_semaphore, #tpu.memory_space<semaphore_mem>>) src(%dma_wait3A_380 : memref<100000x128xf32, #tpu.memory_space<hbm>>) dst(%dma_wait3A_374 : memref<100x128xf32, #tpu.memory_space<vmem>>)
      %dma_wait3A_381 = arith.constant 0 : i32
      %dma_wait3A_382 = arith.constant 0 : i32
      %dma_wait3A_383 = arith.constant 100 : i32
      %dma_wait3A_384 = arith.constant 0 : i32
      %dma_wait3A_385 = tpu.memref_slice %arg10[%dma_wait3A_383, %dma_wait3A_384] : memref<200x128xf32, #tpu.memory_space<vmem>> -> memref<100x128xf32, #tpu.memory_space<vmem>>
      %dma_wait3A_386 = arith.constant 0 : i32
      %dma_wait3A_387 = tpu.memref_slice %arg6[%dma_wait3A_381, %dma_wait3A_382, %dma_wait3A_386] : memref<4x2x100xi32, #tpu.memory_space<vmem>> -> memref<1x1x100xi32, #tpu.memory_space<vmem>>
      %dma_wait3A_388 = tpu.memref_squeeze %dma_wait3A_387 : memref<1x1x100xi32, #tpu.memory_space<vmem>> -> memref<100xi32, #tpu.memory_space<vmem>>
      %dma_wait3A_389 = arith.constant 0 : i32
      %dma_wait3A_390 = arith.constant 0 : i32
      %dma_wait3A_391 = tpu.memref_slice %arg3[%dma_wait3A_389, %dma_wait3A_390] : memref<100000x128xf32, #tpu.memory_space<hbm>> -> memref<100000x128xf32, #tpu.memory_space<hbm>>
      tpu.wait_indirect_dma semaphore(%arg15 : memref<!tpu.dma_semaphore, #tpu.memory_space<semaphore_mem>>) src(%dma_wait3A_391 : memref<100000x128xf32, #tpu.memory_space<hbm>>) dst(%dma_wait3A_385 : memref<100x128xf32, #tpu.memory_space<vmem>>)
      %scan3A_392 = arith.constant 0 : i32
      %scan3A_393 = arith.constant 0 : i32
      %scan3A_394 = arith.constant 50 : i32
      %scan3A_395 = arith.addi %scan3A_393, %scan3A_394 : i32
      %scan3A_396 = arith.constant 1 : i32
      scf.for %scan3A_409 = %scan3A_393 to %scan3A_395 step %scan3A_396  : i32 {
        %mul3A_410 = arith.constant 4 : i32
        %mul3A_411 = arith.muli %mul3A_410, %scan3A_409 : i32
        %add3A_412 = arith.constant 0 : i32
        %add3A_413 = arith.addi %mul3A_411, %add3A_412 : i32
        %get3A = arith.index_cast %add3A_413 : i32 to index
        %get3A_414 = arith.constant 0 : index
        %get3A_415 = tpu.vector_load %arg11[%get3A, %get3A_414] {strides = array<i32>} : memref<200x128xf32, #tpu.memory_space<vmem>>, vector<1x16xf32>,
        %get3A_416 = vector.shape_cast %get3A_415 : vector<1x16xf32> to vector<16xf32>
        %swap3A = arith.index_cast %add3A_413 : i32 to index
        %swap3A_417 = arith.constant 0 : index
        %swap3A_418 = tpu.vector_load %arg10[%swap3A, %swap3A_417] {strides = array<i32>} : memref<200x128xf32, #tpu.memory_space<vmem>>, vector<1x16xf32>,
        %swap3A_419 = vector.shape_cast %swap3A_418 : vector<1x16xf32> to vector<16xf32>
        %swap3A_420 = vector.shape_cast %get3A_416 : vector<16xf32> to vector<1x16xf32>
        tpu.vector_store %arg10[%swap3A, %swap3A_417], %swap3A_420 {add = true, strides = array<i32>} : memref<200x128xf32, #tpu.memory_space<vmem>>, vector<1x16xf32>,
        %get3A_421 = arith.index_cast %add3A_413 : i32 to index
        %get3A_422 = arith.constant 16 : index
        %get3A_423 = tpu.vector_load %arg11[%get3A_421, %get3A_422] {strides = array<i32>} : memref<200x128xf32, #tpu.memory_space<vmem>>, vector<1x16xf32>,
        %get3A_424 = vector.shape_cast %get3A_423 : vector<1x16xf32> to vector<16xf32>
        %swap3A_425 = arith.index_cast %add3A_413 : i32 to index
        %swap3A_426 = arith.constant 16 : index
        %swap3A_427 = tpu.vector_load %arg10[%swap3A_425, %swap3A_426] {strides = array<i32>} : memref<200x128xf32, #tpu.memory_space<vmem>>, vector<1x16xf32>,
        %swap3A_428 = vector.shape_cast %swap3A_427 : vector<1x16xf32> to vector<16xf32>
        %swap3A_429 = vector.shape_cast %get3A_424 : vector<16xf32> to vector<1x16xf32>
        tpu.vector_store %arg10[%swap3A_425, %swap3A_426], %swap3A_429 {add = true, strides = array<i32>} : memref<200x128xf32, #tpu.memory_space<vmem>>, vector<1x16xf32>,
        %get3A_430 = arith.index_cast %add3A_413 : i32 to index
        %get3A_431 = arith.constant 32 : index
        %get3A_432 = tpu.vector_load %arg11[%get3A_430, %get3A_431] {strides = array<i32>} : memref<200x128xf32, #tpu.memory_space<vmem>>, vector<1x16xf32>,
        %get3A_433 = vector.shape_cast %get3A_432 : vector<1x16xf32> to vector<16xf32>
        %swap3A_434 = arith.index_cast %add3A_413 : i32 to index
        %swap3A_435 = arith.constant 32 : index
        %swap3A_436 = tpu.vector_load %arg10[%swap3A_434, %swap3A_435] {strides = array<i32>} : memref<200x128xf32, #tpu.memory_space<vmem>>, vector<1x16xf32>,
        %swap3A_437 = vector.shape_cast %swap3A_436 : vector<1x16xf32> to vector<16xf32>
        %swap3A_438 = vector.shape_cast %get3A_433 : vector<16xf32> to vector<1x16xf32>
        tpu.vector_store %arg10[%swap3A_434, %swap3A_435], %swap3A_438 {add = true, strides = array<i32>} : memref<200x128xf32, #tpu.memory_space<vmem>>, vector<1x16xf32>,
        %get3A_439 = arith.index_cast %add3A_413 : i32 to index
        %get3A_440 = arith.constant 48 : index
        %get3A_441 = tpu.vector_load %arg11[%get3A_439, %get3A_440] {strides = array<i32>} : memref<200x128xf32, #tpu.memory_space<vmem>>, vector<1x16xf32>,
        %get3A_442 = vector.shape_cast %get3A_441 : vector<1x16xf32> to vector<16xf32>
        %swap3A_443 = arith.index_cast %add3A_413 : i32 to index
        %swap3A_444 = arith.constant 48 : index
        %swap3A_445 = tpu.vector_load %arg10[%swap3A_443, %swap3A_444] {strides = array<i32>} : memref<200x128xf32, #tpu.memory_space<vmem>>, vector<1x16xf32>,
        %swap3A_446 = vector.shape_cast %swap3A_445 : vector<1x16xf32> to vector<16xf32>
        %swap3A_447 = vector.shape_cast %get3A_442 : vector<16xf32> to vector<1x16xf32>
        tpu.vector_store %arg10[%swap3A_443, %swap3A_444], %swap3A_447 {add = true, strides = array<i32>} : memref<200x128xf32, #tpu.memory_space<vmem>>, vector<1x16xf32>,
        %get3A_448 = arith.index_cast %add3A_413 : i32 to index
        %get3A_449 = arith.constant 64 : index
        %get3A_450 = tpu.vector_load %arg11[%get3A_448, %get3A_449] {strides = array<i32>} : memref<200x128xf32, #tpu.memory_space<vmem>>, vector<1x16xf32>,
        %get3A_451 = vector.shape_cast %get3A_450 : vector<1x16xf32> to vector<16xf32>
        %swap3A_452 = arith.index_cast %add3A_413 : i32 to index
        %swap3A_453 = arith.constant 64 : index
        %swap3A_454 = tpu.vector_load %arg10[%swap3A_452, %swap3A_453] {strides = array<i32>} : memref<200x128xf32, #tpu.memory_space<vmem>>, vector<1x16xf32>,
        %swap3A_455 = vector.shape_cast %swap3A_454 : vector<1x16xf32> to vector<16xf32>
        %swap3A_456 = vector.shape_cast %get3A_451 : vector<16xf32> to vector<1x16xf32>
        tpu.vector_store %arg10[%swap3A_452, %swap3A_453], %swap3A_456 {add = true, strides = array<i32>} : memref<200x128xf32, #tpu.memory_space<vmem>>, vector<1x16xf32>,
        %get3A_457 = arith.index_cast %add3A_413 : i32 to index
        %get3A_458 = arith.constant 80 : index
        %get3A_459 = tpu.vector_load %arg11[%get3A_457, %get3A_458] {strides = array<i32>} : memref<200x128xf32, #tpu.memory_space<vmem>>, vector<1x16xf32>,
        %get3A_460 = vector.shape_cast %get3A_459 : vector<1x16xf32> to vector<16xf32>
        %swap3A_461 = arith.index_cast %add3A_413 : i32 to index
        %swap3A_462 = arith.constant 80 : index
        %swap3A_463 = tpu.vector_load %arg10[%swap3A_461, %swap3A_462] {strides = array<i32>} : memref<200x128xf32, #tpu.memory_space<vmem>>, vector<1x16xf32>,
        %swap3A_464 = vector.shape_cast %swap3A_463 : vector<1x16xf32> to vector<16xf32>
        %swap3A_465 = vector.shape_cast %get3A_460 : vector<16xf32> to vector<1x16xf32>
        tpu.vector_store %arg10[%swap3A_461, %swap3A_462], %swap3A_465 {add = true, strides = array<i32>} : memref<200x128xf32, #tpu.memory_space<vmem>>, vector<1x16xf32>,
        %get3A_466 = arith.index_cast %add3A_413 : i32 to index
        %get3A_467 = arith.constant 96 : index
        %get3A_468 = tpu.vector_load %arg11[%get3A_466, %get3A_467] {strides = array<i32>} : memref<200x128xf32, #tpu.memory_space<vmem>>, vector<1x16xf32>,
        %get3A_469 = vector.shape_cast %get3A_468 : vector<1x16xf32> to vector<16xf32>
        %swap3A_470 = arith.index_cast %add3A_413 : i32 to index
        %swap3A_471 = arith.constant 96 : index
        %swap3A_472 = tpu.vector_load %arg10[%swap3A_470, %swap3A_471] {strides = array<i32>} : memref<200x128xf32, #tpu.memory_space<vmem>>, vector<1x16xf32>,
        %swap3A_473 = vector.shape_cast %swap3A_472 : vector<1x16xf32> to vector<16xf32>
        %swap3A_474 = vector.shape_cast %get3A_469 : vector<16xf32> to vector<1x16xf32>
        tpu.vector_store %arg10[%swap3A_470, %swap3A_471], %swap3A_474 {add = true, strides = array<i32>} : memref<200x128xf32, #tpu.memory_space<vmem>>, vector<1x16xf32>,
        %get3A_475 = arith.index_cast %add3A_413 : i32 to index
        %get3A_476 = arith.constant 112 : index
        %get3A_477 = tpu.vector_load %arg11[%get3A_475, %get3A_476] {strides = array<i32>} : memref<200x128xf32, #tpu.memory_space<vmem>>, vector<1x16xf32>,
        %get3A_478 = vector.shape_cast %get3A_477 : vector<1x16xf32> to vector<16xf32>
        %swap3A_479 = arith.index_cast %add3A_413 : i32 to index
        %swap3A_480 = arith.constant 112 : index
        %swap3A_481 = tpu.vector_load %arg10[%swap3A_479, %swap3A_480] {strides = array<i32>} : memref<200x128xf32, #tpu.memory_space<vmem>>, vector<1x16xf32>,
        %swap3A_482 = vector.shape_cast %swap3A_481 : vector<1x16xf32> to vector<16xf32>
        %swap3A_483 = vector.shape_cast %get3A_478 : vector<16xf32> to vector<1x16xf32>
        tpu.vector_store %arg10[%swap3A_479, %swap3A_480], %swap3A_483 {add = true, strides = array<i32>} : memref<200x128xf32, #tpu.memory_space<vmem>>, vector<1x16xf32>,
        %mul3A_484 = arith.constant 4 : i32
        %mul3A_485 = arith.muli %mul3A_484, %scan3A_409 : i32
        %add3A_486 = arith.constant 1 : i32
        %add3A_487 = arith.addi %mul3A_485, %add3A_486 : i32
        %get3A_488 = arith.index_cast %add3A_487 : i32 to index
        %get3A_489 = arith.constant 0 : index
        %get3A_490 = tpu.vector_load %arg11[%get3A_488, %get3A_489] {strides = array<i32>} : memref<200x128xf32, #tpu.memory_space<vmem>>, vector<1x16xf32>,
        %get3A_491 = vector.shape_cast %get3A_490 : vector<1x16xf32> to vector<16xf32>
        %swap3A_492 = arith.index_cast %add3A_487 : i32 to index
        %swap3A_493 = arith.constant 0 : index
        %swap3A_494 = tpu.vector_load %arg10[%swap3A_492, %swap3A_493] {strides = array<i32>} : memref<200x128xf32, #tpu.memory_space<vmem>>, vector<1x16xf32>,
        %swap3A_495 = vector.shape_cast %swap3A_494 : vector<1x16xf32> to vector<16xf32>
        %swap3A_496 = vector.shape_cast %get3A_491 : vector<16xf32> to vector<1x16xf32>
        tpu.vector_store %arg10[%swap3A_492, %swap3A_493], %swap3A_496 {add = true, strides = array<i32>} : memref<200x128xf32, #tpu.memory_space<vmem>>, vector<1x16xf32>,
        %get3A_497 = arith.index_cast %add3A_487 : i32 to index
        %get3A_498 = arith.constant 16 : index
        %get3A_499 = tpu.vector_load %arg11[%get3A_497, %get3A_498] {strides = array<i32>} : memref<200x128xf32, #tpu.memory_space<vmem>>, vector<1x16xf32>,
        %get3A_500 = vector.shape_cast %get3A_499 : vector<1x16xf32> to vector<16xf32>
        %swap3A_501 = arith.index_cast %add3A_487 : i32 to index
        %swap3A_502 = arith.constant 16 : index
        %swap3A_503 = tpu.vector_load %arg10[%swap3A_501, %swap3A_502] {strides = array<i32>} : memref<200x128xf32, #tpu.memory_space<vmem>>, vector<1x16xf32>,
        %swap3A_504 = vector.shape_cast %swap3A_503 : vector<1x16xf32> to vector<16xf32>
        %swap3A_505 = vector.shape_cast %get3A_500 : vector<16xf32> to vector<1x16xf32>
        tpu.vector_store %arg10[%swap3A_501, %swap3A_502], %swap3A_505 {add = true, strides = array<i32>} : memref<200x128xf32, #tpu.memory_space<vmem>>, vector<1x16xf32>,
        %get3A_506 = arith.index_cast %add3A_487 : i32 to index
        %get3A_507 = arith.constant 32 : index
        %get3A_508 = tpu.vector_load %arg11[%get3A_506, %get3A_507] {strides = array<i32>} : memref<200x128xf32, #tpu.memory_space<vmem>>, vector<1x16xf32>,
        %get3A_509 = vector.shape_cast %get3A_508 : vector<1x16xf32> to vector<16xf32>
        %swap3A_510 = arith.index_cast %add3A_487 : i32 to index
        %swap3A_511 = arith.constant 32 : index
        %swap3A_512 = tpu.vector_load %arg10[%swap3A_510, %swap3A_511] {strides = array<i32>} : memref<200x128xf32, #tpu.memory_space<vmem>>, vector<1x16xf32>,
        %swap3A_513 = vector.shape_cast %swap3A_512 : vector<1x16xf32> to vector<16xf32>
        %swap3A_514 = vector.shape_cast %get3A_509 : vector<16xf32> to vector<1x16xf32>
        tpu.vector_store %arg10[%swap3A_510, %swap3A_511], %swap3A_514 {add = true, strides = array<i32>} : memref<200x128xf32, #tpu.memory_space<vmem>>, vector<1x16xf32>,
        %get3A_515 = arith.index_cast %add3A_487 : i32 to index
        %get3A_516 = arith.constant 48 : index
        %get3A_517 = tpu.vector_load %arg11[%get3A_515, %get3A_516] {strides = array<i32>} : memref<200x128xf32, #tpu.memory_space<vmem>>, vector<1x16xf32>,
        %get3A_518 = vector.shape_cast %get3A_517 : vector<1x16xf32> to vector<16xf32>
        %swap3A_519 = arith.index_cast %add3A_487 : i32 to index
        %swap3A_520 = arith.constant 48 : index
        %swap3A_521 = tpu.vector_load %arg10[%swap3A_519, %swap3A_520] {strides = array<i32>} : memref<200x128xf32, #tpu.memory_space<vmem>>, vector<1x16xf32>,
        %swap3A_522 = vector.shape_cast %swap3A_521 : vector<1x16xf32> to vector<16xf32>
        %swap3A_523 = vector.shape_cast %get3A_518 : vector<16xf32> to vector<1x16xf32>
        tpu.vector_store %arg10[%swap3A_519, %swap3A_520], %swap3A_523 {add = true, strides = array<i32>} : memref<200x128xf32, #tpu.memory_space<vmem>>, vector<1x16xf32>,
        %get3A_524 = arith.index_cast %add3A_487 : i32 to index
        %get3A_525 = arith.constant 64 : index
        %get3A_526 = tpu.vector_load %arg11[%get3A_524, %get3A_525] {strides = array<i32>} : memref<200x128xf32, #tpu.memory_space<vmem>>, vector<1x16xf32>,
        %get3A_527 = vector.shape_cast %get3A_526 : vector<1x16xf32> to vector<16xf32>
        %swap3A_528 = arith.index_cast %add3A_487 : i32 to index
        %swap3A_529 = arith.constant 64 : index
        %swap3A_530 = tpu.vector_load %arg10[%swap3A_528, %swap3A_529] {strides = array<i32>} : memref<200x128xf32, #tpu.memory_space<vmem>>, vector<1x16xf32>,
        %swap3A_531 = vector.shape_cast %swap3A_530 : vector<1x16xf32> to vector<16xf32>
        %swap3A_532 = vector.shape_cast %get3A_527 : vector<16xf32> to vector<1x16xf32>
        tpu.vector_store %arg10[%swap3A_528, %swap3A_529], %swap3A_532 {add = true, strides = array<i32>} : memref<200x128xf32, #tpu.memory_space<vmem>>, vector<1x16xf32>,
        %get3A_533 = arith.index_cast %add3A_487 : i32 to index
        %get3A_534 = arith.constant 80 : index
        %get3A_535 = tpu.vector_load %arg11[%get3A_533, %get3A_534] {strides = array<i32>} : memref<200x128xf32, #tpu.memory_space<vmem>>, vector<1x16xf32>,
        %get3A_536 = vector.shape_cast %get3A_535 : vector<1x16xf32> to vector<16xf32>
        %swap3A_537 = arith.index_cast %add3A_487 : i32 to index
        %swap3A_538 = arith.constant 80 : index
        %swap3A_539 = tpu.vector_load %arg10[%swap3A_537, %swap3A_538] {strides = array<i32>} : memref<200x128xf32, #tpu.memory_space<vmem>>, vector<1x16xf32>,
        %swap3A_540 = vector.shape_cast %swap3A_539 : vector<1x16xf32> to vector<16xf32>
        %swap3A_541 = vector.shape_cast %get3A_536 : vector<16xf32> to vector<1x16xf32>
        tpu.vector_store %arg10[%swap3A_537, %swap3A_538], %swap3A_541 {add = true, strides = array<i32>} : memref<200x128xf32, #tpu.memory_space<vmem>>, vector<1x16xf32>,
        %get3A_542 = arith.index_cast %add3A_487 : i32 to index
        %get3A_543 = arith.constant 96 : index
        %get3A_544 = tpu.vector_load %arg11[%get3A_542, %get3A_543] {strides = array<i32>} : memref<200x128xf32, #tpu.memory_space<vmem>>, vector<1x16xf32>,
        %get3A_545 = vector.shape_cast %get3A_544 : vector<1x16xf32> to vector<16xf32>
        %swap3A_546 = arith.index_cast %add3A_487 : i32 to index
        %swap3A_547 = arith.constant 96 : index
        %swap3A_548 = tpu.vector_load %arg10[%swap3A_546, %swap3A_547] {strides = array<i32>} : memref<200x128xf32, #tpu.memory_space<vmem>>, vector<1x16xf32>,
        %swap3A_549 = vector.shape_cast %swap3A_548 : vector<1x16xf32> to vector<16xf32>
        %swap3A_550 = vector.shape_cast %get3A_545 : vector<16xf32> to vector<1x16xf32>
        tpu.vector_store %arg10[%swap3A_546, %swap3A_547], %swap3A_550 {add = true, strides = array<i32>} : memref<200x128xf32, #tpu.memory_space<vmem>>, vector<1x16xf32>,
        %get3A_551 = arith.index_cast %add3A_487 : i32 to index
        %get3A_552 = arith.constant 112 : index
        %get3A_553 = tpu.vector_load %arg11[%get3A_551, %get3A_552] {strides = array<i32>} : memref<200x128xf32, #tpu.memory_space<vmem>>, vector<1x16xf32>,
        %get3A_554 = vector.shape_cast %get3A_553 : vector<1x16xf32> to vector<16xf32>
        %swap3A_555 = arith.index_cast %add3A_487 : i32 to index
        %swap3A_556 = arith.constant 112 : index
        %swap3A_557 = tpu.vector_load %arg10[%swap3A_555, %swap3A_556] {strides = array<i32>} : memref<200x128xf32, #tpu.memory_space<vmem>>, vector<1x16xf32>,
        %swap3A_558 = vector.shape_cast %swap3A_557 : vector<1x16xf32> to vector<16xf32>
        %swap3A_559 = vector.shape_cast %get3A_554 : vector<16xf32> to vector<1x16xf32>
        tpu.vector_store %arg10[%swap3A_555, %swap3A_556], %swap3A_559 {add = true, strides = array<i32>} : memref<200x128xf32, #tpu.memory_space<vmem>>, vector<1x16xf32>,
        %mul3A_560 = arith.constant 4 : i32
        %mul3A_561 = arith.muli %mul3A_560, %scan3A_409 : i32
        %add3A_562 = arith.constant 2 : i32
        %add3A_563 = arith.addi %mul3A_561, %add3A_562 : i32
        %get3A_564 = arith.index_cast %add3A_563 : i32 to index
        %get3A_565 = arith.constant 0 : index
        %get3A_566 = tpu.vector_load %arg11[%get3A_564, %get3A_565] {strides = array<i32>} : memref<200x128xf32, #tpu.memory_space<vmem>>, vector<1x16xf32>,
        %get3A_567 = vector.shape_cast %get3A_566 : vector<1x16xf32> to vector<16xf32>
        %swap3A_568 = arith.index_cast %add3A_563 : i32 to index
        %swap3A_569 = arith.constant 0 : index
        %swap3A_570 = tpu.vector_load %arg10[%swap3A_568, %swap3A_569] {strides = array<i32>} : memref<200x128xf32, #tpu.memory_space<vmem>>, vector<1x16xf32>,
        %swap3A_571 = vector.shape_cast %swap3A_570 : vector<1x16xf32> to vector<16xf32>
        %swap3A_572 = vector.shape_cast %get3A_567 : vector<16xf32> to vector<1x16xf32>
        tpu.vector_store %arg10[%swap3A_568, %swap3A_569], %swap3A_572 {add = true, strides = array<i32>} : memref<200x128xf32, #tpu.memory_space<vmem>>, vector<1x16xf32>,
        %get3A_573 = arith.index_cast %add3A_563 : i32 to index
        %get3A_574 = arith.constant 16 : index
        %get3A_575 = tpu.vector_load %arg11[%get3A_573, %get3A_574] {strides = array<i32>} : memref<200x128xf32, #tpu.memory_space<vmem>>, vector<1x16xf32>,
        %get3A_576 = vector.shape_cast %get3A_575 : vector<1x16xf32> to vector<16xf32>
        %swap3A_577 = arith.index_cast %add3A_563 : i32 to index
        %swap3A_578 = arith.constant 16 : index
        %swap3A_579 = tpu.vector_load %arg10[%swap3A_577, %swap3A_578] {strides = array<i32>} : memref<200x128xf32, #tpu.memory_space<vmem>>, vector<1x16xf32>,
        %swap3A_580 = vector.shape_cast %swap3A_579 : vector<1x16xf32> to vector<16xf32>
        %swap3A_581 = vector.shape_cast %get3A_576 : vector<16xf32> to vector<1x16xf32>
        tpu.vector_store %arg10[%swap3A_577, %swap3A_578], %swap3A_581 {add = true, strides = array<i32>} : memref<200x128xf32, #tpu.memory_space<vmem>>, vector<1x16xf32>,
        %get3A_582 = arith.index_cast %add3A_563 : i32 to index
        %get3A_583 = arith.constant 32 : index
        %get3A_584 = tpu.vector_load %arg11[%get3A_582, %get3A_583] {strides = array<i32>} : memref<200x128xf32, #tpu.memory_space<vmem>>, vector<1x16xf32>,
        %get3A_585 = vector.shape_cast %get3A_584 : vector<1x16xf32> to vector<16xf32>
        %swap3A_586 = arith.index_cast %add3A_563 : i32 to index
        %swap3A_587 = arith.constant 32 : index
        %swap3A_588 = tpu.vector_load %arg10[%swap3A_586, %swap3A_587] {strides = array<i32>} : memref<200x128xf32, #tpu.memory_space<vmem>>, vector<1x16xf32>,
        %swap3A_589 = vector.shape_cast %swap3A_588 : vector<1x16xf32> to vector<16xf32>
        %swap3A_590 = vector.shape_cast %get3A_585 : vector<16xf32> to vector<1x16xf32>
        tpu.vector_store %arg10[%swap3A_586, %swap3A_587], %swap3A_590 {add = true, strides = array<i32>} : memref<200x128xf32, #tpu.memory_space<vmem>>, vector<1x16xf32>,
        %get3A_591 = arith.index_cast %add3A_563 : i32 to index
        %get3A_592 = arith.constant 48 : index
        %get3A_593 = tpu.vector_load %arg11[%get3A_591, %get3A_592] {strides = array<i32>} : memref<200x128xf32, #tpu.memory_space<vmem>>, vector<1x16xf32>,
        %get3A_594 = vector.shape_cast %get3A_593 : vector<1x16xf32> to vector<16xf32>
        %swap3A_595 = arith.index_cast %add3A_563 : i32 to index
        %swap3A_596 = arith.constant 48 : index
        %swap3A_597 = tpu.vector_load %arg10[%swap3A_595, %swap3A_596] {strides = array<i32>} : memref<200x128xf32, #tpu.memory_space<vmem>>, vector<1x16xf32>,
        %swap3A_598 = vector.shape_cast %swap3A_597 : vector<1x16xf32> to vector<16xf32>
        %swap3A_599 = vector.shape_cast %get3A_594 : vector<16xf32> to vector<1x16xf32>
        tpu.vector_store %arg10[%swap3A_595, %swap3A_596], %swap3A_599 {add = true, strides = array<i32>} : memref<200x128xf32, #tpu.memory_space<vmem>>, vector<1x16xf32>,
        %get3A_600 = arith.index_cast %add3A_563 : i32 to index
        %get3A_601 = arith.constant 64 : index
        %get3A_602 = tpu.vector_load %arg11[%get3A_600, %get3A_601] {strides = array<i32>} : memref<200x128xf32, #tpu.memory_space<vmem>>, vector<1x16xf32>,
        %get3A_603 = vector.shape_cast %get3A_602 : vector<1x16xf32> to vector<16xf32>
        %swap3A_604 = arith.index_cast %add3A_563 : i32 to index
        %swap3A_605 = arith.constant 64 : index
        %swap3A_606 = tpu.vector_load %arg10[%swap3A_604, %swap3A_605] {strides = array<i32>} : memref<200x128xf32, #tpu.memory_space<vmem>>, vector<1x16xf32>,
        %swap3A_607 = vector.shape_cast %swap3A_606 : vector<1x16xf32> to vector<16xf32>
        %swap3A_608 = vector.shape_cast %get3A_603 : vector<16xf32> to vector<1x16xf32>
        tpu.vector_store %arg10[%swap3A_604, %swap3A_605], %swap3A_608 {add = true, strides = array<i32>} : memref<200x128xf32, #tpu.memory_space<vmem>>, vector<1x16xf32>,
        %get3A_609 = arith.index_cast %add3A_563 : i32 to index
        %get3A_610 = arith.constant 80 : index
        %get3A_611 = tpu.vector_load %arg11[%get3A_609, %get3A_610] {strides = array<i32>} : memref<200x128xf32, #tpu.memory_space<vmem>>, vector<1x16xf32>,
        %get3A_612 = vector.shape_cast %get3A_611 : vector<1x16xf32> to vector<16xf32>
        %swap3A_613 = arith.index_cast %add3A_563 : i32 to index
        %swap3A_614 = arith.constant 80 : index
        %swap3A_615 = tpu.vector_load %arg10[%swap3A_613, %swap3A_614] {strides = array<i32>} : memref<200x128xf32, #tpu.memory_space<vmem>>, vector<1x16xf32>,
        %swap3A_616 = vector.shape_cast %swap3A_615 : vector<1x16xf32> to vector<16xf32>
        %swap3A_617 = vector.shape_cast %get3A_612 : vector<16xf32> to vector<1x16xf32>
        tpu.vector_store %arg10[%swap3A_613, %swap3A_614], %swap3A_617 {add = true, strides = array<i32>} : memref<200x128xf32, #tpu.memory_space<vmem>>, vector<1x16xf32>,
        %get3A_618 = arith.index_cast %add3A_563 : i32 to index
        %get3A_619 = arith.constant 96 : index
        %get3A_620 = tpu.vector_load %arg11[%get3A_618, %get3A_619] {strides = array<i32>} : memref<200x128xf32, #tpu.memory_space<vmem>>, vector<1x16xf32>,
        %get3A_621 = vector.shape_cast %get3A_620 : vector<1x16xf32> to vector<16xf32>
        %swap3A_622 = arith.index_cast %add3A_563 : i32 to index
        %swap3A_623 = arith.constant 96 : index
        %swap3A_624 = tpu.vector_load %arg10[%swap3A_622, %swap3A_623] {strides = array<i32>} : memref<200x128xf32, #tpu.memory_space<vmem>>, vector<1x16xf32>,
        %swap3A_625 = vector.shape_cast %swap3A_624 : vector<1x16xf32> to vector<16xf32>
        %swap3A_626 = vector.shape_cast %get3A_621 : vector<16xf32> to vector<1x16xf32>
        tpu.vector_store %arg10[%swap3A_622, %swap3A_623], %swap3A_626 {add = true, strides = array<i32>} : memref<200x128xf32, #tpu.memory_space<vmem>>, vector<1x16xf32>,
        %get3A_627 = arith.index_cast %add3A_563 : i32 to index
        %get3A_628 = arith.constant 112 : index
        %get3A_629 = tpu.vector_load %arg11[%get3A_627, %get3A_628] {strides = array<i32>} : memref<200x128xf32, #tpu.memory_space<vmem>>, vector<1x16xf32>,
        %get3A_630 = vector.shape_cast %get3A_629 : vector<1x16xf32> to vector<16xf32>
        %swap3A_631 = arith.index_cast %add3A_563 : i32 to index
        %swap3A_632 = arith.constant 112 : index
        %swap3A_633 = tpu.vector_load %arg10[%swap3A_631, %swap3A_632] {strides = array<i32>} : memref<200x128xf32, #tpu.memory_space<vmem>>, vector<1x16xf32>,
        %swap3A_634 = vector.shape_cast %swap3A_633 : vector<1x16xf32> to vector<16xf32>
        %swap3A_635 = vector.shape_cast %get3A_630 : vector<16xf32> to vector<1x16xf32>
        tpu.vector_store %arg10[%swap3A_631, %swap3A_632], %swap3A_635 {add = true, strides = array<i32>} : memref<200x128xf32, #tpu.memory_space<vmem>>, vector<1x16xf32>,
        %mul3A_636 = arith.constant 4 : i32
        %mul3A_637 = arith.muli %mul3A_636, %scan3A_409 : i32
        %add3A_638 = arith.constant 3 : i32
        %add3A_639 = arith.addi %mul3A_637, %add3A_638 : i32
        %get3A_640 = arith.index_cast %add3A_639 : i32 to index
        %get3A_641 = arith.constant 0 : index
        %get3A_642 = tpu.vector_load %arg11[%get3A_640, %get3A_641] {strides = array<i32>} : memref<200x128xf32, #tpu.memory_space<vmem>>, vector<1x16xf32>,
        %get3A_643 = vector.shape_cast %get3A_642 : vector<1x16xf32> to vector<16xf32>
        %swap3A_644 = arith.index_cast %add3A_639 : i32 to index
        %swap3A_645 = arith.constant 0 : index
        %swap3A_646 = tpu.vector_load %arg10[%swap3A_644, %swap3A_645] {strides = array<i32>} : memref<200x128xf32, #tpu.memory_space<vmem>>, vector<1x16xf32>,
        %swap3A_647 = vector.shape_cast %swap3A_646 : vector<1x16xf32> to vector<16xf32>
        %swap3A_648 = vector.shape_cast %get3A_643 : vector<16xf32> to vector<1x16xf32>
        tpu.vector_store %arg10[%swap3A_644, %swap3A_645], %swap3A_648 {add = true, strides = array<i32>} : memref<200x128xf32, #tpu.memory_space<vmem>>, vector<1x16xf32>,
        %get3A_649 = arith.index_cast %add3A_639 : i32 to index
        %get3A_650 = arith.constant 16 : index
        %get3A_651 = tpu.vector_load %arg11[%get3A_649, %get3A_650] {strides = array<i32>} : memref<200x128xf32, #tpu.memory_space<vmem>>, vector<1x16xf32>,
        %get3A_652 = vector.shape_cast %get3A_651 : vector<1x16xf32> to vector<16xf32>
        %swap3A_653 = arith.index_cast %add3A_639 : i32 to index
        %swap3A_654 = arith.constant 16 : index
        %swap3A_655 = tpu.vector_load %arg10[%swap3A_653, %swap3A_654] {strides = array<i32>} : memref<200x128xf32, #tpu.memory_space<vmem>>, vector<1x16xf32>,
        %swap3A_656 = vector.shape_cast %swap3A_655 : vector<1x16xf32> to vector<16xf32>
        %swap3A_657 = vector.shape_cast %get3A_652 : vector<16xf32> to vector<1x16xf32>
        tpu.vector_store %arg10[%swap3A_653, %swap3A_654], %swap3A_657 {add = true, strides = array<i32>} : memref<200x128xf32, #tpu.memory_space<vmem>>, vector<1x16xf32>,
        %get3A_658 = arith.index_cast %add3A_639 : i32 to index
        %get3A_659 = arith.constant 32 : index
        %get3A_660 = tpu.vector_load %arg11[%get3A_658, %get3A_659] {strides = array<i32>} : memref<200x128xf32, #tpu.memory_space<vmem>>, vector<1x16xf32>,
        %get3A_661 = vector.shape_cast %get3A_660 : vector<1x16xf32> to vector<16xf32>
        %swap3A_662 = arith.index_cast %add3A_639 : i32 to index
        %swap3A_663 = arith.constant 32 : index
        %swap3A_664 = tpu.vector_load %arg10[%swap3A_662, %swap3A_663] {strides = array<i32>} : memref<200x128xf32, #tpu.memory_space<vmem>>, vector<1x16xf32>,
        %swap3A_665 = vector.shape_cast %swap3A_664 : vector<1x16xf32> to vector<16xf32>
        %swap3A_666 = vector.shape_cast %get3A_661 : vector<16xf32> to vector<1x16xf32>
        tpu.vector_store %arg10[%swap3A_662, %swap3A_663], %swap3A_666 {add = true, strides = array<i32>} : memref<200x128xf32, #tpu.memory_space<vmem>>, vector<1x16xf32>,
        %get3A_667 = arith.index_cast %add3A_639 : i32 to index
        %get3A_668 = arith.constant 48 : index
        %get3A_669 = tpu.vector_load %arg11[%get3A_667, %get3A_668] {strides = array<i32>} : memref<200x128xf32, #tpu.memory_space<vmem>>, vector<1x16xf32>,
        %get3A_670 = vector.shape_cast %get3A_669 : vector<1x16xf32> to vector<16xf32>
        %swap3A_671 = arith.index_cast %add3A_639 : i32 to index
        %swap3A_672 = arith.constant 48 : index
        %swap3A_673 = tpu.vector_load %arg10[%swap3A_671, %swap3A_672] {strides = array<i32>} : memref<200x128xf32, #tpu.memory_space<vmem>>, vector<1x16xf32>,
        %swap3A_674 = vector.shape_cast %swap3A_673 : vector<1x16xf32> to vector<16xf32>
        %swap3A_675 = vector.shape_cast %get3A_670 : vector<16xf32> to vector<1x16xf32>
        tpu.vector_store %arg10[%swap3A_671, %swap3A_672], %swap3A_675 {add = true, strides = array<i32>} : memref<200x128xf32, #tpu.memory_space<vmem>>, vector<1x16xf32>,
        %get3A_676 = arith.index_cast %add3A_639 : i32 to index
        %get3A_677 = arith.constant 64 : index
        %get3A_678 = tpu.vector_load %arg11[%get3A_676, %get3A_677] {strides = array<i32>} : memref<200x128xf32, #tpu.memory_space<vmem>>, vector<1x16xf32>,
        %get3A_679 = vector.shape_cast %get3A_678 : vector<1x16xf32> to vector<16xf32>
        %swap3A_680 = arith.index_cast %add3A_639 : i32 to index
        %swap3A_681 = arith.constant 64 : index
        %swap3A_682 = tpu.vector_load %arg10[%swap3A_680, %swap3A_681] {strides = array<i32>} : memref<200x128xf32, #tpu.memory_space<vmem>>, vector<1x16xf32>,
        %swap3A_683 = vector.shape_cast %swap3A_682 : vector<1x16xf32> to vector<16xf32>
        %swap3A_684 = vector.shape_cast %get3A_679 : vector<16xf32> to vector<1x16xf32>
        tpu.vector_store %arg10[%swap3A_680, %swap3A_681], %swap3A_684 {add = true, strides = array<i32>} : memref<200x128xf32, #tpu.memory_space<vmem>>, vector<1x16xf32>,
        %get3A_685 = arith.index_cast %add3A_639 : i32 to index
        %get3A_686 = arith.constant 80 : index
        %get3A_687 = tpu.vector_load %arg11[%get3A_685, %get3A_686] {strides = array<i32>} : memref<200x128xf32, #tpu.memory_space<vmem>>, vector<1x16xf32>,
        %get3A_688 = vector.shape_cast %get3A_687 : vector<1x16xf32> to vector<16xf32>
        %swap3A_689 = arith.index_cast %add3A_639 : i32 to index
        %swap3A_690 = arith.constant 80 : index
        %swap3A_691 = tpu.vector_load %arg10[%swap3A_689, %swap3A_690] {strides = array<i32>} : memref<200x128xf32, #tpu.memory_space<vmem>>, vector<1x16xf32>,
        %swap3A_692 = vector.shape_cast %swap3A_691 : vector<1x16xf32> to vector<16xf32>
        %swap3A_693 = vector.shape_cast %get3A_688 : vector<16xf32> to vector<1x16xf32>
        tpu.vector_store %arg10[%swap3A_689, %swap3A_690], %swap3A_693 {add = true, strides = array<i32>} : memref<200x128xf32, #tpu.memory_space<vmem>>, vector<1x16xf32>,
        %get3A_694 = arith.index_cast %add3A_639 : i32 to index
        %get3A_695 = arith.constant 96 : index
        %get3A_696 = tpu.vector_load %arg11[%get3A_694, %get3A_695] {strides = array<i32>} : memref<200x128xf32, #tpu.memory_space<vmem>>, vector<1x16xf32>,
        %get3A_697 = vector.shape_cast %get3A_696 : vector<1x16xf32> to vector<16xf32>
        %swap3A_698 = arith.index_cast %add3A_639 : i32 to index
        %swap3A_699 = arith.constant 96 : index
        %swap3A_700 = tpu.vector_load %arg10[%swap3A_698, %swap3A_699] {strides = array<i32>} : memref<200x128xf32, #tpu.memory_space<vmem>>, vector<1x16xf32>,
        %swap3A_701 = vector.shape_cast %swap3A_700 : vector<1x16xf32> to vector<16xf32>
        %swap3A_702 = vector.shape_cast %get3A_697 : vector<16xf32> to vector<1x16xf32>
        tpu.vector_store %arg10[%swap3A_698, %swap3A_699], %swap3A_702 {add = true, strides = array<i32>} : memref<200x128xf32, #tpu.memory_space<vmem>>, vector<1x16xf32>,
        %get3A_703 = arith.index_cast %add3A_639 : i32 to index
        %get3A_704 = arith.constant 112 : index
        %get3A_705 = tpu.vector_load %arg11[%get3A_703, %get3A_704] {strides = array<i32>} : memref<200x128xf32, #tpu.memory_space<vmem>>, vector<1x16xf32>,
        %get3A_706 = vector.shape_cast %get3A_705 : vector<1x16xf32> to vector<16xf32>
        %swap3A_707 = arith.index_cast %add3A_639 : i32 to index
        %swap3A_708 = arith.constant 112 : index
        %swap3A_709 = tpu.vector_load %arg10[%swap3A_707, %swap3A_708] {strides = array<i32>} : memref<200x128xf32, #tpu.memory_space<vmem>>, vector<1x16xf32>,
        %swap3A_710 = vector.shape_cast %swap3A_709 : vector<1x16xf32> to vector<16xf32>
        %swap3A_711 = vector.shape_cast %get3A_706 : vector<16xf32> to vector<1x16xf32>
        tpu.vector_store %arg10[%swap3A_707, %swap3A_708], %swap3A_711 {add = true, strides = array<i32>} : memref<200x128xf32, #tpu.memory_space<vmem>>, vector<1x16xf32>,
      }
      %scan3A_397 = arith.constant 50 : i32
      %mul3A_398 = arith.constant 128 : i32
      %mul3A_399 = arith.muli %add3A, %mul3A_398 : i32
      %add3A_400 = arith.addi %mul3A_399, %add3A_355 : i32
      %dma_start3A_401 = arith.constant 0 : i32
      %dma_start3A_402 = arith.constant 0 : i32
      %dma_start3A_403 = tpu.memref_slice %arg5[%add3A_400, %dma_start3A_401, %dma_start3A_402] : memref<4096x200x128xf32, #tpu.memory_space<hbm>> -> memref<1x200x128xf32, #tpu.memory_space<hbm>>
      %dma_start3A_404 = tpu.memref_squeeze %dma_start3A_403 : memref<1x200x128xf32, #tpu.memory_space<hbm>> -> memref<200x128xf32, #tpu.memory_space<hbm>>
      %dma_start3A_405 = arith.constant 0 : i32
      %dma_start3A_406 = arith.constant 0 : i32
      %dma_start3A_407 = tpu.memref_slice %arg5[%add3A_400, %dma_start3A_405, %dma_start3A_406] : memref<4096x200x128xf32, #tpu.memory_space<hbm>> -> memref<1x200x128xf32, #tpu.memory_space<hbm>>
      %dma_start3A_408 = tpu.memref_squeeze %dma_start3A_407 : memref<1x200x128xf32, #tpu.memory_space<hbm>> -> memref<200x128xf32, #tpu.memory_space<hbm>>
      tpu.enqueue_dma source(%arg10 : memref<200x128xf32, #tpu.memory_space<vmem>>) target(%dma_start3A_408 : memref<200x128xf32, #tpu.memory_space<hbm>>) target_semaphore(%arg19 : memref<!tpu.dma_semaphore, #tpu.memory_space<semaphore_mem>>)
    }
    %scan3A_146 = arith.constant 32 : i32
    %dma_wait3A_147 = arith.constant 0 : i32
    %dma_wait3A_148 = arith.constant 0 : i32
    %dma_wait3A_149 = arith.constant 0 : i32
    %dma_wait3A_150 = tpu.memref_slice %arg5[%dma_wait3A_147, %dma_wait3A_148, %dma_wait3A_149] : memref<4096x200x128xf32, #tpu.memory_space<hbm>> -> memref<1x200x128xf32, #tpu.memory_space<hbm>>
    %dma_wait3A_151 = tpu.memref_squeeze %dma_wait3A_150 : memref<1x200x128xf32, #tpu.memory_space<hbm>> -> memref<200x128xf32, #tpu.memory_space<hbm>>
    %dma_wait3A_152 = arith.constant 0 : i32
    %dma_wait3A_153 = arith.constant 0 : i32
    %dma_wait3A_154 = tpu.memref_slice %arg5[%dma_wait3A_147, %dma_wait3A_152, %dma_wait3A_153] : memref<4096x200x128xf32, #tpu.memory_space<hbm>> -> memref<1x200x128xf32, #tpu.memory_space<hbm>>
    %dma_wait3A_155 = tpu.memref_squeeze %dma_wait3A_154 : memref<1x200x128xf32, #tpu.memory_space<hbm>> -> memref<200x128xf32, #tpu.memory_space<hbm>>
    tpu.wait_dma2 semaphore(%arg16 : memref<!tpu.dma_semaphore, #tpu.memory_space<semaphore_mem>>) src(%arg7 : memref<200x128xf32, #tpu.memory_space<vmem>>) dst(%dma_wait3A_155 : memref<200x128xf32, #tpu.memory_space<hbm>>)
    %dma_wait3A_156 = arith.constant 0 : i32
    %dma_wait3A_157 = arith.constant 0 : i32
    %dma_wait3A_158 = arith.constant 0 : i32
    %dma_wait3A_159 = tpu.memref_slice %arg5[%dma_wait3A_156, %dma_wait3A_157, %dma_wait3A_158] : memref<4096x200x128xf32, #tpu.memory_space<hbm>> -> memref<1x200x128xf32, #tpu.memory_space<hbm>>
    %dma_wait3A_160 = tpu.memref_squeeze %dma_wait3A_159 : memref<1x200x128xf32, #tpu.memory_space<hbm>> -> memref<200x128xf32, #tpu.memory_space<hbm>>
    %dma_wait3A_161 = arith.constant 0 : i32
    %dma_wait3A_162 = arith.constant 0 : i32
    %dma_wait3A_163 = tpu.memref_slice %arg5[%dma_wait3A_156, %dma_wait3A_161, %dma_wait3A_162] : memref<4096x200x128xf32, #tpu.memory_space<hbm>> -> memref<1x200x128xf32, #tpu.memory_space<hbm>>
    %dma_wait3A_164 = tpu.memref_squeeze %dma_wait3A_163 : memref<1x200x128xf32, #tpu.memory_space<hbm>> -> memref<200x128xf32, #tpu.memory_space<hbm>>
    tpu.wait_dma2 semaphore(%arg17 : memref<!tpu.dma_semaphore, #tpu.memory_space<semaphore_mem>>) src(%arg8 : memref<200x128xf32, #tpu.memory_space<vmem>>) dst(%dma_wait3A_164 : memref<200x128xf32, #tpu.memory_space<hbm>>)
    %dma_wait3A_165 = arith.constant 0 : i32
    %dma_wait3A_166 = arith.constant 0 : i32
    %dma_wait3A_167 = arith.constant 0 : i32
    %dma_wait3A_168 = tpu.memref_slice %arg5[%dma_wait3A_165, %dma_wait3A_166, %dma_wait3A_167] : memref<4096x200x128xf32, #tpu.memory_space<hbm>> -> memref<1x200x128xf32, #tpu.memory_space<hbm>>
    %dma_wait3A_169 = tpu.memref_squeeze %dma_wait3A_168 : memref<1x200x128xf32, #tpu.memory_space<hbm>> -> memref<200x128xf32, #tpu.memory_space<hbm>>
    %dma_wait3A_170 = arith.constant 0 : i32
    %dma_wait3A_171 = arith.constant 0 : i32
    %dma_wait3A_172 = tpu.memref_slice %arg5[%dma_wait3A_165, %dma_wait3A_170, %dma_wait3A_171] : memref<4096x200x128xf32, #tpu.memory_space<hbm>> -> memref<1x200x128xf32, #tpu.memory_space<hbm>>
    %dma_wait3A_173 = tpu.memref_squeeze %dma_wait3A_172 : memref<1x200x128xf32, #tpu.memory_space<hbm>> -> memref<200x128xf32, #tpu.memory_space<hbm>>
    tpu.wait_dma2 semaphore(%arg18 : memref<!tpu.dma_semaphore, #tpu.memory_space<semaphore_mem>>) src(%arg9 : memref<200x128xf32, #tpu.memory_space<vmem>>) dst(%dma_wait3A_173 : memref<200x128xf32, #tpu.memory_space<hbm>>)
    %dma_wait3A_174 = arith.constant 0 : i32
    %dma_wait3A_175 = arith.constant 0 : i32
    %dma_wait3A_176 = arith.constant 0 : i32
    %dma_wait3A_177 = tpu.memref_slice %arg5[%dma_wait3A_174, %dma_wait3A_175, %dma_wait3A_176] : memref<4096x200x128xf32, #tpu.memory_space<hbm>> -> memref<1x200x128xf32, #tpu.memory_space<hbm>>
    %dma_wait3A_178 = tpu.memref_squeeze %dma_wait3A_177 : memref<1x200x128xf32, #tpu.memory_space<hbm>> -> memref<200x128xf32, #tpu.memory_space<hbm>>
    %dma_wait3A_179 = arith.constant 0 : i32
    %dma_wait3A_180 = arith.constant 0 : i32
    %dma_wait3A_181 = tpu.memref_slice %arg5[%dma_wait3A_174, %dma_wait3A_179, %dma_wait3A_180] : memref<4096x200x128xf32, #tpu.memory_space<hbm>> -> memref<1x200x128xf32, #tpu.memory_space<hbm>>
    %dma_wait3A_182 = tpu.memref_squeeze %dma_wait3A_181 : memref<1x200x128xf32, #tpu.memory_space<hbm>> -> memref<200x128xf32, #tpu.memory_space<hbm>>
    tpu.wait_dma2 semaphore(%arg19 : memref<!tpu.dma_semaphore, #tpu.memory_space<semaphore_mem>>) src(%arg10 : memref<200x128xf32, #tpu.memory_space<vmem>>) dst(%dma_wait3A_182 : memref<200x128xf32, #tpu.memory_space<hbm>>)
    return
  }
}

</mosaic_0001>

<sc_bundles>
// kernel: kernel.3.cloned.1.call-start
scs
__scs_entry_jumppad:
0x0: {  	(pc) =	sbr.rel $0x88, $3  }
0x1: {  	(tag) =	ssettag $0x0;
	lr =	simm.s32 $0x1  }
0x2: {  	[smem:$0x3F9E] =	sst lr;
	_ =	strace $0xD0000000  }
0x3: {  	_ = 	snop  }
0x4: {  	_ = 	snop  }
0x5: {  	_ = 	snop  }
0x6: {  	_ = 	snop  }
0x7: {  	_ = 	snop  }
__scs_overlays_trampoline_lowered:
0x8: {  	[smem:$0x3FAD] =	sst s0  }
0x9: {  	[smem:$0x3FAE] =	sst s1  }
0xa: {  	[smem:$0x3FAF] =	sst s2  }
0xb: {  	[smem:$0x3FB0] =	sst s3  }
0xc: {  	[smem:$0x3FB1] =	sst s4  }
0xd: {  	[smem:$0x3FB2] =	sst s5  }
0xe: {  	[smem:$0x3FB3] =	sst s6  }
0xf: {  	[smem:$0x3FB4] =	sst s7  }
0x10: {  	[smem:$0x3FB5] =	sst s8  }
0x11: {  	[smem:$0x3FB6] =	sst s9;
	s0 =	simm.s32 @!p0 $0x0  }
0x12: {  	s1 =	sld [smem:$0x3F9C];
	s0 =	simm.s32 @p0 $0x1  }
0x13: {  	[smem:$0x3FB7] =	sst s0;
	s0 =	simm.s32 @!p1 $0x0  }
0x14: {  	s2 =	sld [smem:$0x3F9B];
	s0 =	simm.s32 @p1 $0x1  }
0x15: {  	[smem:$0x3FB8] =	sst s0;
	s0 =	simm.s32 @!p2 $0x0  }
0x16: {  	s3 =	sld [smem:$0x3FDB];
	s0 =	simm.s32 @p2 $0x1  }
0x17: {  	s4 =	simm.s32 $0x1BF5;
	[smem:$0x3FBA] =	sst s0  }
0x18: {  	s0 =	sld [smem:$0x3F9D];
	_ =	swait.ge [sflag:s4], $0x0  }
0x19: {  	s7 =	sld [smem:$0x3F9E]  }
0x1a: {  	s8 =	sadd.s32 $0xFFFFE003, lr  }
0x1b: {  	s9 =	sadd.s32 $0xFFFFFEF7, lr;
	s5 =	simm.s32 $0xFFFFFFFF;
	p2 =	slt.u32 s8, $0xFFFFF086  }
0x1c: {  	p1 =	slt.u32 s9, $0xF7A;
	s5 =	simm.s32 @!p2 $0x0  }
0x1d: {  	s5 =	simm.s32 @p1 $0x1;
	p0 =	seq.s32 s7, s2  }
0x1e: {  	s7 =	smul.u32 @!p0 $0xF7A, s2;
	p2 =	seq.s32 @!p0 s5, $0x0  }
0x1f: {  	s9 =	smul.u32 $0xF7A, s1;
	s8 =	simm.s32 @!p0 $0x1BF5;
	p2 =	por !p2, p0  }
0x20: {  	[sflag:s8] =	ssyncset.s32 @!p0 $0xFFFFF086;
	s6 =	sadd.s32 @!p0 s3, s7;
	s7 =	simm.s32 @!p0 $0x108  }
0x21: {  	s3 =	sadd.s32 s3, s9;
	s6 =	sadd.s32 @!p0 $0x88, s6;
	s7 =	simm.s32 @p2 $0x1082  }
0x22: {  	[simem:s7], [sflag:s8] =	dma.local @!p0 [hbm:s6], $0xF7A  }
0x23: {  	s9 =	sor.u32 $0xD0000000, s2;
	s6 =	simm.s32 $0x108;
	_ =	swait.ge @!p0 [sflag:s8], $0x0  }
0x24: {  	s3 =	sadd.s32 $0x88, s3;
	s6 =	simm.s32 @!p1 $0x1082;
	[sflag:s4] =	ssyncset.s32 $0xFFFFF086  }
0x25: {  	[simem:s6], [sflag:s4] =	dma.local [hbm:s3], $0xF7A  }
0x26: {  	[smem:$0x3F9E] =	sst s1;
	(tag) =	ssettag s2;
	_ =	strace s9  }
0x27: {  	s1 =	sld [smem:$0x3FAE]  }
0x28: {  	s2 =	sld [smem:$0x3FAF]  }
0x29: {  	s4 =	sld [smem:$0x3FB1]  }
0x2a: {  	p0 =	seq.s32 s5, $0x0;
	s5 =	sld [smem:$0x3FB2]  }
0x2b: {  	s6 =	sld [smem:$0x3FB3]  }
0x2c: {  	s7 =	sld [smem:$0x3FB4]  }
0x2d: {  	s3 =	simm.s32 $0x108;
	s8 =	sld [smem:$0x3FB5]  }
0x2e: {  	s3 =	simm.s32 @!p0 $0x1082;
	s9 =	sld [smem:$0x3FB6]  }
0x2f: {  	lr =	sadd.s32 s0, s3;
	s0 =	sld [smem:$0x3FAD]  }
0x30: {  	s3 =	sld [smem:$0x3FB0]  }
0x31: {  	[smem:$0x3FB9] =	sst s10  }
0x32: {  	s10 =	sld [smem:$0x3FB7];
	_ =	sdelay $0x3  }
0x33: {  	p0 =	seq.s32 s10, $0x1;
	s10 =	sld [smem:$0x3FB9];
	_ =	sdelay $0x3  }
0x34: {  	[smem:$0x3FB9] =	sst s10  }
0x35: {  	s10 =	sld [smem:$0x3FB8];
	_ =	sdelay $0x3  }
0x36: {  	p1 =	seq.s32 s10, $0x1;
	s10 =	sld [smem:$0x3FB9];
	_ =	sdelay $0x3  }
0x37: {  	[smem:$0x3FB9] =	sst s10  }
0x38: {  	s10 =	sld [smem:$0x3FBA]  }
0x39: {  	_ = 	snop;
	(pc) =	sbr.ind lr, $3  }
0x3a: {  	_ = 	snop  }
0x3b: {  	_ = 	snop  }
0x3c: {  	p2 =	seq.s32 s10, $0x1;
	s10 =	sld [smem:$0x3FB9]  }
0x3d: {  	_ =	shalt  }
0x3e: {  	_ =	shalt  }
0x3f: {  	_ =	shalt  }
0x40: {  	_ =	shalt  }
0x41: {  	_ =	shalt  }
0x42: {  	_ =	shalt  }
0x43: {  	_ =	shalt  }
0x44: {  	_ =	shalt  }
0x45: {  	_ =	shalt  }
0x46: {  	_ =	shalt  }
0x47: {  	_ =	shalt  }
0x48: {  	_ =	shalt  }
0x49: {  	_ =	shalt  }
0x4a: {  	_ =	shalt  }
0x4b: {  	_ =	shalt  }
0x4c: {  	_ =	shalt  }
0x4d: {  	_ =	shalt  }
0x4e: {  	_ =	shalt  }
0x4f: {  	_ =	shalt  }
0x50: {  	_ =	shalt  }
0x51: {  	_ =	shalt  }
0x52: {  	_ =	shalt  }
0x53: {  	_ =	shalt  }
0x54: {  	_ =	shalt  }
0x55: {  	_ =	shalt  }
0x56: {  	_ =	shalt  }
0x57: {  	_ =	shalt  }
0x58: {  	_ =	shalt  }
0x59: {  	_ =	shalt  }
0x5a: {  	_ =	shalt  }
0x5b: {  	_ =	shalt  }
0x5c: {  	_ =	shalt  }
0x5d: {  	_ =	shalt  }
0x5e: {  	_ =	shalt  }
0x5f: {  	_ =	shalt  }
0x60: {  	_ =	shalt  }
0x61: {  	_ =	shalt  }
0x62: {  	_ =	shalt  }
0x63: {  	_ =	shalt  }
0x64: {  	_ =	shalt  }
0x65: {  	_ =	shalt  }
0x66: {  	_ =	shalt  }
0x67: {  	_ =	shalt  }
0x68: {  	_ =	shalt  }
0x69: {  	_ =	shalt  }
0x6a: {  	_ =	shalt  }
0x6b: {  	_ =	shalt  }
0x6c: {  	_ =	shalt  }
0x6d: {  	_ =	shalt  }
0x6e: {  	_ =	shalt  }
0x6f: {  	_ =	shalt  }
0x70: {  	_ =	shalt  }
0x71: {  	_ =	shalt  }
0x72: {  	_ =	shalt  }
0x73: {  	_ =	shalt  }
0x74: {  	_ =	shalt  }
0x75: {  	_ =	shalt  }
0x76: {  	_ =	shalt  }
0x77: {  	_ =	shalt  }
0x78: {  	_ =	shalt  }
0x79: {  	_ =	shalt  }
0x7a: {  	_ =	shalt  }
0x7b: {  	_ =	shalt  }
0x7c: {  	_ =	shalt  }
0x7d: {  	_ =	shalt  }
0x7e: {  	_ =	shalt  }
0x7f: {  	_ =	shalt  }
0x80: {  	_ =	shalt  }
0x81: {  	_ =	shalt  }
0x82: {  	_ =	shalt  }
0x83: {  	_ =	shalt  }
0x84: {  	_ =	shalt  }
0x85: {  	_ =	shalt  }
0x86: {  	_ =	shalt  }
0x87: {  	_ =	shalt  }
.Lfunc_end0:
.L_simem_size_0:
called_computation_lowered:
.L_overlay_start_0:
0x88: {  	s2 =	sld [smem:$0x3FD9]  }
0x89: {  	s3 =	sld [smem:$0x3FFE];
	_ =	sdelay $0x1  }
0x8a: {  	s1 =	srdreg.scid  }
0x8b: {  	s0 =	sand.u32 $0x1, s1  }
0x8c: {  	s17 =	sshll.u32 s0, $0xA;
	s2 =	sadd.s32 s3, s2  }
0x8d: {  	s2 =	sadd.s32 s2, s17  }
0x8e: {  	[smem:$0x3FC5] =	sst s2  }
0x8f: {  	_ = 	snop  }
0x90: {  	s2 =	sld [smem:$0x3FC8]  }
0x91: {  	s18 =	sld [smem:$0x3FC7]  }
0x92: {  	s4 =	sld [smem:$0x3FD0];
	(tm) =	ssettm $0x1  }
0x93: {  	s5 =	sld [smem:$0x3FFB];
	_ =	sdelay $0x3  }
0x94: {  	_ =	strace s5  }
0x95: {  	s5 =	sld [smem:$0x3FFC];
	_ =	sdelay $0x3  }
0x96: {  	_ =	strace s5  }
0x97: {  	s5 =	sld [smem:$0x3FFD];
	_ =	sdelay $0x3  }
0x98: {  	_ =	strace s5  }
0x99: {  	_ =	strace $0x8FFFFFFF  }
0x9a: {  	s19 =	sld [smem:$0x3FDB];
	_ =	sdelay $0x1  }
0x9b: {  	s6 =	simm.s32 $_scs_section_size  }
0x9c: {  	s7 =	simm.s32 $_size__tile_overlayer_lowered;
	s8 =	simm.s32 $_tile_overlayer_lowered  }
0x9d: {  	s22 =	simm.s32 $0x1BFF;
	s21 =	sshll.u32 s8, $0x1;
	s5 =	sadd.s32 s6, s19  }
0x9e: {  	s9 =	simm.s32 $0x0;
	s20 =	sshll.u32 s7, $0x1;
	s7 =	sadd.s32 s21, s5  }
0x9f: {  	[timem:s9], [sflag:s22] =	dma.local [hbm:s7], s20  }
0xa0: {  	_ =	swait.ge [sflag:s22], s20  }
0xa1: {  	s6 =	ssub.s32 $0x0, s20;
	[sflag:s22] =	ssyncset.done $0x0  }
0xa2: {  	[sflag:s22] =	ssyncadd.s32 s6;
	_ =	sdelay $0x1  }
0xa3: {  	s23 =	simm.s32 $0x1B8B  }
0xa4: {  	_ =	swait.ge [sflag:s23], $0x1  }
0xa5: {  	[sflag:s23] =	ssyncset.done $0x0  }
0xa6: {  	s25 =	simm.s32 $0x1B8E;
	s24 =	sld [smem:$0x3FFE];
	[sflag:s23] =	ssyncadd.s32 $0xFFFFFFFF  }
0xa7: {  	s26 =	simm.s32 $execute0_lowered;
	[smem:$0x3FD2] =	sst s25  }
0xa8: {  	s7 =	sshll.u32 s26, $0x1;
	_ =	strace $0x80000046;
	[dreg:$0x1] =	wrdreg $0xFFFFFFFF  }
0xa9: {  	s28 =	simm.s32 $_size_execute0_lowered;
	s5 =	sadd.s32 s5, s7;
	[dreg:$0x0] =	wrdreg $0x0  }
0xaa: {  	s7 =	sshll.u32 s28, $0x1;
	[dreg:$0x2] =	wrdreg s5  }
0xab: {  	[dreg:$0x3] =	wrdreg s7  }
0xac: {  	[dreg:$0x4] =	wrdreg $0xC0  }
0xad: {  	_ =	task [dreg:s9], $0x5FFFF  }
0xae: {  	[dreg:$0x1] =	wrdreg $0xFFFFFFFF  }
0xaf: {  	[dreg:$0x0] =	wrdreg $0x60  }
0xb0: {  	[dreg:$0x2] =	wrdreg s24  }
0xb1: {  	[dreg:$0x3] =	wrdreg s2  }
0xb2: {  	[dreg:$0x4] =	wrdreg s18  }
0xb3: {  	[dreg:$0x5] =	wrdreg s4  }
0xb4: {  	[dreg:$0x6] =	wrdreg $0x9  }
0xb5: {  	_ =	task.clear_ibuf [dreg:s9], $0x7FFFF;
	_ =	strace $0x90000046  }
0xb6: {  	s29 =	simm.s32 $0x9;
	_ =	strace $0x80000048  }
0xb7: {  	_ =	swait.ge [sflag:s29], $0x1  }
0xb8: {  	[sflag:s29] =	ssyncadd.s32 $0xFFFFFFFF  }
0xb9: {  	_ =	strace $0x90000048  }
0xba: {  	_ =	sfence  }
0xbb: {  	s30 =	sld [smem:$0x0];
	_ =	sdelay $0x2  }
0xbc: {  	s31 =	sshll.u32 s1, $0xD;
	s1 =	sshrl.u32 s1, $0x2  }
0xbd: {  	s3 =	sand.u32 $0x4000, s31;
	s1 =	sadd.s32 s1, s30  }
0xbe: {  	s0 =	sor.u32 s3, s0;
	s1 =	sshll.u32 s1, $0x11  }
0xbf: {  	s0 =	sor.u32 s1, s0  }
0xc0: {  	s0 =	sadd.s32 $0x8F2B, s0  }
0xc1: {  	[sflag:s0] =	ssyncadd.remote.s32 $0x1  }
0xc2: {  	_ =	sfence.sel $0xFFFF  }
0xc3: {  	[dreg:$0x0] =	wrdreg $0xFFFFFFFF;
	(pc) =	sbr.abs _section_cstart, $3  }
0xc4: {  	[dreg:$0x1] =	wrdreg $0xFFFFFFFF  }
0xc5: {  	_ =	task.clear_ibuf [dreg:s9], $0x2FFFF;
	_ =	strace $0x9FFFFFFF  }
0xc6: {  	(tm) =	ssettm $0x7FFFFFFF  }
0xc7: {  	_ =	shalt  }
tec
execute0_lowered:
.L_overlay_start_1:
0x0: {  	(tag) =	ssettag $0x1  }
0x1: {  	s0 =	rddreg [dreg:$0x0]  }
0x2: {  	s1 =	rddreg [dreg:$0x1]  }
0x3: {  	s4 =	rddreg [dreg:$0x3]  }
0x4: {  	s2 =	srdreg.scid;
	s3 =	stileid.u32;
	s5 =	simm.s32 $0x0  }
0x5: {  	s18 =	simm.s32 $0x200;
	s20 =	simm.s32 $0x64;
	s21 =	simm.s32 $0x400  }
0x6: {  	s30 =	simm.s32 $0x300;
	s31 =	simm.s32 $0xB;
	s16 =	simm.s32 $0x1  }
0x7: {  	s22 =	simm.s32 $0xC;
	s23 =	simm.s32 $0x13000;
	s28 =	simm.s32 $0x16200  }
0x8: {  	s17 =	simm.s32 $0x2;
	s9 =	simm.s32 $0x3;
	s10 =	simm.s32 $0x4  }
0x9: {  	s2 =	sand.u32 $0x1, s2;
	s3 =	sshll.u32 s3, $0x8;
	[smem:$0x7FF] =	sst s5  }
0xa: {  	s7 =	sadd.s32 $0x400, s0;
	s6 =	sshll.u32 s2, $0x7;
	s24 =	ssub.s32 $0x2, s2  }
0xb: {  	_ =	strace $0x80000047;
	s6 =	sor.u32 s6, s3;
	s26 =	sshrl.u32 s24, $0x1  }
0xc: {  	s3 =	simm.s32 $0x0;
	s25 =	sshll.u32 s6, $0x5;
	s0 =	ssub.s32 s24, s26  }
0xd: {  	s11 =	sor.u32 $0x4, s6;
	s12 =	sor.u32 $0x5, s6;
	s2 =	sadd.s32 s7, s25  }
0xe: {  	s13 =	sor.u32 $0x6, s6;
	s0 =	smax.u32 s0, $0x1;
	[dreg:$0x5] =	wrdreg s2  }
0xf: {  	s15 =	sor.u32 $0x3, s6;
	s29 =	sadd.s32 $0x20, s2;
	[dreg:$0x8] =	wrdreg s0  }
0x10: {  	s24 =	simm.s32 $0x8;
	s2 =	sadd.s32 $0x40, s2;
	[dreg:$0x6] =	wrdreg s29  }
0x11: {  	s25 =	simm.s32 $0x6800;
	s0 =	simm.s32 $0xCC00;
	[dreg:$0x7] =	wrdreg s2  }
.LBB2_1:
0x12: {  	[dreg:$0x9] =	wrdreg s3  }
0x13: {  	s2 =	rddreg [dreg:$0x2];
	s29 =	simm.s32 $0x19400  }
0x14: {  	[tilespmem:s29], [sflag:$0xD] =	stream.linear.gather [hbm4b:s2+s5], $0x6400, $0x38;
	[tilespmem:$0x1F800] =	vst v63  }
0x15: {  	s8 =	rddreg [dreg:$0x5]  }
0x16: {  	[tilespmem:s5], [sflag:$0x9] =	stream.linear.gather [hbm4b:s8+s5], $0x100, $0x38;
	[tilespmem:$0x1F800] =	vst v63  }
0x17: {  	s14 =	rddreg [dreg:$0x6];
	s3 =	simm.s32 $0x100  }
0x18: {  	[tilespmem:s3], [sflag:$0xA] =	stream.linear.gather [hbm4b:s14+s5], $0x100, $0x38;
	[tilespmem:$0x1F800] =	vst v63  }
0x19: {  	s19 =	rddreg [dreg:$0x7];
	s26 =	simm.s32 $0x9  }
0x1a: {  	[tilespmem:s18], [sflag:$0xB] =	stream.linear.gather [hbm4b:s19+s5], $0x100, $0x38;
	[tilespmem:$0x1F800] =	vst v63  }
0x1b: {  	_ =	swait.ge [sflag:s26], $0x100  }
0x1c: {  	[sflag:s26] =	ssyncset.done $0x0  }
0x1d: {  	[sflag:s26] =	ssyncadd.s32 $0xFFFFFF00  }
0x1e: {  	[tilespmem:s21], [sflag:$0x1] =	stream.indirect.gather [hbm4b:s1+s20], $0x80, s5, s20, $0xb8;
	[tilespmem:$0x1F800] =	vst v63  }
0x1f: {  	s29 =	simm.s32 $0x80;
	s8 =	simm.s32 $0x3600;
	s14 =	simm.s32 $0xA  }
0x20: {  	[tilespmem:s8], [sflag:$0x1] =	stream.indirect.gather [hbm4b:s1+s20], $0x80, s29, s20, $0xb8;
	[tilespmem:$0x1F800] =	vst v63  }
0x21: {  	_ =	swait.ge [sflag:s14], $0x100  }
0x22: {  	[sflag:s14] =	ssyncset.done $0x0  }
0x23: {  	[sflag:s14] =	ssyncadd.s32 $0xFFFFFF00  }
0x24: {  	[tilespmem:s25], [sflag:$0x2] =	stream.indirect.gather [hbm4b:s1+s20], $0x80, s3, s20, $0xb8;
	[tilespmem:$0x1F800] =	vst v63  }
0x25: {  	s19 =	simm.s32 $0x180;
	s26 =	simm.s32 $0x9A00;
	s29 =	simm.s32 $0xD  }
0x26: {  	[tilespmem:s26], [sflag:$0x2] =	stream.indirect.gather [hbm4b:s1+s20], $0x80, s19, s20, $0xb8;
	[tilespmem:$0x1F800] =	vst v63  }
0x27: {  	_ =	swait.ge [sflag:s29], $0x6400  }
0x28: {  	[sflag:s29] =	ssyncset.done $0x0  }
0x29: {  	s14 =	simm.s32 $0x0;
	[sflag:s29] =	ssyncadd.s32 $0xFFFF9C00  }
.LBB2_2:
0x2a: {  	s19 =	sshll.u32 s14, $0x2  }
0x2b: {  	s8 =	sor.u32 s15, s19  }
0x2c: {  	s2 =	sshll.u32 s8, $0x5  }
0x2d: {  	p0 =	seq.s32 s14, $0x0;
	s2 =	sadd.s32 s7, s2  }
0x2e: {  	[tilespmem:s30], [sflag:$0xC] =	stream.linear.gather [hbm4b:s2+s5], $0x100, $0x38;
	[tilespmem:$0x1F800] =	vst v63  }
0x2f: {  	s2 =	simm.s32 @!p0 $0x7  }
0x30: {  	_ =	swait.ge @!p0 [sflag:s2], $0x6400  }
0x31: {  	[sflag:s2] =	ssyncset.done @!p0 $0x0  }
0x32: {  	[sflag:s2] =	ssyncadd.s32 @!p0 $0xFFFF9C00  }
0x33: {  	_ =	swait.ge [sflag:s31], $0x100  }
0x34: {  	[sflag:s31] =	ssyncset.done $0x0  }
0x35: {  	[sflag:s31] =	ssyncadd.s32 $0xFFFFFF00  }
0x36: {  	[tilespmem:s0], [sflag:$0x3] =	stream.indirect.gather [hbm4b:s1+s20], $0x80, s18, s20, $0xb8;
	[tilespmem:$0x1F800] =	vst v63  }
0x37: {  	s26 =	simm.s32 $0x280;
	s3 =	simm.s32 $0xFE00  }
0x38: {  	[tilespmem:s3], [sflag:$0x3] =	stream.indirect.gather [hbm4b:s1+s20], $0x80, s26, s20, $0xb8;
	[tilespmem:$0x1F800] =	vst v63  }
0x39: {  	_ =	swait.ge [sflag:s16], $0x3200  }
0x3a: {  	[sflag:s16] =	ssyncset.done $0x0  }
0x3b: {  	[sflag:s16] =	ssyncadd.s32 $0xFFFFCE00  }
0x3c: {  	_ =	swait.ge [sflag:s16], $0x3200  }
0x3d: {  	s29 =	sor.u32 $0x2, s19;
	[sflag:s16] =	ssyncset.done $0x0  }
0x3e: {  	s2 =	simm.s32 $0x0;
	s3 =	simm.s32 $0x800;
	[sflag:s16] =	ssyncadd.s32 $0xFFFFCE00  }
.LBB2_3:
0x3f: {  	p0 =	sne.s32 s3, $0x18800;
	v0 =	vld [tilespmem:s2+$0x195F0]  }
0x40: {  	v1 =	vld [tilespmem:s2+$0x19400]  }
0x41: {  	v2 =	vld [tilespmem:s2+$0x19410]  }
0x42: {  	v3 =	vld [tilespmem:s2+$0x19420]  }
0x43: {  	v4 =	vld [tilespmem:s2+$0x19430]  }
0x44: {  	[tilespmem:s2+$0x5F0] =	vst.add.f32.msk $0xffff, v0  }
0x45: {  	v0 =	vld [tilespmem:s2+$0x19440]  }
0x46: {  	v5 =	vld [tilespmem:s2+$0x19450]  }
0x47: {  	v6 =	vld [tilespmem:s2+$0x19460]  }
0x48: {  	v7 =	vld [tilespmem:s2+$0x19470]  }
0x49: {  	v8 =	vld [tilespmem:s2+$0x19480]  }
0x4a: {  	v9 =	vld [tilespmem:s2+$0x19490]  }
0x4b: {  	v10 =	vld [tilespmem:s2+$0x194A0]  }
0x4c: {  	v11 =	vld [tilespmem:s2+$0x194B0]  }
0x4d: {  	v12 =	vld [tilespmem:s2+$0x194C0]  }
0x4e: {  	v13 =	vld [tilespmem:s2+$0x194D0]  }
0x4f: {  	v14 =	vld [tilespmem:s2+$0x194E0]  }
0x50: {  	v15 =	vld [tilespmem:s2+$0x194F0]  }
0x51: {  	v16 =	vld [tilespmem:s2+$0x19500]  }
0x52: {  	v17 =	vld [tilespmem:s2+$0x19510]  }
0x53: {  	v18 =	vld [tilespmem:s2+$0x19520]  }
0x54: {  	v19 =	vld [tilespmem:s2+$0x19530]  }
0x55: {  	v20 =	vld [tilespmem:s2+$0x19540]  }
0x56: {  	v21 =	vld [tilespmem:s2+$0x19550]  }
0x57: {  	v22 =	vld [tilespmem:s2+$0x19560]  }
0x58: {  	v23 =	vld [tilespmem:s2+$0x19570]  }
0x59: {  	v24 =	vld [tilespmem:s2+$0x19580]  }
0x5a: {  	v25 =	vld [tilespmem:s2+$0x19590]  }
0x5b: {  	v26 =	vld [tilespmem:s2+$0x195A0]  }
0x5c: {  	v27 =	vld [tilespmem:s2+$0x195B0]  }
0x5d: {  	v28 =	vld [tilespmem:s2+$0x195C0]  }
0x5e: {  	v29 =	vld [tilespmem:s2+$0x195D0]  }
0x5f: {  	v30 =	vld [tilespmem:s2+$0x195E0]  }
0x60: {  	[tilespmem:s2+$0x400] =	vst.add.f32.msk $0xffff, v1  }
0x61: {  	[tilespmem:s2+$0x410] =	vst.add.f32.msk $0xffff, v2  }
0x62: {  	[tilespmem:s2+$0x420] =	vst.add.f32.msk $0xffff, v3  }
0x63: {  	[tilespmem:s2+$0x430] =	vst.add.f32.msk $0xffff, v4  }
0x64: {  	[tilespmem:s2+$0x440] =	vst.add.f32.msk $0xffff, v0  }
0x65: {  	[tilespmem:s2+$0x450] =	vst.add.f32.msk $0xffff, v5  }
0x66: {  	[tilespmem:s2+$0x460] =	vst.add.f32.msk $0xffff, v6  }
0x67: {  	[tilespmem:s2+$0x470] =	vst.add.f32.msk $0xffff, v7  }
0x68: {  	[tilespmem:s2+$0x480] =	vst.add.f32.msk $0xffff, v8  }
0x69: {  	[tilespmem:s2+$0x490] =	vst.add.f32.msk $0xffff, v9  }
0x6a: {  	[tilespmem:s2+$0x4A0] =	vst.add.f32.msk $0xffff, v10  }
0x6b: {  	[tilespmem:s2+$0x4B0] =	vst.add.f32.msk $0xffff, v11  }
0x6c: {  	[tilespmem:s2+$0x4C0] =	vst.add.f32.msk $0xffff, v12  }
0x6d: {  	[tilespmem:s2+$0x4D0] =	vst.add.f32.msk $0xffff, v13  }
0x6e: {  	[tilespmem:s2+$0x4E0] =	vst.add.f32.msk $0xffff, v14  }
0x6f: {  	[tilespmem:s2+$0x4F0] =	vst.add.f32.msk $0xffff, v15  }
0x70: {  	[tilespmem:s2+$0x500] =	vst.add.f32.msk $0xffff, v16  }
0x71: {  	[tilespmem:s2+$0x510] =	vst.add.f32.msk $0xffff, v17  }
0x72: {  	[tilespmem:s2+$0x520] =	vst.add.f32.msk $0xffff, v18  }
0x73: {  	[tilespmem:s2+$0x530] =	vst.add.f32.msk $0xffff, v19  }
0x74: {  	[tilespmem:s2+$0x540] =	vst.add.f32.msk $0xffff, v20  }
0x75: {  	[tilespmem:s2+$0x550] =	vst.add.f32.msk $0xffff, v21  }
0x76: {  	[tilespmem:s2+$0x560] =	vst.add.f32.msk $0xffff, v22  }
0x77: {  	[tilespmem:s2+$0x570] =	vst.add.f32.msk $0xffff, v23  }
0x78: {  	[tilespmem:s2+$0x580] =	vst.add.f32.msk $0xffff, v24  }
0x79: {  	[tilespmem:s2+$0x590] =	vst.add.f32.msk $0xffff, v25  }
.Ltmp0:
0x7a: {  	[tilespmem:s2+$0x5A0] =	vst.add.f32.msk $0xffff, v26;
	(pc) =	sbr.rel @p0 .LBB2_3-.Ltmp0, $4  }
0x7b: {  	[tilespmem:s2+$0x5B0] =	vst.add.f32.msk $0xffff, v27  }
0x7c: {  	[tilespmem:s2+$0x5C0] =	vst.add.f32.msk $0xffff, v28  }
0x7d: {  	[tilespmem:s2+$0x5D0] =	vst.add.f32.msk $0xffff, v29  }
0x7e: {  	[tilespmem:s2+$0x5E0] =	vst.add.f32.msk $0xffff, v30;
	s2 =	sshra.s32 s3, $0x2;
	s3 =	sadd.s32 $0x800, s3  }
0x7f: {  	v0 =	vld [tilespmem:s2+$0x195F0]  }
0x80: {  	v1 =	vld [tilespmem:s2+$0x19400]  }
0x81: {  	v2 =	vld [tilespmem:s2+$0x19410]  }
0x82: {  	v3 =	vld [tilespmem:s2+$0x19420]  }
0x83: {  	v4 =	vld [tilespmem:s2+$0x19430]  }
0x84: {  	v63 =	vld [tilespmem:s2+$0x19440]  }
0x85: {  	v5 =	vld [tilespmem:s2+$0x19450]  }
0x86: {  	v6 =	vld [tilespmem:s2+$0x19460]  }
0x87: {  	v7 =	vld [tilespmem:s2+$0x19470]  }
0x88: {  	v8 =	vld [tilespmem:s2+$0x19480]  }
0x89: {  	v9 =	vld [tilespmem:s2+$0x19490]  }
0x8a: {  	v10 =	vld [tilespmem:s2+$0x194A0]  }
0x8b: {  	v11 =	vld [tilespmem:s2+$0x194B0]  }
0x8c: {  	v12 =	vld [tilespmem:s2+$0x194C0]  }
0x8d: {  	v13 =	vld [tilespmem:s2+$0x194D0]  }
0x8e: {  	v14 =	vld [tilespmem:s2+$0x194E0]  }
0x8f: {  	v15 =	vld [tilespmem:s2+$0x194F0]  }
0x90: {  	v16 =	vld [tilespmem:s2+$0x19500]  }
0x91: {  	v17 =	vld [tilespmem:s2+$0x19510]  }
0x92: {  	v18 =	vld [tilespmem:s2+$0x19520]  }
0x93: {  	v19 =	vld [tilespmem:s2+$0x19530]  }
0x94: {  	v20 =	vld [tilespmem:s2+$0x19540]  }
0x95: {  	v21 =	vld [tilespmem:s2+$0x19550]  }
0x96: {  	v22 =	vld [tilespmem:s2+$0x19560]  }
0x97: {  	v23 =	vld [tilespmem:s2+$0x19570]  }
0x98: {  	v24 =	vld [tilespmem:s2+$0x19580]  }
0x99: {  	v25 =	vld [tilespmem:s2+$0x19590]  }
0x9a: {  	v26 =	vld [tilespmem:s2+$0x195A0]  }
0x9b: {  	v27 =	vld [tilespmem:s2+$0x195B0]  }
0x9c: {  	v28 =	vld [tilespmem:s2+$0x195C0]  }
0x9d: {  	v29 =	vld [tilespmem:s2+$0x195D0]  }
0x9e: {  	v30 =	vld [tilespmem:s2+$0x195E0]  }
0x9f: {  	[tilespmem:s2+$0x5F0] =	vst.add.f32.msk $0xffff, v0  }
0xa0: {  	[tilespmem:s2+$0x400] =	vst.add.f32.msk $0xffff, v1  }
0xa1: {  	[tilespmem:s2+$0x410] =	vst.add.f32.msk $0xffff, v2  }
0xa2: {  	[tilespmem:s2+$0x420] =	vst.add.f32.msk $0xffff, v3  }
0xa3: {  	[tilespmem:s2+$0x430] =	vst.add.f32.msk $0xffff, v4  }
0xa4: {  	[tilespmem:s2+$0x440] =	vst.add.f32.msk $0xffff, v63  }
0xa5: {  	[tilespmem:s2+$0x450] =	vst.add.f32.msk $0xffff, v5  }
0xa6: {  	[tilespmem:s2+$0x460] =	vst.add.f32.msk $0xffff, v6  }
0xa7: {  	[tilespmem:s2+$0x470] =	vst.add.f32.msk $0xffff, v7  }
0xa8: {  	[tilespmem:s2+$0x480] =	vst.add.f32.msk $0xffff, v8  }
0xa9: {  	[tilespmem:s2+$0x490] =	vst.add.f32.msk $0xffff, v9  }
0xaa: {  	[tilespmem:s2+$0x4A0] =	vst.add.f32.msk $0xffff, v10  }
0xab: {  	[tilespmem:s2+$0x4B0] =	vst.add.f32.msk $0xffff, v11  }
0xac: {  	[tilespmem:s2+$0x4C0] =	vst.add.f32.msk $0xffff, v12  }
0xad: {  	[tilespmem:s2+$0x4D0] =	vst.add.f32.msk $0xffff, v13  }
0xae: {  	[tilespmem:s2+$0x4E0] =	vst.add.f32.msk $0xffff, v14  }
0xaf: {  	[tilespmem:s2+$0x4F0] =	vst.add.f32.msk $0xffff, v15  }
0xb0: {  	[tilespmem:s2+$0x500] =	vst.add.f32.msk $0xffff, v16  }
0xb1: {  	[tilespmem:s2+$0x510] =	vst.add.f32.msk $0xffff, v17  }
0xb2: {  	[tilespmem:s2+$0x520] =	vst.add.f32.msk $0xffff, v18  }
0xb3: {  	[tilespmem:s2+$0x530] =	vst.add.f32.msk $0xffff, v19  }
0xb4: {  	[tilespmem:s2+$0x540] =	vst.add.f32.msk $0xffff, v20  }
0xb5: {  	[tilespmem:s2+$0x550] =	vst.add.f32.msk $0xffff, v21  }
0xb6: {  	[tilespmem:s2+$0x560] =	vst.add.f32.msk $0xffff, v22  }
0xb7: {  	[tilespmem:s2+$0x570] =	vst.add.f32.msk $0xffff, v23  }
0xb8: {  	[tilespmem:s2+$0x580] =	vst.add.f32.msk $0xffff, v24  }
0xb9: {  	[tilespmem:s2+$0x590] =	vst.add.f32.msk $0xffff, v25  }
0xba: {  	[tilespmem:s2+$0x5A0] =	vst.add.f32.msk $0xffff, v26  }
0xbb: {  	s3 =	sadd.s32 s6, s19;
	[tilespmem:s2+$0x5B0] =	vst.add.f32.msk $0xffff, v27  }
0xbc: {  	s3 =	smul.u32 $0xC80, s3;
	[tilespmem:s2+$0x5C0] =	vst.add.f32.msk $0xffff, v28  }
0xbd: {  	p0 =	seq.s32 s14, $0x1F;
	[tilespmem:s2+$0x5D0] =	vst.add.f32.msk $0xffff, v29  }
0xbe: {  	s3 =	sadd.s32 s4, s3;
	[tilespmem:s2+$0x5E0] =	vst.add.f32.msk $0xffff, v30;
	s2 =	sadd.s32 @!p0 s19, s11  }
0xbf: {  	[hbm4b:s3+s5] =	stream.linear.scatter [tilespmem:s21], [sflag:$0x5], $0x6400, $0x38;
	[tilespmem:$0x1F800] =	vst v63  }
0xc0: {  	p1 =	seq.s32 @!p0 s14, $0x0;
	s2 =	sshll.u32 @!p0 s2, $0x5  }
0xc1: {  	p1 =	por p0, !p1;
	s3 =	simm.s32 @!p0 $0x0;
	s2 =	sadd.s32 @!p0 s7, s2  }
0xc2: {  	[tilespmem:s3], [sflag:$0x9] =	stream.linear.gather @!p0 [hbm4b:s2+s3], $0x100, $0x38;
	[tilespmem:$0x1F800] =	vst v63  }
0xc3: {  	_ =	swait.ge @p1 [sflag:s24], $0x6400  }
0xc4: {  	[sflag:s24] =	ssyncset.done @p1 $0x0  }
0xc5: {  	[sflag:s24] =	ssyncadd.s32 @p1 $0xFFFF9C00  }
0xc6: {  	_ =	swait.ge [sflag:s22], $0x100  }
0xc7: {  	[sflag:s22] =	ssyncset.done $0x0  }
0xc8: {  	[sflag:s22] =	ssyncadd.s32 $0xFFFFFF00  }
0xc9: {  	[tilespmem:s23], [sflag:$0x4] =	stream.indirect.gather [hbm4b:s1+s20], $0x80, s30, s20, $0xb8;
	[tilespmem:$0x1F800] =	vst v63  }
0xca: {  	s26 =	simm.s32 $0x380  }
0xcb: {  	[tilespmem:s28], [sflag:$0x4] =	stream.indirect.gather [hbm4b:s1+s20], $0x80, s26, s20, $0xb8;
	[tilespmem:$0x1F800] =	vst v63  }
0xcc: {  	_ =	swait.ge [sflag:s17], $0x3200  }
0xcd: {  	[sflag:s17] =	ssyncset.done $0x0  }
0xce: {  	[sflag:s17] =	ssyncadd.s32 $0xFFFFCE00  }
0xcf: {  	_ =	swait.ge [sflag:s17], $0x3200  }
0xd0: {  	s2 =	sor.u32 $0x1, s19;
	[sflag:s17] =	ssyncset.done $0x0  }
0xd1: {  	s3 =	simm.s32 $0x0;
	s26 =	simm.s32 $0x800;
	[sflag:s17] =	ssyncadd.s32 $0xFFFFCE00  }
.LBB2_5:
0xd2: {  	p1 =	sne.s32 s26, $0x18800;
	v0 =	vld [tilespmem:s3+$0x195F0]  }
0xd3: {  	v1 =	vld [tilespmem:s3+$0x19400]  }
0xd4: {  	v2 =	vld [tilespmem:s3+$0x19410]  }
0xd5: {  	v3 =	vld [tilespmem:s3+$0x19420]  }
0xd6: {  	v4 =	vld [tilespmem:s3+$0x19430]  }
0xd7: {  	[tilespmem:s3+$0x69F0] =	vst.add.f32.msk $0xffff, v0  }
0xd8: {  	v0 =	vld [tilespmem:s3+$0x19440]  }
0xd9: {  	v5 =	vld [tilespmem:s3+$0x19450]  }
0xda: {  	v6 =	vld [tilespmem:s3+$0x19460]  }
0xdb: {  	v7 =	vld [tilespmem:s3+$0x19470]  }
0xdc: {  	v8 =	vld [tilespmem:s3+$0x19480]  }
0xdd: {  	v9 =	vld [tilespmem:s3+$0x19490]  }
0xde: {  	v10 =	vld [tilespmem:s3+$0x194A0]  }
0xdf: {  	v11 =	vld [tilespmem:s3+$0x194B0]  }
0xe0: {  	v12 =	vld [tilespmem:s3+$0x194C0]  }
0xe1: {  	v13 =	vld [tilespmem:s3+$0x194D0]  }
0xe2: {  	v14 =	vld [tilespmem:s3+$0x194E0]  }
0xe3: {  	v15 =	vld [tilespmem:s3+$0x194F0]  }
0xe4: {  	v16 =	vld [tilespmem:s3+$0x19500]  }
0xe5: {  	v17 =	vld [tilespmem:s3+$0x19510]  }
0xe6: {  	v18 =	vld [tilespmem:s3+$0x19520]  }
0xe7: {  	v19 =	vld [tilespmem:s3+$0x19530]  }
0xe8: {  	v20 =	vld [tilespmem:s3+$0x19540]  }
0xe9: {  	v21 =	vld [tilespmem:s3+$0x19550]  }
0xea: {  	v22 =	vld [tilespmem:s3+$0x19560]  }
0xeb: {  	v23 =	vld [tilespmem:s3+$0x19570]  }
0xec: {  	v24 =	vld [tilespmem:s3+$0x19580]  }
0xed: {  	v25 =	vld [tilespmem:s3+$0x19590]  }
0xee: {  	v26 =	vld [tilespmem:s3+$0x195A0]  }
0xef: {  	v27 =	vld [tilespmem:s3+$0x195B0]  }
0xf0: {  	v28 =	vld [tilespmem:s3+$0x195C0]  }
0xf1: {  	v29 =	vld [tilespmem:s3+$0x195D0]  }
0xf2: {  	v30 =	vld [tilespmem:s3+$0x195E0]  }
0xf3: {  	[tilespmem:s3+$0x6800] =	vst.add.f32.msk $0xffff, v1  }
0xf4: {  	[tilespmem:s3+$0x6810] =	vst.add.f32.msk $0xffff, v2  }
0xf5: {  	[tilespmem:s3+$0x6820] =	vst.add.f32.msk $0xffff, v3  }
0xf6: {  	[tilespmem:s3+$0x6830] =	vst.add.f32.msk $0xffff, v4  }
0xf7: {  	[tilespmem:s3+$0x6840] =	vst.add.f32.msk $0xffff, v0  }
0xf8: {  	[tilespmem:s3+$0x6850] =	vst.add.f32.msk $0xffff, v5  }
0xf9: {  	[tilespmem:s3+$0x6860] =	vst.add.f32.msk $0xffff, v6  }
0xfa: {  	[tilespmem:s3+$0x6870] =	vst.add.f32.msk $0xffff, v7  }
0xfb: {  	[tilespmem:s3+$0x6880] =	vst.add.f32.msk $0xffff, v8  }
0xfc: {  	[tilespmem:s3+$0x6890] =	vst.add.f32.msk $0xffff, v9  }
0xfd: {  	[tilespmem:s3+$0x68A0] =	vst.add.f32.msk $0xffff, v10  }
0xfe: {  	[tilespmem:s3+$0x68B0] =	vst.add.f32.msk $0xffff, v11  }
0xff: {  	[tilespmem:s3+$0x68C0] =	vst.add.f32.msk $0xffff, v12  }
0x100: {  	[tilespmem:s3+$0x68D0] =	vst.add.f32.msk $0xffff, v13  }
0x101: {  	[tilespmem:s3+$0x68E0] =	vst.add.f32.msk $0xffff, v14  }
0x102: {  	[tilespmem:s3+$0x68F0] =	vst.add.f32.msk $0xffff, v15  }
0x103: {  	[tilespmem:s3+$0x6900] =	vst.add.f32.msk $0xffff, v16  }
0x104: {  	[tilespmem:s3+$0x6910] =	vst.add.f32.msk $0xffff, v17  }
0x105: {  	[tilespmem:s3+$0x6920] =	vst.add.f32.msk $0xffff, v18  }
0x106: {  	[tilespmem:s3+$0x6930] =	vst.add.f32.msk $0xffff, v19  }
0x107: {  	[tilespmem:s3+$0x6940] =	vst.add.f32.msk $0xffff, v20  }
0x108: {  	[tilespmem:s3+$0x6950] =	vst.add.f32.msk $0xffff, v21  }
0x109: {  	[tilespmem:s3+$0x6960] =	vst.add.f32.msk $0xffff, v22  }
0x10a: {  	[tilespmem:s3+$0x6970] =	vst.add.f32.msk $0xffff, v23  }
0x10b: {  	[tilespmem:s3+$0x6980] =	vst.add.f32.msk $0xffff, v24  }
0x10c: {  	[tilespmem:s3+$0x6990] =	vst.add.f32.msk $0xffff, v25  }
.Ltmp1:
0x10d: {  	[tilespmem:s3+$0x69A0] =	vst.add.f32.msk $0xffff, v26;
	(pc) =	sbr.rel @p1 .LBB2_5-.Ltmp1, $4  }
0x10e: {  	[tilespmem:s3+$0x69B0] =	vst.add.f32.msk $0xffff, v27  }
0x10f: {  	[tilespmem:s3+$0x69C0] =	vst.add.f32.msk $0xffff, v28  }
0x110: {  	[tilespmem:s3+$0x69D0] =	vst.add.f32.msk $0xffff, v29  }
0x111: {  	[tilespmem:s3+$0x69E0] =	vst.add.f32.msk $0xffff, v30;
	s3 =	sshra.s32 s26, $0x2;
	s26 =	sadd.s32 $0x800, s26  }
0x112: {  	v0 =	vld [tilespmem:s3+$0x195F0]  }
0x113: {  	v1 =	vld [tilespmem:s3+$0x19400]  }
0x114: {  	v2 =	vld [tilespmem:s3+$0x19410]  }
0x115: {  	v3 =	vld [tilespmem:s3+$0x19420]  }
0x116: {  	v4 =	vld [tilespmem:s3+$0x19430]  }
0x117: {  	v63 =	vld [tilespmem:s3+$0x19440]  }
0x118: {  	v5 =	vld [tilespmem:s3+$0x19450]  }
0x119: {  	v6 =	vld [tilespmem:s3+$0x19460]  }
0x11a: {  	v7 =	vld [tilespmem:s3+$0x19470]  }
0x11b: {  	v8 =	vld [tilespmem:s3+$0x19480]  }
0x11c: {  	v9 =	vld [tilespmem:s3+$0x19490]  }
0x11d: {  	v10 =	vld [tilespmem:s3+$0x194A0]  }
0x11e: {  	v11 =	vld [tilespmem:s3+$0x194B0]  }
0x11f: {  	v12 =	vld [tilespmem:s3+$0x194C0]  }
0x120: {  	v13 =	vld [tilespmem:s3+$0x194D0]  }
0x121: {  	v14 =	vld [tilespmem:s3+$0x194E0]  }
0x122: {  	v15 =	vld [tilespmem:s3+$0x194F0]  }
0x123: {  	v16 =	vld [tilespmem:s3+$0x19500]  }
0x124: {  	v17 =	vld [tilespmem:s3+$0x19510]  }
0x125: {  	v18 =	vld [tilespmem:s3+$0x19520]  }
0x126: {  	v19 =	vld [tilespmem:s3+$0x19530]  }
0x127: {  	v20 =	vld [tilespmem:s3+$0x19540]  }
0x128: {  	v21 =	vld [tilespmem:s3+$0x19550]  }
0x129: {  	v22 =	vld [tilespmem:s3+$0x19560]  }
0x12a: {  	v23 =	vld [tilespmem:s3+$0x19570]  }
0x12b: {  	v24 =	vld [tilespmem:s3+$0x19580]  }
0x12c: {  	v25 =	vld [tilespmem:s3+$0x19590]  }
0x12d: {  	v26 =	vld [tilespmem:s3+$0x195A0]  }
0x12e: {  	v27 =	vld [tilespmem:s3+$0x195B0]  }
0x12f: {  	v28 =	vld [tilespmem:s3+$0x195C0]  }
0x130: {  	v29 =	vld [tilespmem:s3+$0x195D0]  }
0x131: {  	v30 =	vld [tilespmem:s3+$0x195E0]  }
0x132: {  	[tilespmem:s3+$0x69F0] =	vst.add.f32.msk $0xffff, v0  }
0x133: {  	[tilespmem:s3+$0x6800] =	vst.add.f32.msk $0xffff, v1  }
0x134: {  	[tilespmem:s3+$0x6810] =	vst.add.f32.msk $0xffff, v2  }
0x135: {  	[tilespmem:s3+$0x6820] =	vst.add.f32.msk $0xffff, v3  }
0x136: {  	[tilespmem:s3+$0x6830] =	vst.add.f32.msk $0xffff, v4  }
0x137: {  	[tilespmem:s3+$0x6840] =	vst.add.f32.msk $0xffff, v63  }
0x138: {  	[tilespmem:s3+$0x6850] =	vst.add.f32.msk $0xffff, v5  }
0x139: {  	[tilespmem:s3+$0x6860] =	vst.add.f32.msk $0xffff, v6  }
0x13a: {  	[tilespmem:s3+$0x6870] =	vst.add.f32.msk $0xffff, v7  }
0x13b: {  	[tilespmem:s3+$0x6880] =	vst.add.f32.msk $0xffff, v8  }
0x13c: {  	[tilespmem:s3+$0x6890] =	vst.add.f32.msk $0xffff, v9  }
0x13d: {  	[tilespmem:s3+$0x68A0] =	vst.add.f32.msk $0xffff, v10  }
0x13e: {  	[tilespmem:s3+$0x68B0] =	vst.add.f32.msk $0xffff, v11  }
0x13f: {  	[tilespmem:s3+$0x68C0] =	vst.add.f32.msk $0xffff, v12  }
0x140: {  	[tilespmem:s3+$0x68D0] =	vst.add.f32.msk $0xffff, v13  }
0x141: {  	[tilespmem:s3+$0x68E0] =	vst.add.f32.msk $0xffff, v14  }
0x142: {  	[tilespmem:s3+$0x68F0] =	vst.add.f32.msk $0xffff, v15  }
0x143: {  	[tilespmem:s3+$0x6900] =	vst.add.f32.msk $0xffff, v16  }
0x144: {  	[tilespmem:s3+$0x6910] =	vst.add.f32.msk $0xffff, v17  }
0x145: {  	[tilespmem:s3+$0x6920] =	vst.add.f32.msk $0xffff, v18  }
0x146: {  	[tilespmem:s3+$0x6930] =	vst.add.f32.msk $0xffff, v19  }
0x147: {  	[tilespmem:s3+$0x6940] =	vst.add.f32.msk $0xffff, v20  }
0x148: {  	[tilespmem:s3+$0x6950] =	vst.add.f32.msk $0xffff, v21  }
0x149: {  	[tilespmem:s3+$0x6960] =	vst.add.f32.msk $0xffff, v22  }
0x14a: {  	[tilespmem:s3+$0x6970] =	vst.add.f32.msk $0xffff, v23  }
0x14b: {  	[tilespmem:s3+$0x6980] =	vst.add.f32.msk $0xffff, v24  }
0x14c: {  	[tilespmem:s3+$0x6990] =	vst.add.f32.msk $0xffff, v25  }
0x14d: {  	[tilespmem:s3+$0x69A0] =	vst.add.f32.msk $0xffff, v26  }
0x14e: {  	s2 =	sadd.s32 s6, s2;
	[tilespmem:s3+$0x69B0] =	vst.add.f32.msk $0xffff, v27  }
0x14f: {  	s2 =	smul.u32 $0xC80, s2;
	[tilespmem:s3+$0x69C0] =	vst.add.f32.msk $0xffff, v28  }
0x150: {  	[tilespmem:s3+$0x69D0] =	vst.add.f32.msk $0xffff, v29  }
0x151: {  	s2 =	sadd.s32 s4, s2;
	[tilespmem:s3+$0x69E0] =	vst.add.f32.msk $0xffff, v30  }
0x152: {  	[hbm4b:s2+s5] =	stream.linear.scatter [tilespmem:s25], [sflag:$0x6], $0x6400, $0x38;
	[tilespmem:$0x1F800] =	vst v63  }
0x153: {  	s2 =	sadd.s32 @!p0 s19, s12  }
0x154: {  	s2 =	sshll.u32 @!p0 s2, $0x5  }
0x155: {  	s26 =	simm.s32 @!p0 $0x100;
	s3 =	simm.s32 @!p0 $0x0;
	s2 =	sadd.s32 @!p0 s7, s2  }
0x156: {  	[tilespmem:s26], [sflag:$0xA] =	stream.linear.gather @!p0 [hbm4b:s2+s3], $0x100, $0x38;
	[tilespmem:$0x1F800] =	vst v63  }
0x157: {  	s2 =	simm.s32 @!p0 $0x5  }
0x158: {  	_ =	swait.ge @!p0 [sflag:s2], $0x6400  }
0x159: {  	[sflag:s2] =	ssyncset.done @!p0 $0x0  }
0x15a: {  	[sflag:s2] =	ssyncadd.s32 @!p0 $0xFFFF9C00;
	s2 =	simm.s32 @!p0 $0x9  }
0x15b: {  	_ =	swait.ge @!p0 [sflag:s2], $0x100  }
0x15c: {  	[sflag:s2] =	ssyncset.done @!p0 $0x0  }
0x15d: {  	s26 =	simm.s32 @!p0 $0x400;
	[sflag:s2] =	ssyncadd.s32 @!p0 $0xFFFFFF00;
	s2 =	simm.s32 @!p0 $0x64  }
0x15e: {  	[tilespmem:s26], [sflag:$0x1] =	stream.indirect.gather @!p0 [hbm4b:s1+s2], $0x80, s3, s2, $0xb8;
	[tilespmem:$0x1F800] =	vst v63  }
0x15f: {  	s3 =	simm.s32 @!p0 $0x80;
	s26 =	simm.s32 @!p0 $0x3600  }
0x160: {  	[tilespmem:s26], [sflag:$0x1] =	stream.indirect.gather @!p0 [hbm4b:s1+s2], $0x80, s3, s2, $0xb8;
	[tilespmem:$0x1F800] =	vst v63  }
0x161: {  	_ =	swait.ge [sflag:s9], $0x3200  }
0x162: {  	[sflag:s9] =	ssyncset.done $0x0  }
0x163: {  	[sflag:s9] =	ssyncadd.s32 $0xFFFFCE00  }
0x164: {  	_ =	swait.ge [sflag:s9], $0x3200  }
0x165: {  	[sflag:s9] =	ssyncset.done $0x0  }
0x166: {  	s2 =	simm.s32 $0x0;
	s3 =	simm.s32 $0x800;
	[sflag:s9] =	ssyncadd.s32 $0xFFFFCE00  }
.LBB2_7:
0x167: {  	p1 =	sne.s32 s3, $0x18800;
	v0 =	vld [tilespmem:s2+$0x195F0]  }
0x168: {  	v1 =	vld [tilespmem:s2+$0x19400]  }
0x169: {  	v2 =	vld [tilespmem:s2+$0x19410]  }
0x16a: {  	v3 =	vld [tilespmem:s2+$0x19420]  }
0x16b: {  	v4 =	vld [tilespmem:s2+$0x19430]  }
0x16c: {  	[tilespmem:s2+$0xCDF0] =	vst.add.f32.msk $0xffff, v0  }
0x16d: {  	v0 =	vld [tilespmem:s2+$0x19440]  }
0x16e: {  	v5 =	vld [tilespmem:s2+$0x19450]  }
0x16f: {  	v6 =	vld [tilespmem:s2+$0x19460]  }
0x170: {  	v7 =	vld [tilespmem:s2+$0x19470]  }
0x171: {  	v8 =	vld [tilespmem:s2+$0x19480]  }
0x172: {  	v9 =	vld [tilespmem:s2+$0x19490]  }
0x173: {  	v10 =	vld [tilespmem:s2+$0x194A0]  }
0x174: {  	v11 =	vld [tilespmem:s2+$0x194B0]  }
0x175: {  	v12 =	vld [tilespmem:s2+$0x194C0]  }
0x176: {  	v13 =	vld [tilespmem:s2+$0x194D0]  }
0x177: {  	v14 =	vld [tilespmem:s2+$0x194E0]  }
0x178: {  	v15 =	vld [tilespmem:s2+$0x194F0]  }
0x179: {  	v16 =	vld [tilespmem:s2+$0x19500]  }
0x17a: {  	v17 =	vld [tilespmem:s2+$0x19510]  }
0x17b: {  	v18 =	vld [tilespmem:s2+$0x19520]  }
0x17c: {  	v19 =	vld [tilespmem:s2+$0x19530]  }
0x17d: {  	v20 =	vld [tilespmem:s2+$0x19540]  }
0x17e: {  	v21 =	vld [tilespmem:s2+$0x19550]  }
0x17f: {  	v22 =	vld [tilespmem:s2+$0x19560]  }
0x180: {  	v23 =	vld [tilespmem:s2+$0x19570]  }
0x181: {  	v24 =	vld [tilespmem:s2+$0x19580]  }
0x182: {  	v25 =	vld [tilespmem:s2+$0x19590]  }
0x183: {  	v26 =	vld [tilespmem:s2+$0x195A0]  }
0x184: {  	v27 =	vld [tilespmem:s2+$0x195B0]  }
0x185: {  	v28 =	vld [tilespmem:s2+$0x195C0]  }
0x186: {  	v29 =	vld [tilespmem:s2+$0x195D0]  }
0x187: {  	v30 =	vld [tilespmem:s2+$0x195E0]  }
0x188: {  	[tilespmem:s2+$0xCC00] =	vst.add.f32.msk $0xffff, v1  }
0x189: {  	[tilespmem:s2+$0xCC10] =	vst.add.f32.msk $0xffff, v2  }
0x18a: {  	[tilespmem:s2+$0xCC20] =	vst.add.f32.msk $0xffff, v3  }
0x18b: {  	[tilespmem:s2+$0xCC30] =	vst.add.f32.msk $0xffff, v4  }
0x18c: {  	[tilespmem:s2+$0xCC40] =	vst.add.f32.msk $0xffff, v0  }
0x18d: {  	[tilespmem:s2+$0xCC50] =	vst.add.f32.msk $0xffff, v5  }
0x18e: {  	[tilespmem:s2+$0xCC60] =	vst.add.f32.msk $0xffff, v6  }
0x18f: {  	[tilespmem:s2+$0xCC70] =	vst.add.f32.msk $0xffff, v7  }
0x190: {  	[tilespmem:s2+$0xCC80] =	vst.add.f32.msk $0xffff, v8  }
0x191: {  	[tilespmem:s2+$0xCC90] =	vst.add.f32.msk $0xffff, v9  }
0x192: {  	[tilespmem:s2+$0xCCA0] =	vst.add.f32.msk $0xffff, v10  }
0x193: {  	[tilespmem:s2+$0xCCB0] =	vst.add.f32.msk $0xffff, v11  }
0x194: {  	[tilespmem:s2+$0xCCC0] =	vst.add.f32.msk $0xffff, v12  }
0x195: {  	[tilespmem:s2+$0xCCD0] =	vst.add.f32.msk $0xffff, v13  }
0x196: {  	[tilespmem:s2+$0xCCE0] =	vst.add.f32.msk $0xffff, v14  }
0x197: {  	[tilespmem:s2+$0xCCF0] =	vst.add.f32.msk $0xffff, v15  }
0x198: {  	[tilespmem:s2+$0xCD00] =	vst.add.f32.msk $0xffff, v16  }
0x199: {  	[tilespmem:s2+$0xCD10] =	vst.add.f32.msk $0xffff, v17  }
0x19a: {  	[tilespmem:s2+$0xCD20] =	vst.add.f32.msk $0xffff, v18  }
0x19b: {  	[tilespmem:s2+$0xCD30] =	vst.add.f32.msk $0xffff, v19  }
0x19c: {  	[tilespmem:s2+$0xCD40] =	vst.add.f32.msk $0xffff, v20  }
0x19d: {  	[tilespmem:s2+$0xCD50] =	vst.add.f32.msk $0xffff, v21  }
0x19e: {  	[tilespmem:s2+$0xCD60] =	vst.add.f32.msk $0xffff, v22  }
0x19f: {  	[tilespmem:s2+$0xCD70] =	vst.add.f32.msk $0xffff, v23  }
0x1a0: {  	[tilespmem:s2+$0xCD80] =	vst.add.f32.msk $0xffff, v24  }
0x1a1: {  	[tilespmem:s2+$0xCD90] =	vst.add.f32.msk $0xffff, v25  }
.Ltmp2:
0x1a2: {  	[tilespmem:s2+$0xCDA0] =	vst.add.f32.msk $0xffff, v26;
	(pc) =	sbr.rel @p1 .LBB2_7-.Ltmp2, $4  }
0x1a3: {  	[tilespmem:s2+$0xCDB0] =	vst.add.f32.msk $0xffff, v27  }
0x1a4: {  	[tilespmem:s2+$0xCDC0] =	vst.add.f32.msk $0xffff, v28  }
0x1a5: {  	[tilespmem:s2+$0xCDD0] =	vst.add.f32.msk $0xffff, v29  }
0x1a6: {  	[tilespmem:s2+$0xCDE0] =	vst.add.f32.msk $0xffff, v30;
	s2 =	sshra.s32 s3, $0x2;
	s3 =	sadd.s32 $0x800, s3  }
0x1a7: {  	v0 =	vld [tilespmem:s2+$0x195F0]  }
0x1a8: {  	v1 =	vld [tilespmem:s2+$0x19400]  }
0x1a9: {  	v2 =	vld [tilespmem:s2+$0x19410]  }
0x1aa: {  	v3 =	vld [tilespmem:s2+$0x19420]  }
0x1ab: {  	v4 =	vld [tilespmem:s2+$0x19430]  }
0x1ac: {  	v63 =	vld [tilespmem:s2+$0x19440]  }
0x1ad: {  	v5 =	vld [tilespmem:s2+$0x19450]  }
0x1ae: {  	v6 =	vld [tilespmem:s2+$0x19460]  }
0x1af: {  	v7 =	vld [tilespmem:s2+$0x19470]  }
0x1b0: {  	v8 =	vld [tilespmem:s2+$0x19480]  }
0x1b1: {  	v9 =	vld [tilespmem:s2+$0x19490]  }
0x1b2: {  	v10 =	vld [tilespmem:s2+$0x194A0]  }
0x1b3: {  	v11 =	vld [tilespmem:s2+$0x194B0]  }
0x1b4: {  	v12 =	vld [tilespmem:s2+$0x194C0]  }
0x1b5: {  	v13 =	vld [tilespmem:s2+$0x194D0]  }
0x1b6: {  	v14 =	vld [tilespmem:s2+$0x194E0]  }
0x1b7: {  	v15 =	vld [tilespmem:s2+$0x194F0]  }
0x1b8: {  	v16 =	vld [tilespmem:s2+$0x19500]  }
0x1b9: {  	v17 =	vld [tilespmem:s2+$0x19510]  }
0x1ba: {  	v18 =	vld [tilespmem:s2+$0x19520]  }
0x1bb: {  	v19 =	vld [tilespmem:s2+$0x19530]  }
0x1bc: {  	v20 =	vld [tilespmem:s2+$0x19540]  }
0x1bd: {  	v21 =	vld [tilespmem:s2+$0x19550]  }
0x1be: {  	v22 =	vld [tilespmem:s2+$0x19560]  }
0x1bf: {  	v23 =	vld [tilespmem:s2+$0x19570]  }
0x1c0: {  	v24 =	vld [tilespmem:s2+$0x19580]  }
0x1c1: {  	v25 =	vld [tilespmem:s2+$0x19590]  }
0x1c2: {  	v26 =	vld [tilespmem:s2+$0x195A0]  }
0x1c3: {  	v27 =	vld [tilespmem:s2+$0x195B0]  }
0x1c4: {  	v28 =	vld [tilespmem:s2+$0x195C0]  }
0x1c5: {  	v29 =	vld [tilespmem:s2+$0x195D0]  }
0x1c6: {  	v30 =	vld [tilespmem:s2+$0x195E0]  }
0x1c7: {  	[tilespmem:s2+$0xCDF0] =	vst.add.f32.msk $0xffff, v0  }
0x1c8: {  	[tilespmem:s2+$0xCC00] =	vst.add.f32.msk $0xffff, v1  }
0x1c9: {  	[tilespmem:s2+$0xCC10] =	vst.add.f32.msk $0xffff, v2  }
0x1ca: {  	[tilespmem:s2+$0xCC20] =	vst.add.f32.msk $0xffff, v3  }
0x1cb: {  	[tilespmem:s2+$0xCC30] =	vst.add.f32.msk $0xffff, v4  }
0x1cc: {  	[tilespmem:s2+$0xCC40] =	vst.add.f32.msk $0xffff, v63  }
0x1cd: {  	[tilespmem:s2+$0xCC50] =	vst.add.f32.msk $0xffff, v5  }
0x1ce: {  	[tilespmem:s2+$0xCC60] =	vst.add.f32.msk $0xffff, v6  }
0x1cf: {  	[tilespmem:s2+$0xCC70] =	vst.add.f32.msk $0xffff, v7  }
0x1d0: {  	[tilespmem:s2+$0xCC80] =	vst.add.f32.msk $0xffff, v8  }
0x1d1: {  	[tilespmem:s2+$0xCC90] =	vst.add.f32.msk $0xffff, v9  }
0x1d2: {  	[tilespmem:s2+$0xCCA0] =	vst.add.f32.msk $0xffff, v10  }
0x1d3: {  	[tilespmem:s2+$0xCCB0] =	vst.add.f32.msk $0xffff, v11  }
0x1d4: {  	[tilespmem:s2+$0xCCC0] =	vst.add.f32.msk $0xffff, v12  }
0x1d5: {  	[tilespmem:s2+$0xCCD0] =	vst.add.f32.msk $0xffff, v13  }
0x1d6: {  	[tilespmem:s2+$0xCCE0] =	vst.add.f32.msk $0xffff, v14  }
0x1d7: {  	[tilespmem:s2+$0xCCF0] =	vst.add.f32.msk $0xffff, v15  }
0x1d8: {  	[tilespmem:s2+$0xCD00] =	vst.add.f32.msk $0xffff, v16  }
0x1d9: {  	[tilespmem:s2+$0xCD10] =	vst.add.f32.msk $0xffff, v17  }
0x1da: {  	[tilespmem:s2+$0xCD20] =	vst.add.f32.msk $0xffff, v18  }
0x1db: {  	[tilespmem:s2+$0xCD30] =	vst.add.f32.msk $0xffff, v19  }
0x1dc: {  	[tilespmem:s2+$0xCD40] =	vst.add.f32.msk $0xffff, v20  }
0x1dd: {  	[tilespmem:s2+$0xCD50] =	vst.add.f32.msk $0xffff, v21  }
0x1de: {  	[tilespmem:s2+$0xCD60] =	vst.add.f32.msk $0xffff, v22  }
0x1df: {  	[tilespmem:s2+$0xCD70] =	vst.add.f32.msk $0xffff, v23  }
0x1e0: {  	[tilespmem:s2+$0xCD80] =	vst.add.f32.msk $0xffff, v24  }
0x1e1: {  	[tilespmem:s2+$0xCD90] =	vst.add.f32.msk $0xffff, v25  }
0x1e2: {  	[tilespmem:s2+$0xCDA0] =	vst.add.f32.msk $0xffff, v26  }
0x1e3: {  	s3 =	sadd.s32 s6, s29;
	[tilespmem:s2+$0xCDB0] =	vst.add.f32.msk $0xffff, v27  }
0x1e4: {  	s3 =	smul.u32 $0xC80, s3;
	[tilespmem:s2+$0xCDC0] =	vst.add.f32.msk $0xffff, v28  }
0x1e5: {  	[tilespmem:s2+$0xCDD0] =	vst.add.f32.msk $0xffff, v29  }
0x1e6: {  	s29 =	sadd.s32 s4, s3;
	[tilespmem:s2+$0xCDE0] =	vst.add.f32.msk $0xffff, v30;
	s2 =	sadd.s32 @!p0 s19, s13  }
0x1e7: {  	[hbm4b:s29+s5] =	stream.linear.scatter [tilespmem:s0], [sflag:$0x7], $0x6400, $0x38;
	[tilespmem:$0x1F800] =	vst v63  }
0x1e8: {  	s2 =	sshll.u32 @!p0 s2, $0x5  }
0x1e9: {  	s3 =	simm.s32 @!p0 $0x0;
	s19 =	simm.s32 @!p0 $0x200;
	s2 =	sadd.s32 @!p0 s7, s2  }
0x1ea: {  	[tilespmem:s19], [sflag:$0xB] =	stream.linear.gather @!p0 [hbm4b:s2+s3], $0x100, $0x38;
	[tilespmem:$0x1F800] =	vst v63  }
0x1eb: {  	s2 =	simm.s32 @!p0 $0x6  }
0x1ec: {  	_ =	swait.ge @!p0 [sflag:s2], $0x6400  }
0x1ed: {  	[sflag:s2] =	ssyncset.done @!p0 $0x0  }
0x1ee: {  	[sflag:s2] =	ssyncadd.s32 @!p0 $0xFFFF9C00;
	s2 =	simm.s32 @!p0 $0xA  }
0x1ef: {  	_ =	swait.ge @!p0 [sflag:s2], $0x100  }
0x1f0: {  	s3 =	simm.s32 @!p0 $0x100;
	[sflag:s2] =	ssyncset.done @!p0 $0x0  }
0x1f1: {  	s19 =	simm.s32 @!p0 $0x6800;
	[sflag:s2] =	ssyncadd.s32 @!p0 $0xFFFFFF00;
	s2 =	simm.s32 @!p0 $0x64  }
0x1f2: {  	[tilespmem:s19], [sflag:$0x2] =	stream.indirect.gather @!p0 [hbm4b:s1+s2], $0x80, s3, s2, $0xb8;
	[tilespmem:$0x1F800] =	vst v63  }
0x1f3: {  	s3 =	simm.s32 @!p0 $0x180;
	s19 =	simm.s32 @!p0 $0x9A00  }
0x1f4: {  	[tilespmem:s19], [sflag:$0x2] =	stream.indirect.gather @!p0 [hbm4b:s1+s2], $0x80, s3, s2, $0xb8;
	[tilespmem:$0x1F800] =	vst v63  }
0x1f5: {  	_ =	swait.ge [sflag:s10], $0x3200  }
0x1f6: {  	[sflag:s10] =	ssyncset.done $0x0  }
0x1f7: {  	[sflag:s10] =	ssyncadd.s32 $0xFFFFCE00  }
0x1f8: {  	_ =	swait.ge [sflag:s10], $0x3200  }
0x1f9: {  	[sflag:s10] =	ssyncset.done $0x0  }
0x1fa: {  	s2 =	simm.s32 $0x0;
	s3 =	simm.s32 $0x800;
	[sflag:s10] =	ssyncadd.s32 $0xFFFFCE00  }
.LBB2_9:
0x1fb: {  	p0 =	sne.s32 s3, $0x18800;
	v0 =	vld [tilespmem:s2+$0x195F0]  }
0x1fc: {  	v1 =	vld [tilespmem:s2+$0x19400]  }
0x1fd: {  	v2 =	vld [tilespmem:s2+$0x19410]  }
0x1fe: {  	v3 =	vld [tilespmem:s2+$0x19420]  }
0x1ff: {  	v4 =	vld [tilespmem:s2+$0x19430]  }
0x200: {  	[tilespmem:s2+$0x131F0] =	vst.add.f32.msk $0xffff, v0  }
0x201: {  	v0 =	vld [tilespmem:s2+$0x19440]  }
0x202: {  	v5 =	vld [tilespmem:s2+$0x19450]  }
0x203: {  	v6 =	vld [tilespmem:s2+$0x19460]  }
0x204: {  	v7 =	vld [tilespmem:s2+$0x19470]  }
0x205: {  	v8 =	vld [tilespmem:s2+$0x19480]  }
0x206: {  	v9 =	vld [tilespmem:s2+$0x19490]  }
0x207: {  	v10 =	vld [tilespmem:s2+$0x194A0]  }
0x208: {  	v11 =	vld [tilespmem:s2+$0x194B0]  }
0x209: {  	v12 =	vld [tilespmem:s2+$0x194C0]  }
0x20a: {  	v13 =	vld [tilespmem:s2+$0x194D0]  }
0x20b: {  	v14 =	vld [tilespmem:s2+$0x194E0]  }
0x20c: {  	v15 =	vld [tilespmem:s2+$0x194F0]  }
0x20d: {  	v16 =	vld [tilespmem:s2+$0x19500]  }
0x20e: {  	v17 =	vld [tilespmem:s2+$0x19510]  }
0x20f: {  	v18 =	vld [tilespmem:s2+$0x19520]  }
0x210: {  	v19 =	vld [tilespmem:s2+$0x19530]  }
0x211: {  	v20 =	vld [tilespmem:s2+$0x19540]  }
0x212: {  	v21 =	vld [tilespmem:s2+$0x19550]  }
0x213: {  	v22 =	vld [tilespmem:s2+$0x19560]  }
0x214: {  	v23 =	vld [tilespmem:s2+$0x19570]  }
0x215: {  	v24 =	vld [tilespmem:s2+$0x19580]  }
0x216: {  	v25 =	vld [tilespmem:s2+$0x19590]  }
0x217: {  	v26 =	vld [tilespmem:s2+$0x195A0]  }
0x218: {  	v27 =	vld [tilespmem:s2+$0x195B0]  }
0x219: {  	v28 =	vld [tilespmem:s2+$0x195C0]  }
0x21a: {  	v29 =	vld [tilespmem:s2+$0x195D0]  }
0x21b: {  	v30 =	vld [tilespmem:s2+$0x195E0]  }
0x21c: {  	[tilespmem:s2+$0x13000] =	vst.add.f32.msk $0xffff, v1  }
0x21d: {  	[tilespmem:s2+$0x13010] =	vst.add.f32.msk $0xffff, v2  }
0x21e: {  	[tilespmem:s2+$0x13020] =	vst.add.f32.msk $0xffff, v3  }
0x21f: {  	[tilespmem:s2+$0x13030] =	vst.add.f32.msk $0xffff, v4  }
0x220: {  	[tilespmem:s2+$0x13040] =	vst.add.f32.msk $0xffff, v0  }
0x221: {  	[tilespmem:s2+$0x13050] =	vst.add.f32.msk $0xffff, v5  }
0x222: {  	[tilespmem:s2+$0x13060] =	vst.add.f32.msk $0xffff, v6  }
0x223: {  	[tilespmem:s2+$0x13070] =	vst.add.f32.msk $0xffff, v7  }
0x224: {  	[tilespmem:s2+$0x13080] =	vst.add.f32.msk $0xffff, v8  }
0x225: {  	[tilespmem:s2+$0x13090] =	vst.add.f32.msk $0xffff, v9  }
0x226: {  	[tilespmem:s2+$0x130A0] =	vst.add.f32.msk $0xffff, v10  }
0x227: {  	[tilespmem:s2+$0x130B0] =	vst.add.f32.msk $0xffff, v11  }
0x228: {  	[tilespmem:s2+$0x130C0] =	vst.add.f32.msk $0xffff, v12  }
0x229: {  	[tilespmem:s2+$0x130D0] =	vst.add.f32.msk $0xffff, v13  }
0x22a: {  	[tilespmem:s2+$0x130E0] =	vst.add.f32.msk $0xffff, v14  }
0x22b: {  	[tilespmem:s2+$0x130F0] =	vst.add.f32.msk $0xffff, v15  }
0x22c: {  	[tilespmem:s2+$0x13100] =	vst.add.f32.msk $0xffff, v16  }
0x22d: {  	[tilespmem:s2+$0x13110] =	vst.add.f32.msk $0xffff, v17  }
0x22e: {  	[tilespmem:s2+$0x13120] =	vst.add.f32.msk $0xffff, v18  }
0x22f: {  	[tilespmem:s2+$0x13130] =	vst.add.f32.msk $0xffff, v19  }
0x230: {  	[tilespmem:s2+$0x13140] =	vst.add.f32.msk $0xffff, v20  }
0x231: {  	[tilespmem:s2+$0x13150] =	vst.add.f32.msk $0xffff, v21  }
0x232: {  	[tilespmem:s2+$0x13160] =	vst.add.f32.msk $0xffff, v22  }
0x233: {  	[tilespmem:s2+$0x13170] =	vst.add.f32.msk $0xffff, v23  }
0x234: {  	[tilespmem:s2+$0x13180] =	vst.add.f32.msk $0xffff, v24  }
0x235: {  	[tilespmem:s2+$0x13190] =	vst.add.f32.msk $0xffff, v25  }
.Ltmp3:
0x236: {  	[tilespmem:s2+$0x131A0] =	vst.add.f32.msk $0xffff, v26;
	(pc) =	sbr.rel @p0 .LBB2_9-.Ltmp3, $4  }
0x237: {  	[tilespmem:s2+$0x131B0] =	vst.add.f32.msk $0xffff, v27  }
0x238: {  	[tilespmem:s2+$0x131C0] =	vst.add.f32.msk $0xffff, v28  }
0x239: {  	[tilespmem:s2+$0x131D0] =	vst.add.f32.msk $0xffff, v29  }
0x23a: {  	[tilespmem:s2+$0x131E0] =	vst.add.f32.msk $0xffff, v30;
	s2 =	sshra.s32 s3, $0x2;
	s3 =	sadd.s32 $0x800, s3  }
0x23b: {  	v0 =	vld [tilespmem:s2+$0x195F0]  }
0x23c: {  	v1 =	vld [tilespmem:s2+$0x19400]  }
0x23d: {  	v2 =	vld [tilespmem:s2+$0x19410]  }
0x23e: {  	v3 =	vld [tilespmem:s2+$0x19420]  }
0x23f: {  	v4 =	vld [tilespmem:s2+$0x19430]  }
0x240: {  	v63 =	vld [tilespmem:s2+$0x19440]  }
0x241: {  	v5 =	vld [tilespmem:s2+$0x19450]  }
0x242: {  	v6 =	vld [tilespmem:s2+$0x19460]  }
0x243: {  	v7 =	vld [tilespmem:s2+$0x19470]  }
0x244: {  	v8 =	vld [tilespmem:s2+$0x19480]  }
0x245: {  	v9 =	vld [tilespmem:s2+$0x19490]  }
0x246: {  	v10 =	vld [tilespmem:s2+$0x194A0]  }
0x247: {  	v11 =	vld [tilespmem:s2+$0x194B0]  }
0x248: {  	v12 =	vld [tilespmem:s2+$0x194C0]  }
0x249: {  	v13 =	vld [tilespmem:s2+$0x194D0]  }
0x24a: {  	v14 =	vld [tilespmem:s2+$0x194E0]  }
0x24b: {  	v15 =	vld [tilespmem:s2+$0x194F0]  }
0x24c: {  	v16 =	vld [tilespmem:s2+$0x19500]  }
0x24d: {  	v17 =	vld [tilespmem:s2+$0x19510]  }
0x24e: {  	v18 =	vld [tilespmem:s2+$0x19520]  }
0x24f: {  	v19 =	vld [tilespmem:s2+$0x19530]  }
0x250: {  	v20 =	vld [tilespmem:s2+$0x19540]  }
0x251: {  	v21 =	vld [tilespmem:s2+$0x19550]  }
0x252: {  	v22 =	vld [tilespmem:s2+$0x19560]  }
0x253: {  	v23 =	vld [tilespmem:s2+$0x19570]  }
0x254: {  	v24 =	vld [tilespmem:s2+$0x19580]  }
0x255: {  	v25 =	vld [tilespmem:s2+$0x19590]  }
0x256: {  	v26 =	vld [tilespmem:s2+$0x195A0]  }
0x257: {  	v27 =	vld [tilespmem:s2+$0x195B0]  }
0x258: {  	v28 =	vld [tilespmem:s2+$0x195C0]  }
0x259: {  	v29 =	vld [tilespmem:s2+$0x195D0]  }
0x25a: {  	v30 =	vld [tilespmem:s2+$0x195E0]  }
0x25b: {  	[tilespmem:s2+$0x131F0] =	vst.add.f32.msk $0xffff, v0  }
0x25c: {  	[tilespmem:s2+$0x13000] =	vst.add.f32.msk $0xffff, v1  }
0x25d: {  	[tilespmem:s2+$0x13010] =	vst.add.f32.msk $0xffff, v2  }
0x25e: {  	[tilespmem:s2+$0x13020] =	vst.add.f32.msk $0xffff, v3  }
0x25f: {  	[tilespmem:s2+$0x13030] =	vst.add.f32.msk $0xffff, v4  }
0x260: {  	[tilespmem:s2+$0x13040] =	vst.add.f32.msk $0xffff, v63  }
0x261: {  	[tilespmem:s2+$0x13050] =	vst.add.f32.msk $0xffff, v5  }
0x262: {  	[tilespmem:s2+$0x13060] =	vst.add.f32.msk $0xffff, v6  }
0x263: {  	[tilespmem:s2+$0x13070] =	vst.add.f32.msk $0xffff, v7  }
0x264: {  	[tilespmem:s2+$0x13080] =	vst.add.f32.msk $0xffff, v8  }
0x265: {  	[tilespmem:s2+$0x13090] =	vst.add.f32.msk $0xffff, v9  }
0x266: {  	[tilespmem:s2+$0x130A0] =	vst.add.f32.msk $0xffff, v10  }
0x267: {  	[tilespmem:s2+$0x130B0] =	vst.add.f32.msk $0xffff, v11  }
0x268: {  	[tilespmem:s2+$0x130C0] =	vst.add.f32.msk $0xffff, v12  }
0x269: {  	[tilespmem:s2+$0x130D0] =	vst.add.f32.msk $0xffff, v13  }
0x26a: {  	[tilespmem:s2+$0x130E0] =	vst.add.f32.msk $0xffff, v14  }
0x26b: {  	[tilespmem:s2+$0x130F0] =	vst.add.f32.msk $0xffff, v15  }
0x26c: {  	[tilespmem:s2+$0x13100] =	vst.add.f32.msk $0xffff, v16  }
0x26d: {  	[tilespmem:s2+$0x13110] =	vst.add.f32.msk $0xffff, v17  }
0x26e: {  	[tilespmem:s2+$0x13120] =	vst.add.f32.msk $0xffff, v18  }
0x26f: {  	[tilespmem:s2+$0x13130] =	vst.add.f32.msk $0xffff, v19  }
0x270: {  	[tilespmem:s2+$0x13140] =	vst.add.f32.msk $0xffff, v20  }
0x271: {  	[tilespmem:s2+$0x13150] =	vst.add.f32.msk $0xffff, v21  }
0x272: {  	[tilespmem:s2+$0x13160] =	vst.add.f32.msk $0xffff, v22  }
0x273: {  	[tilespmem:s2+$0x13170] =	vst.add.f32.msk $0xffff, v23  }
0x274: {  	[tilespmem:s2+$0x13180] =	vst.add.f32.msk $0xffff, v24  }
0x275: {  	s14 =	sadd.s32 $0x1, s14;
	[tilespmem:s2+$0x13190] =	vst.add.f32.msk $0xffff, v25  }
0x276: {  	p0 =	sne.s32 s14, $0x20;
	[tilespmem:s2+$0x131A0] =	vst.add.f32.msk $0xffff, v26  }
.Ltmp4:
0x277: {  	[tilespmem:s2+$0x131B0] =	vst.add.f32.msk $0xffff, v27;
	(pc) =	sbr.rel @p0 .LBB2_2-.Ltmp4, $4  }
0x278: {  	s3 =	smul.u32 $0xC80, s8;
	[tilespmem:s2+$0x131C0] =	vst.add.f32.msk $0xffff, v28  }
0x279: {  	[tilespmem:s2+$0x131D0] =	vst.add.f32.msk $0xffff, v29  }
0x27a: {  	s29 =	sadd.s32 s4, s3;
	[tilespmem:s2+$0x131E0] =	vst.add.f32.msk $0xffff, v30  }
0x27b: {  	[hbm4b:s29+s5] =	stream.linear.scatter [tilespmem:s23], [sflag:$0x8], $0x6400, $0x38;
	[tilespmem:$0x1F800] =	vst v63  }
0x27c: {  	s2 =	simm.s32 $0x5  }
0x27d: {  	_ =	swait.ge [sflag:s2], $0x6400  }
0x27e: {  	[sflag:s2] =	ssyncset.done $0x0  }
0x27f: {  	s19 =	simm.s32 $0x6;
	[sflag:s2] =	ssyncadd.s32 $0xFFFF9C00  }
0x280: {  	_ =	swait.ge [sflag:s19], $0x6400  }
0x281: {  	[sflag:s19] =	ssyncset.done $0x0  }
0x282: {  	s26 =	simm.s32 $0x7;
	[sflag:s19] =	ssyncadd.s32 $0xFFFF9C00  }
0x283: {  	_ =	swait.ge [sflag:s26], $0x6400  }
0x284: {  	[sflag:s26] =	ssyncset.done $0x0  }
0x285: {  	[sflag:s26] =	ssyncadd.s32 $0xFFFF9C00  }
0x286: {  	_ =	swait.ge [sflag:s24], $0x6400  }
0x287: {  	s3 =	rddreg [dreg:$0x9]  }
0x288: {  	s29 =	rddreg [dreg:$0x8];
	s3 =	sadd.s32 $0x1, s3  }
0x289: {  	p0 =	sne.s32 s3, s29  }
.Ltmp5:
0x28a: {  	_ = 	snop;
	(pc) =	sbr.rel @p0 .LBB2_1-.Ltmp5, $3  }
0x28b: {  	_ =	sdelay $0x1  }
0x28c: {  	[sflag:s24] =	ssyncset.done $0x0  }
0x28d: {  	[sflag:s24] =	ssyncadd.s32 $0xFFFF9C00  }
0x28e: {  	_ =	sfence.sel $0x180000  }
0x28f: {  	[bflag:$0x0] =	sbarrier.arrive $0xFFFF  }
0x290: {  	_ =	strace $0x90000047  }
0x291: {  	s0 =	stileid.u32;
	[bflag:$0x2] =	sbarrier.arrive $0xFFFF  }
0x292: {  	p0 =	sne.s32 s0, $0x0;
	s0 =	rddreg [dreg:$0x4]  }
0x293: {  	s0 =	sadd.s32 @!p0 $0x100000, s0  }
0x294: {  	[sflag:s0] =	ssyncadd.tile.s32 @!p0 $0x1;
	_ =	shalt  }
.Lfunc_end2:
_tile_overlayer_lowered:
.L_overlay_start_2:
0x295: {  	(tag) =	ssettag $0x2  }
0x296: {  	s0 =	rddreg [dreg:$0x0];
	s2 =	stileid.u32  }
0x297: {  	s1 =	rddreg [dreg:$0x1];
	p0 =	sne.s32 s2, $0x0  }
0x298: {  	s3 =	rddreg [dreg:$0x2];
	[bflag:$0x3] =	sbarrier.arrive $0xFFFF;
	s2 =	simm.s32 @!p0 $0x1C0E  }
0x299: {  	[timem:s3], [sflag:s2] =	dma.local @!p0 [hbm:s0], s1  }
0x29a: {  	s0 =	simm.s32 @!p0 $0xE  }
0x29b: {  	_ =	swait.ge @!p0 [sflag:s0], s1  }
0x29c: {  	s1 =	ssub.s32 @!p0 $0x0, s1;
	[sflag:s0] =	ssyncset.done @!p0 $0x0  }
0x29d: {  	[sflag:s0] =	ssyncadd.s32 @!p0 s1  }
0x29e: {  	[bflag:$0x3] =	sbarrier.arrive $0xFFFF  }
0x29f: {  	_ =	shalt  }

</sc_bundles>
